<compile_context>
chip_gen: v7x
topology: tpu7x:2x2x1
jax: 0.10.2.dev20260603
libtpu: 0.0.44.dev20260713+nightly
codegen_flags: <defaults>
</compile_context>

<pallas_src>
import functools

import jax
import jax.numpy as jnp
from jax import lax
from jax.experimental import pallas as pl
from jax.experimental.pallas import tpu as pltpu
from jax.experimental.pallas import tpu_sc as plsc

_BATCH = 4096
_VOCAB = 100000
_DIM = 64
_L = 16

_NC = 2
_NS = 16
_NW = _NC * _NS
_BPW = _BATCH // _NW

_BLK = 128
_MAIN_BLKS = _VOCAB // _BLK
_TAIL_LO = _MAIN_BLKS * _BLK
_TAIL_N = _VOCAB - _TAIL_LO
_BPT = 25
_MAX_START = _MAIN_BLKS - _BPT
_NSUB = 5
_SUBW = _BPT * _BLK // _NSUB
_SUBP = _SUBW + 8
_RING = 16
_NVEC = _BATCH // _L
_HCAP = _BATCH + _L

_mesh = plsc.VectorSubcoreMesh(core_axis_name="c", subcore_axis_name="s")


def _scalar(x):
    return x if getattr(x, "ndim", 0) == 0 else x[0]


def _lane_pick(vec, lane_mask):
    return jnp.sum(jnp.where(lane_mask, vec, 0))


@functools.partial(
    pl.kernel,
    mesh=_mesh,
    out_type=jax.ShapeDtypeStruct((_BATCH * _BLK,), jnp.float32),
    scratch_types=[
        pltpu.VMEM((_DIM, _SUBP), jnp.float32),
        pltpu.VMEM((_DIM, _SUBP), jnp.float32),
        pltpu.VMEM((_DIM, _BLK + 8), jnp.float32),
        pltpu.VMEM((_BATCH,), jnp.int32),
        pltpu.VMEM((_HCAP,), jnp.int32),
        pltpu.VMEM((_HCAP,), jnp.int32),
        pltpu.VMEM((_RING * _BLK,), jnp.float32),
        pltpu.SemaphoreType.DMA,
        pltpu.SemaphoreType.DMA,
        pltpu.SemaphoreType.DMA,
        pltpu.SemaphoreType.DMA,
    ],
    compiler_params=pltpu.CompilerParams(needs_layout_passes=False),
)
def _gather_k1(constt_hbm, idx_hbm, tailt_hbm, slots_hbm, sub_a, sub_b,
               tail_v, allidx_v, hit_rb, tl_rb, stage_v,
               sem_fa, sem_fb, sem_slot, sem_misc):
    wid = lax.axis_index("s") * _NC + lax.axis_index("c")
    start_blk = jnp.minimum(wid * _BPT, _MAX_START)
    start_lane = pl.multiple_of(start_blk * _BLK, _BLK)

    def fill(k):
        buf = sub_a if k % 2 == 0 else sub_b
        sem = sem_fa if k % 2 == 0 else sem_fb
        lo_k = pl.multiple_of(start_lane + k * _SUBW, _BLK)
        return pltpu.async_copy(
            constt_hbm.at[:, pl.ds(lo_k, _SUBW)],
            buf.at[:, pl.ds(0, _SUBW)], sem)

    fills = [fill(0), fill(1)]

    pltpu.sync_copy(idx_hbm, allidx_v)
    cp_t = pltpu.async_copy(
        tailt_hbm, tail_v.at[:, pl.ds(0, _BLK)], sem_misc)

    lanes = lax.iota(jnp.int32, _L)

    lo_all = start_lane
    hi_all = start_lane + _BPT * _BLK

    def scan_vec(v, carry):
        lc, tc = carry
        vec = allidx_v[pl.ds(v * _L, _L)]
        bvec = v * _L + lanes
        m = (vec >= lo_all) & (vec < hi_all)
        packed = vec * 4096 + bvec
        plsc.store_compressed(hit_rb.at[pl.ds(lc, _L)], packed, mask=m)
        lc = lc + _scalar(plsc.all_reduce_population_count(m))
        mt = vec >= _TAIL_LO
        tpacked = (vec - _TAIL_LO) * 4096 + bvec
        plsc.store_compressed(tl_rb.at[pl.ds(tc, _L)], tpacked, mask=mt)
        tc = tc + _scalar(plsc.all_reduce_population_count(mt))
        return lc, tc

    n_hits, n_tail = lax.fori_loop(
        0, _NVEC, scan_vec, (jnp.int32(0), jnp.int32(0)))

    def emit_column(buf, rloc, b, nd):
        @pl.when(nd >= _RING)
        def _():
            pltpu.make_async_copy(
                slots_hbm.at[pl.ds(0, _BLK)],
                stage_v.at[pl.ds(0, _BLK)], sem_slot).wait()
        slot = (nd & (_RING - 1)) * _BLK
        col = jnp.zeros((_L,), jnp.int32) + rloc
        for j in range(_DIM // _L):
            crow = j * _L + lanes
            stage_v[pl.ds(slot + j * _L, _L)] = plsc.load_gather(
                buf, [crow, col])
        pltpu.async_copy(
            stage_v.at[pl.ds(pl.multiple_of(slot, _BLK), _BLK)],
            slots_hbm.at[pl.ds(pl.multiple_of(b * _BLK, _BLK), _BLK)],
            sem_slot)
        return nd + 1

    def hit_loop(rvec, bvec, m0, nd, buf, lo):
        def cond(carry):
            m, _ = carry
            return _scalar(plsc.all_reduce_population_count(m)) > 0

        def body(carry):
            m, nd2 = carry
            l = _scalar(plsc.all_reduce_ffs(m))
            lm = lanes == l
            r = _lane_pick(rvec, lm)
            b = _lane_pick(bvec, lm)
            nd2 = emit_column(buf, r - lo, b, nd2)
            return m & ~lm, nd2

        _, nd = lax.while_loop(cond, body, (m0, nd))
        return nd

    n_dma = jnp.int32(0)
    hv_bound = lax.div(n_hits + _L - 1, jnp.int32(_L))

    for k in range(_NSUB):
        buf = sub_a if k % 2 == 0 else sub_b
        fills[k].wait()
        lo_k = start_lane + k * _SUBW

        def hvec_body(h, nd, _buf=buf, _lo=lo_k):
            pvec = hit_rb[pl.ds(h * _L, _L)]
            rvec = lax.shift_right_logical(pvec, 12)
            bvec = pvec & 4095
            valid = (h * _L + lanes) < n_hits
            m0 = valid & (rvec >= _lo) & (rvec < _lo + _SUBW)
            return hit_loop(rvec, bvec, m0, nd, _buf, _lo)

        n_dma = lax.fori_loop(0, hv_bound, hvec_body, n_dma)
        if k + 2 < _NSUB:
            fills.append(fill(k + 2))

    cp_t.wait()
    tv_bound = lax.div(n_tail + _L - 1, jnp.int32(_L))

    def tail_body(h, nd):
        pvec = tl_rb[pl.ds(h * _L, _L)]
        rvec = lax.shift_right_logical(pvec, 12)
        bvec = pvec & 4095
        m0 = (h * _L + lanes) < n_tail
        return hit_loop(rvec, bvec, m0, nd, tail_v, 0)

    n_dma = lax.fori_loop(0, tv_bound, tail_body, n_dma)

    def drain(i, carry):
        pltpu.make_async_copy(
            slots_hbm.at[pl.ds(0, _BLK)],
            stage_v.at[pl.ds(0, _BLK)], sem_slot).wait()
        return carry

    lax.fori_loop(0, jnp.minimum(n_dma, _RING), drain, 0)


@functools.partial(
    pl.kernel,
    mesh=_mesh,
    out_type=jax.ShapeDtypeStruct((_DIM, _BATCH), jnp.float32),
    scratch_types=[
        pltpu.VMEM((_BPW * _BLK,), jnp.float32),
        pltpu.VMEM((_DIM, _BPW + 8), jnp.float32),
        pltpu.VMEM((_DIM, _BPW + 8), jnp.float32),
        pltpu.SemaphoreType.DMA,
        pltpu.SemaphoreType.DMA,
    ],
    compiler_params=pltpu.CompilerParams(needs_layout_passes=False),
)
def _apply_k2(slots_hbm, xt_hbm, outt_hbm, slot_v, xt_v, out_v,
              sem_a, sem_b):
    wid = lax.axis_index("s") * _NC + lax.axis_index("c")
    base = wid * _BPW
    cp_s = pltpu.async_copy(
        slots_hbm.at[pl.ds(pl.multiple_of(base * _BLK, _BLK), _BPW * _BLK)],
        slot_v, sem_a)
    cp_x = pltpu.async_copy(
        xt_hbm.at[:, pl.ds(base, _BPW)],
        xt_v.at[:, pl.ds(0, _BPW)], sem_b)
    cp_s.wait()
    cp_x.wait()

    lanes = lax.iota(jnp.int32, _L)
    rows128_g = [(g * _L + lanes) * _BLK for g in range(_BPW // _L)]

    def cbody(c, carry):
        for g in range(_BPW // _L):
            gath = plsc.load_gather(slot_v, [rows128_g[g] + c])
            sl = pl.ds(g * _L, _L)
            out_v[c, sl] = gath + xt_v[c, sl]
        return carry

    lax.fori_loop(0, _DIM, cbody, 0)

    pltpu.sync_copy(out_v.at[:, pl.ds(0, _BPW)],
                    outt_hbm.at[:, pl.ds(base, _BPW)])


def kernel(x, const, indices):
    constt = const.T
    tailt = jnp.pad(constt[:, _TAIL_LO:], ((0, 0), (0, _BLK - _TAIL_N)))
    idx32 = indices.astype(jnp.int32)
    slots = _gather_k1(constt, idx32, tailt)
    outt = _apply_k2(slots, x.T)
    return outt.T

# --- scband reference (transcript-rebuilt; emitter-appended) ---
"""Pipeline reference for scband-const-representation-get-index-net-5016521802138 (READ-ONLY COPY).

The authoritative reference and input builder live on the scoring server;
editing this copy changes nothing except your own understanding.
"""

import jax, jax.numpy as jnp
import numpy as np

BATCH = 4096
VOCAB = 100000
DIM = 64


def setup_inputs(seed: int = 0) -> dict:
    key = jax.random.key(seed)
    k1, k2, k3 = jax.random.split(key, 3)
    x = jax.random.normal(k1, (BATCH, DIM), dtype=jnp.float32)
    const = jax.random.normal(k2, (VOCAB, DIM), dtype=jnp.float32)
    indices = jax.random.randint(k3, (BATCH,), 0, VOCAB, dtype=jnp.int64 if jax.config.jax_enable_x64 else jnp.int32)
    return {"x": x, "const": const, "indices": indices}


def reference(x, const, indices):
    # ConstRepresentationGetIndexNet.forward:
    #   const_gathered = self.const[self.indices]   (embedding-style gather)
    #   return self.layer(x, const_gathered)        (layer == elementwise add)
    const_gathered = jnp.take(const, indices, axis=0)
    return x + const_gathered

if __name__ == "__main__":
    import jax
    _d = setup_inputs()
    print(jax.jit(kernel)(*tuple(_d.values())))

</pallas_src>

<mosaic_0001>
#map = affine_map<(d0, d1) -> (0, 0)>
#map1 = affine_map<(d0, d1) -> (0)>
module attributes {stable_mosaic.version = 14 : i64} {
  func.func @_gather_k1(%arg0: i32, %arg1: i32, %arg2: memref<64x100000xf32, #tpu.memory_space<hbm>>, %arg3: memref<4096xi32, #tpu.memory_space<hbm>>, %arg4: memref<64x128xf32, #tpu.memory_space<hbm>>, %arg5: memref<524288xf32, #tpu.memory_space<hbm>>, %arg6: memref<64x648xf32, #tpu.memory_space<vmem>>, %arg7: memref<64x648xf32, #tpu.memory_space<vmem>>, %arg8: memref<64x136xf32, #tpu.memory_space<vmem>>, %arg9: memref<4096xi32, #tpu.memory_space<vmem>>, %arg10: memref<4112xi32, #tpu.memory_space<vmem>>, %arg11: memref<4112xi32, #tpu.memory_space<vmem>>, %arg12: memref<2048xf32, #tpu.memory_space<vmem>>, %arg13: memref<!tpu.dma_semaphore, #tpu.memory_space<semaphore_mem>>, %arg14: memref<!tpu.dma_semaphore, #tpu.memory_space<semaphore_mem>>, %arg15: memref<!tpu.dma_semaphore, #tpu.memory_space<semaphore_mem>>, %arg16: memref<!tpu.dma_semaphore, #tpu.memory_space<semaphore_mem>>) attributes {dimension_semantics = [#tpu.dimension_semantics<core_parallel>, #tpu.dimension_semantics<subcore_parallel>], iteration_bounds = array<i64: 2, 16>, scalar_prefetch = 0 : i64, scratch_operands = 11 : i64, tpu.core_type = #tpu.core_type<sc_vector_subcore>, window_params = [{transform_indices = #map}, {transform_indices = #map1}, {transform_indices = #map}, {transform_indices = #map1}]} {
    %mul3A = arith.constant 2 : i32
    %mul3A_0 = arith.muli %arg1, %mul3A : i32
    %add3A = arith.addi %mul3A_0, %arg0 : i32
    %mul3A_1 = arith.constant 25 : i32
    %mul3A_2 = arith.muli %add3A, %mul3A_1 : i32
    %min3A = arith.constant 756 : i32
    %min3A_3 = arith.minsi %mul3A_2, %min3A : i32
    %mul3A_4 = arith.constant 128 : i32
    %mul3A_5 = arith.muli %min3A_3, %mul3A_4 : i32
    %multiple_of3A = tpu.assume_multiple %mul3A_5, 128 : i32
    %add3A_6 = arith.constant 0 : i32
    %add3A_7 = arith.addi %multiple_of3A, %add3A_6 : i32
    %multiple_of3A_8 = tpu.assume_multiple %add3A_7, 128 : i32
    %dma_start3A = arith.constant 0 : i32
    %dma_start3A_9 = arith.constant 0 : i32
    %dma_start3A_10 = tpu.memref_slice %arg6[%dma_start3A, %dma_start3A_9] : memref<64x648xf32, #tpu.memory_space<vmem>> -> memref<64x640xf32, #tpu.memory_space<vmem>>
    %dma_start3A_11 = arith.constant 0 : i32
    %dma_start3A_12 = tpu.memref_slice %arg2[%dma_start3A_11, %multiple_of3A_8] : memref<64x100000xf32, #tpu.memory_space<hbm>> -> memref<64x640xf32, #tpu.memory_space<hbm>>
    %dma_start3A_13 = arith.constant 0 : i32
    %dma_start3A_14 = arith.constant 0 : i32
    %dma_start3A_15 = tpu.memref_slice %arg6[%dma_start3A_13, %dma_start3A_14] : memref<64x648xf32, #tpu.memory_space<vmem>> -> memref<64x640xf32, #tpu.memory_space<vmem>>
    %dma_start3A_16 = arith.constant 0 : i32
    %dma_start3A_17 = tpu.memref_slice %arg2[%dma_start3A_16, %multiple_of3A_8] : memref<64x100000xf32, #tpu.memory_space<hbm>> -> memref<64x640xf32, #tpu.memory_space<hbm>>
    tpu.enqueue_dma source(%dma_start3A_17 : memref<64x640xf32, #tpu.memory_space<hbm>>) target(%dma_start3A_15 : memref<64x640xf32, #tpu.memory_space<vmem>>) target_semaphore(%arg13 : memref<!tpu.dma_semaphore, #tpu.memory_space<semaphore_mem>>)
    %add3A_18 = arith.constant 640 : i32
    %add3A_19 = arith.addi %multiple_of3A, %add3A_18 : i32
    %multiple_of3A_20 = tpu.assume_multiple %add3A_19, 128 : i32
    %dma_start3A_21 = arith.constant 0 : i32
    %dma_start3A_22 = arith.constant 0 : i32
    %dma_start3A_23 = tpu.memref_slice %arg7[%dma_start3A_21, %dma_start3A_22] : memref<64x648xf32, #tpu.memory_space<vmem>> -> memref<64x640xf32, #tpu.memory_space<vmem>>
    %dma_start3A_24 = arith.constant 0 : i32
    %dma_start3A_25 = tpu.memref_slice %arg2[%dma_start3A_24, %multiple_of3A_20] : memref<64x100000xf32, #tpu.memory_space<hbm>> -> memref<64x640xf32, #tpu.memory_space<hbm>>
    %dma_start3A_26 = arith.constant 0 : i32
    %dma_start3A_27 = arith.constant 0 : i32
    %dma_start3A_28 = tpu.memref_slice %arg7[%dma_start3A_26, %dma_start3A_27] : memref<64x648xf32, #tpu.memory_space<vmem>> -> memref<64x640xf32, #tpu.memory_space<vmem>>
    %dma_start3A_29 = arith.constant 0 : i32
    %dma_start3A_30 = tpu.memref_slice %arg2[%dma_start3A_29, %multiple_of3A_20] : memref<64x100000xf32, #tpu.memory_space<hbm>> -> memref<64x640xf32, #tpu.memory_space<hbm>>
    tpu.enqueue_dma source(%dma_start3A_30 : memref<64x640xf32, #tpu.memory_space<hbm>>) target(%dma_start3A_28 : memref<64x640xf32, #tpu.memory_space<vmem>>) target_semaphore(%arg14 : memref<!tpu.dma_semaphore, #tpu.memory_space<semaphore_mem>>)
    "tpu.region"() ({
      %run_scoped3A = tpu.sem_alloc : memref<!tpu.dma_semaphore, #tpu.memory_space<semaphore_mem>>
      tpu.enqueue_dma source(%arg3 : memref<4096xi32, #tpu.memory_space<hbm>>) target(%arg9 : memref<4096xi32, #tpu.memory_space<vmem>>) target_semaphore(%run_scoped3A : memref<!tpu.dma_semaphore, #tpu.memory_space<semaphore_mem>>)
      tpu.wait_dma2 semaphore(%run_scoped3A : memref<!tpu.dma_semaphore, #tpu.memory_space<semaphore_mem>>) src(%arg3 : memref<4096xi32, #tpu.memory_space<hbm>>) dst(%arg9 : memref<4096xi32, #tpu.memory_space<vmem>>)
      tpu.yield
    }) : () -> ()
    %dma_start3A_31 = arith.constant 0 : i32
    %dma_start3A_32 = arith.constant 0 : i32
    %dma_start3A_33 = tpu.memref_slice %arg8[%dma_start3A_31, %dma_start3A_32] : memref<64x136xf32, #tpu.memory_space<vmem>> -> memref<64x128xf32, #tpu.memory_space<vmem>>
    %dma_start3A_34 = arith.constant 0 : i32
    %dma_start3A_35 = arith.constant 0 : i32
    %dma_start3A_36 = tpu.memref_slice %arg8[%dma_start3A_34, %dma_start3A_35] : memref<64x136xf32, #tpu.memory_space<vmem>> -> memref<64x128xf32, #tpu.memory_space<vmem>>
    tpu.enqueue_dma source(%arg4 : memref<64x128xf32, #tpu.memory_space<hbm>>) target(%dma_start3A_36 : memref<64x128xf32, #tpu.memory_space<vmem>>) target_semaphore(%arg16 : memref<!tpu.dma_semaphore, #tpu.memory_space<semaphore_mem>>)
    %iota3A = tpu.iota {dimensions = array<i32: 0>} : vector<16xi32>
    %add3A_37 = arith.constant 3200 : i32
    %add3A_38 = arith.addi %multiple_of3A, %add3A_37 : i32
    %scan3A = arith.constant 0 : i32
    %scan3A_39 = arith.constant 0 : i32
    %scan3A_40 = arith.constant 0 : i32
    %scan3A_41 = arith.constant 256 : i32
    %scan3A_42 = arith.addi %scan3A_40, %scan3A_41 : i32
    %scan3A_43 = arith.constant 1 : i32
    %scan3A_44:2 = scf.for %scan3A_238 = %scan3A_40 to %scan3A_42 step %scan3A_43 iter_args(%scan3A_239 = %scan3A, %scan3A_240 = %scan3A_39) -> (i32, i32)  : i32 {
      %mul3A_241 = arith.constant 16 : i32
      %mul3A_242 = arith.muli %scan3A_238, %mul3A_241 : i32
      %get3A = arith.index_cast %mul3A_242 : i32 to index
      %get3A_243 = tpu.vector_load %arg9[%get3A] {strides = array<i32>} : memref<4096xi32, #tpu.memory_space<vmem>>, vector<16xi32>,
      %mul3A_244 = arith.constant 16 : i32
      %mul3A_245 = arith.muli %scan3A_238, %mul3A_244 : i32
      %add3A_246 = vector.broadcast %mul3A_245 : i32 to vector<16xi32>
      %add3A_247 = arith.addi %add3A_246, %iota3A : vector<16xi32>
      %ge3A = vector.broadcast %multiple_of3A : i32 to vector<16xi32>
      %ge3A_248 = arith.cmpi sge, %get3A_243, %ge3A : vector<16xi32>
      %lt3A = vector.broadcast %add3A_38 : i32 to vector<16xi32>
      %lt3A_249 = arith.cmpi slt, %get3A_243, %lt3A : vector<16xi32>
      %and3A = arith.andi %ge3A_248, %lt3A_249 : vector<16xi1>
      %mul3A_250 = arith.constant 4096 : i32
      %mul3A_251 = vector.broadcast %mul3A_250 : i32 to vector<16xi32>
      %mul3A_252 = arith.muli %get3A_243, %mul3A_251 : vector<16xi32>
      %add3A_253 = arith.addi %mul3A_252, %add3A_247 : vector<16xi32>
      %swap3A = arith.index_cast %scan3A_239 : i32 to index
      %swap3A_254 = tpu.vector_load %arg10[%swap3A] masked %and3A {strides = array<i32>} : memref<4112xi32, #tpu.memory_space<vmem>>, vector<16xi32>, vector<16xi1>
      tpu.vector_store %arg10[%swap3A], %add3A_253 masked %and3A {strides = array<i32>} : memref<4112xi32, #tpu.memory_space<vmem>>, vector<16xi32>, vector<16xi1>
      %all_reduce_population_count3A = tpu.all_reduce %and3A {dim = 0 : i64, kind = #tpu.reduction_kind<sum>} : vector<16xi1> -> vector<16xi32>
      %slice3A = vector.extract_strided_slice %all_reduce_population_count3A {offsets = [0], sizes = [1], strides = [1]} : vector<16xi32> to vector<1xi32>
      %squeeze3A = vector.extract %slice3A[0] : i32 from vector<1xi32>
      %add3A_255 = arith.addi %scan3A_239, %squeeze3A : i32
      %ge3A_256 = arith.constant 99968 : i32
      %ge3A_257 = vector.broadcast %ge3A_256 : i32 to vector<16xi32>
      %ge3A_258 = arith.cmpi sge, %get3A_243, %ge3A_257 : vector<16xi32>
      %sub3A_259 = arith.constant 99968 : i32
      %sub3A_260 = vector.broadcast %sub3A_259 : i32 to vector<16xi32>
      %sub3A_261 = arith.subi %get3A_243, %sub3A_260 : vector<16xi32>
      %mul3A_262 = arith.constant 4096 : i32
      %mul3A_263 = vector.broadcast %mul3A_262 : i32 to vector<16xi32>
      %mul3A_264 = arith.muli %sub3A_261, %mul3A_263 : vector<16xi32>
      %add3A_265 = arith.addi %mul3A_264, %add3A_247 : vector<16xi32>
      %swap3A_266 = arith.index_cast %scan3A_240 : i32 to index
      %swap3A_267 = tpu.vector_load %arg11[%swap3A_266] masked %ge3A_258 {strides = array<i32>} : memref<4112xi32, #tpu.memory_space<vmem>>, vector<16xi32>, vector<16xi1>
      tpu.vector_store %arg11[%swap3A_266], %add3A_265 masked %ge3A_258 {strides = array<i32>} : memref<4112xi32, #tpu.memory_space<vmem>>, vector<16xi32>, vector<16xi1>
      %all_reduce_population_count3A_268 = tpu.all_reduce %ge3A_258 {dim = 0 : i64, kind = #tpu.reduction_kind<sum>} : vector<16xi1> -> vector<16xi32>
      %slice3A_269 = vector.extract_strided_slice %all_reduce_population_count3A_268 {offsets = [0], sizes = [1], strides = [1]} : vector<16xi32> to vector<1xi32>
      %squeeze3A_270 = vector.extract %slice3A_269[0] : i32 from vector<1xi32>
      %add3A_271 = arith.addi %scan3A_240, %squeeze3A_270 : i32
      scf.yield %add3A_255, %add3A_271 : i32, i32
    }
    %scan3A_45 = arith.constant 256 : i32
    %add3A_46 = arith.constant 16 : i32
    %add3A_47 = arith.addi %scan3A_44#0, %add3A_46 : i32
    %sub3A = arith.constant 1 : i32
    %sub3A_48 = arith.subi %add3A_47, %sub3A : i32
    %div3A = arith.constant 16 : i32
    %div3A_49 = arith.divsi %sub3A_48, %div3A : i32
    %dma_wait3A = arith.constant 0 : i32
    %dma_wait3A_50 = arith.constant 0 : i32
    %dma_wait3A_51 = tpu.memref_slice %arg6[%dma_wait3A, %dma_wait3A_50] : memref<64x648xf32, #tpu.memory_space<vmem>> -> memref<64x640xf32, #tpu.memory_space<vmem>>
    %dma_wait3A_52 = arith.constant 0 : i32
    %dma_wait3A_53 = tpu.memref_slice %arg2[%dma_wait3A_52, %multiple_of3A_8] : memref<64x100000xf32, #tpu.memory_space<hbm>> -> memref<64x640xf32, #tpu.memory_space<hbm>>
    %dma_wait3A_54 = arith.constant 0 : i32
    %dma_wait3A_55 = arith.constant 0 : i32
    %dma_wait3A_56 = tpu.memref_slice %arg6[%dma_wait3A_54, %dma_wait3A_55] : memref<64x648xf32, #tpu.memory_space<vmem>> -> memref<64x640xf32, #tpu.memory_space<vmem>>
    %dma_wait3A_57 = arith.constant 0 : i32
    %dma_wait3A_58 = tpu.memref_slice %arg2[%dma_wait3A_57, %multiple_of3A_8] : memref<64x100000xf32, #tpu.memory_space<hbm>> -> memref<64x640xf32, #tpu.memory_space<hbm>>
    tpu.wait_dma2 semaphore(%arg13 : memref<!tpu.dma_semaphore, #tpu.memory_space<semaphore_mem>>) src(%dma_wait3A_58 : memref<64x640xf32, #tpu.memory_space<hbm>>) dst(%dma_wait3A_56 : memref<64x640xf32, #tpu.memory_space<vmem>>)
    %add3A_59 = arith.constant 0 : i32
    %add3A_60 = arith.addi %multiple_of3A, %add3A_59 : i32
    %while3A = arith.constant 0 : i32
    %while3A_61 = arith.constant 0 : i32
    %while3A_62 = arith.subi %div3A_49, %while3A : i32
    %while3A_63 = arith.addi %while3A, %while3A_62 : i32
    %while3A_64 = arith.constant 1 : i32
    %while3A_65 = arith.divsi %while3A_62, %while3A_64 : i32
    %while3A_66 = arith.muli %while3A_65, %while3A_64 : i32
    %while3A_67 = arith.addi %while3A, %while3A_66 : i32
    %while3A_68 = arith.constant 1 : i32
    %while3A_69 = scf.for %while3A_238 = %while3A to %while3A_67 step %while3A_68 iter_args(%while3A_239 = %while3A_61) -> (i32)  : i32 {
      %mul3A_240 = arith.constant 16 : i32
      %mul3A_241 = arith.muli %while3A_238, %mul3A_240 : i32
      %get3A = arith.index_cast %mul3A_241 : i32 to index
      %get3A_242 = tpu.vector_load %arg10[%get3A] {strides = array<i32>} : memref<4112xi32, #tpu.memory_space<vmem>>, vector<16xi32>,
      %shift_right_logical3A = arith.constant 12 : i32
      %shift_right_logical3A_243 = vector.broadcast %shift_right_logical3A : i32 to vector<16xi32>
      %shift_right_logical3A_244 = arith.shrui %get3A_242, %shift_right_logical3A_243 : vector<16xi32>
      %and3A = arith.constant 4095 : i32
      %and3A_245 = vector.broadcast %and3A : i32 to vector<16xi32>
      %and3A_246 = arith.andi %get3A_242, %and3A_245 : vector<16xi32>
      %mul3A_247 = arith.constant 16 : i32
      %mul3A_248 = arith.muli %while3A_238, %mul3A_247 : i32
      %add3A_249 = vector.broadcast %mul3A_248 : i32 to vector<16xi32>
      %add3A_250 = arith.addi %add3A_249, %iota3A : vector<16xi32>
      %lt3A = vector.broadcast %scan3A_44#0 : i32 to vector<16xi32>
      %lt3A_251 = arith.cmpi slt, %add3A_250, %lt3A : vector<16xi32>
      %ge3A = vector.broadcast %add3A_60 : i32 to vector<16xi32>
      %ge3A_252 = arith.cmpi sge, %shift_right_logical3A_244, %ge3A : vector<16xi32>
      %and3A_253 = arith.andi %lt3A_251, %ge3A_252 : vector<16xi1>
      %add3A_254 = arith.constant 640 : i32
      %add3A_255 = arith.addi %add3A_60, %add3A_254 : i32
      %lt3A_256 = vector.broadcast %add3A_255 : i32 to vector<16xi32>
      %lt3A_257 = arith.cmpi slt, %shift_right_logical3A_244, %lt3A_256 : vector<16xi32>
      %and3A_258 = arith.andi %and3A_253, %lt3A_257 : vector<16xi1>
      %while3A_259:2 = scf.while (%while3A_260 = %and3A_258, %while3A_261 = %while3A_239) : (vector<16xi1>, i32) -> (vector<16xi1>, i32) {
        %all_reduce_population_count3A = tpu.all_reduce %while3A_260 {dim = 0 : i64, kind = #tpu.reduction_kind<sum>} : vector<16xi1> -> vector<16xi32>
        %slice3A = vector.extract_strided_slice %all_reduce_population_count3A {offsets = [0], sizes = [1], strides = [1]} : vector<16xi32> to vector<1xi32>
        %squeeze3A = vector.extract %slice3A[0] : i32 from vector<1xi32>
        %gt3A = arith.constant 0 : i32
        %gt3A_262 = arith.cmpi sgt, %squeeze3A, %gt3A : i32
        scf.condition(%gt3A_262) %while3A_260, %while3A_261 : vector<16xi1>, i32
      } do {
      ^bb0(%while3A_260: vector<16xi1>, %while3A_261: i32):
        %all_reduce_ffs3A = tpu.all_reduce %while3A_260 {dim = 0 : i64, kind = #tpu.reduction_kind<find_first_set>} : vector<16xi1> -> vector<16xi32>
        %slice3A = vector.extract_strided_slice %all_reduce_ffs3A {offsets = [0], sizes = [1], strides = [1]} : vector<16xi32> to vector<1xi32>
        %squeeze3A = vector.extract %slice3A[0] : i32 from vector<1xi32>
        %eq3A = vector.broadcast %squeeze3A : i32 to vector<16xi32>
        %eq3A_262 = arith.cmpi eq, %iota3A, %eq3A : vector<16xi32>
        %jit3A = arith.constant 0 : i32
        %broadcast_in_dim3A = vector.broadcast %jit3A : i32 to vector<16xi32>
        %select_n3A = arith.select %eq3A_262, %shift_right_logical3A_244, %broadcast_in_dim3A : vector<16xi1>, vector<16xi32>
        %reduce_sum3A = arith.constant true
        %reduce_sum3A_263 = vector.broadcast %reduce_sum3A : i1 to vector<16xi1>
        %reduce_sum3A_264 = tpu.scan <sum>, %select_n3A masked %reduce_sum3A_263 : vector<16xi32>, vector<16xi1> -> vector<16xi32>
        %reduce_sum3A_265 = vector.extract %reduce_sum3A_264[15] : i32 from vector<16xi32>
        %jit3A_266 = arith.constant 0 : i32
        %broadcast_in_dim3A_267 = vector.broadcast %jit3A_266 : i32 to vector<16xi32>
        %select_n3A_268 = arith.select %eq3A_262, %and3A_246, %broadcast_in_dim3A_267 : vector<16xi1>, vector<16xi32>
        %reduce_sum3A_269 = arith.constant true
        %reduce_sum3A_270 = vector.broadcast %reduce_sum3A_269 : i1 to vector<16xi1>
        %reduce_sum3A_271 = tpu.scan <sum>, %select_n3A_268 masked %reduce_sum3A_270 : vector<16xi32>, vector<16xi1> -> vector<16xi32>
        %reduce_sum3A_272 = vector.extract %reduce_sum3A_271[15] : i32 from vector<16xi32>
        %sub3A_273 = arith.subi %reduce_sum3A_265, %add3A_60 : i32
        %ge3A_274 = arith.constant 16 : i32
        %ge3A_275 = arith.cmpi sge, %while3A_261, %ge3A_274 : i32
        %convert_element_type3A = arith.extui %ge3A_275 : i1 to i32
        %cond3A = arith.constant 0 : i32
        %cond3A_276 = arith.cmpi ne, %convert_element_type3A, %cond3A : i32
        scf.if %cond3A_276 {
          %dma_wait3A_327 = arith.constant 0 : i32
          %dma_wait3A_328 = tpu.memref_slice %arg12[%dma_wait3A_327] : memref<2048xf32, #tpu.memory_space<vmem>> -> memref<128xf32, #tpu.memory_space<vmem>>
          %dma_wait3A_329 = arith.constant 0 : i32
          %dma_wait3A_330 = tpu.memref_slice %arg5[%dma_wait3A_329] : memref<524288xf32, #tpu.memory_space<hbm>> -> memref<128xf32, #tpu.memory_space<hbm>>
          %dma_wait3A_331 = arith.constant 0 : i32
          %dma_wait3A_332 = tpu.memref_slice %arg12[%dma_wait3A_331] : memref<2048xf32, #tpu.memory_space<vmem>> -> memref<128xf32, #tpu.memory_space<vmem>>
          %dma_wait3A_333 = arith.constant 0 : i32
          %dma_wait3A_334 = tpu.memref_slice %arg5[%dma_wait3A_333] : memref<524288xf32, #tpu.memory_space<hbm>> -> memref<128xf32, #tpu.memory_space<hbm>>
          tpu.wait_dma2 semaphore(%arg15 : memref<!tpu.dma_semaphore, #tpu.memory_space<semaphore_mem>>) src(%dma_wait3A_334 : memref<128xf32, #tpu.memory_space<hbm>>) dst(%dma_wait3A_332 : memref<128xf32, #tpu.memory_space<vmem>>)
        } else {
        }
        %and3A_277 = arith.constant 15 : i32
        %and3A_278 = arith.andi %while3A_261, %and3A_277 : i32
        %mul3A_279 = arith.constant 128 : i32
        %mul3A_280 = arith.muli %and3A_278, %mul3A_279 : i32
        %broadcast_in_dim3A_281 = arith.constant 0 : i32
        %broadcast_in_dim3A_282 = vector.broadcast %broadcast_in_dim3A_281 : i32 to vector<16xi32>
        %add3A_283 = vector.broadcast %sub3A_273 : i32 to vector<16xi32>
        %add3A_284 = arith.addi %broadcast_in_dim3A_282, %add3A_283 : vector<16xi32>
        %add3A_285 = arith.constant 0 : i32
        %add3A_286 = vector.broadcast %add3A_285 : i32 to vector<16xi32>
        %add3A_287 = arith.addi %add3A_286, %iota3A : vector<16xi32>
        %gather3A = tpu.vector_load_idx %arg6[%add3A_287, %add3A_284] : memref<64x648xf32, #tpu.memory_space<vmem>>[vector<16xi32>, vector<16xi32>], vector<16xf32>,
        %add3A_288 = arith.constant 0 : i32
        %add3A_289 = arith.addi %mul3A_280, %add3A_288 : i32
        %swap3A = arith.index_cast %add3A_289 : i32 to index
        %swap3A_290 = tpu.vector_load %arg12[%swap3A] {strides = array<i32>} : memref<2048xf32, #tpu.memory_space<vmem>>, vector<16xf32>,
        tpu.vector_store %arg12[%swap3A], %gather3A {strides = array<i32>} : memref<2048xf32, #tpu.memory_space<vmem>>, vector<16xf32>,
        %add3A_291 = arith.constant 16 : i32
        %add3A_292 = vector.broadcast %add3A_291 : i32 to vector<16xi32>
        %add3A_293 = arith.addi %add3A_292, %iota3A : vector<16xi32>
        %gather3A_294 = tpu.vector_load_idx %arg6[%add3A_293, %add3A_284] : memref<64x648xf32, #tpu.memory_space<vmem>>[vector<16xi32>, vector<16xi32>], vector<16xf32>,
        %add3A_295 = arith.constant 16 : i32
        %add3A_296 = arith.addi %mul3A_280, %add3A_295 : i32
        %swap3A_297 = arith.index_cast %add3A_296 : i32 to index
        %swap3A_298 = tpu.vector_load %arg12[%swap3A_297] {strides = array<i32>} : memref<2048xf32, #tpu.memory_space<vmem>>, vector<16xf32>,
        tpu.vector_store %arg12[%swap3A_297], %gather3A_294 {strides = array<i32>} : memref<2048xf32, #tpu.memory_space<vmem>>, vector<16xf32>,
        %add3A_299 = arith.constant 32 : i32
        %add3A_300 = vector.broadcast %add3A_299 : i32 to vector<16xi32>
        %add3A_301 = arith.addi %add3A_300, %iota3A : vector<16xi32>
        %gather3A_302 = tpu.vector_load_idx %arg6[%add3A_301, %add3A_284] : memref<64x648xf32, #tpu.memory_space<vmem>>[vector<16xi32>, vector<16xi32>], vector<16xf32>,
        %add3A_303 = arith.constant 32 : i32
        %add3A_304 = arith.addi %mul3A_280, %add3A_303 : i32
        %swap3A_305 = arith.index_cast %add3A_304 : i32 to index
        %swap3A_306 = tpu.vector_load %arg12[%swap3A_305] {strides = array<i32>} : memref<2048xf32, #tpu.memory_space<vmem>>, vector<16xf32>,
        tpu.vector_store %arg12[%swap3A_305], %gather3A_302 {strides = array<i32>} : memref<2048xf32, #tpu.memory_space<vmem>>, vector<16xf32>,
        %add3A_307 = arith.constant 48 : i32
        %add3A_308 = vector.broadcast %add3A_307 : i32 to vector<16xi32>
        %add3A_309 = arith.addi %add3A_308, %iota3A : vector<16xi32>
        %gather3A_310 = tpu.vector_load_idx %arg6[%add3A_309, %add3A_284] : memref<64x648xf32, #tpu.memory_space<vmem>>[vector<16xi32>, vector<16xi32>], vector<16xf32>,
        %add3A_311 = arith.constant 48 : i32
        %add3A_312 = arith.addi %mul3A_280, %add3A_311 : i32
        %swap3A_313 = arith.index_cast %add3A_312 : i32 to index
        %swap3A_314 = tpu.vector_load %arg12[%swap3A_313] {strides = array<i32>} : memref<2048xf32, #tpu.memory_space<vmem>>, vector<16xf32>,
        tpu.vector_store %arg12[%swap3A_313], %gather3A_310 {strides = array<i32>} : memref<2048xf32, #tpu.memory_space<vmem>>, vector<16xf32>,
        %multiple_of3A_315 = tpu.assume_multiple %mul3A_280, 128 : i32
        %mul3A_316 = arith.constant 128 : i32
        %mul3A_317 = arith.muli %reduce_sum3A_272, %mul3A_316 : i32
        %multiple_of3A_318 = tpu.assume_multiple %mul3A_317, 128 : i32
        %dma_start3A_319 = tpu.memref_slice %arg12[%multiple_of3A_315] : memref<2048xf32, #tpu.memory_space<vmem>> -> memref<128xf32, #tpu.memory_space<vmem>>
        %dma_start3A_320 = tpu.memref_slice %arg5[%multiple_of3A_318] : memref<524288xf32, #tpu.memory_space<hbm>> -> memref<128xf32, #tpu.memory_space<hbm>>
        %dma_start3A_321 = tpu.memref_slice %arg5[%multiple_of3A_318] : memref<524288xf32, #tpu.memory_space<hbm>> -> memref<128xf32, #tpu.memory_space<hbm>>
        %dma_start3A_322 = tpu.memref_slice %arg12[%multiple_of3A_315] : memref<2048xf32, #tpu.memory_space<vmem>> -> memref<128xf32, #tpu.memory_space<vmem>>
        tpu.enqueue_dma source(%dma_start3A_322 : memref<128xf32, #tpu.memory_space<vmem>>) target(%dma_start3A_321 : memref<128xf32, #tpu.memory_space<hbm>>) target_semaphore(%arg15 : memref<!tpu.dma_semaphore, #tpu.memory_space<semaphore_mem>>)
        %add3A_323 = arith.constant 1 : i32
        %add3A_324 = arith.addi %while3A_261, %add3A_323 : i32
        %not3A = arith.constant dense<true> : vector<16xi1>
        %not3A_325 = arith.xori %eq3A_262, %not3A : vector<16xi1>
        %and3A_326 = arith.andi %while3A_260, %not3A_325 : vector<16xi1>
        scf.yield %and3A_326, %add3A_324 : vector<16xi1>, i32
      }
      scf.yield %while3A_259#1 : i32
    }
    %while3A_70 = arith.constant 1 : i32
    %while3A_71 = scf.for %while3A_238 = %while3A_67 to %while3A_63 step %while3A_70 iter_args(%while3A_239 = %while3A_69) -> (i32)  : i32 {
      %mul3A_240 = arith.constant 16 : i32
      %mul3A_241 = arith.muli %while3A_238, %mul3A_240 : i32
      %get3A = arith.index_cast %mul3A_241 : i32 to index
      %get3A_242 = tpu.vector_load %arg10[%get3A] {strides = array<i32>} : memref<4112xi32, #tpu.memory_space<vmem>>, vector<16xi32>,
      %shift_right_logical3A = arith.constant 12 : i32
      %shift_right_logical3A_243 = vector.broadcast %shift_right_logical3A : i32 to vector<16xi32>
      %shift_right_logical3A_244 = arith.shrui %get3A_242, %shift_right_logical3A_243 : vector<16xi32>
      %and3A = arith.constant 4095 : i32
      %and3A_245 = vector.broadcast %and3A : i32 to vector<16xi32>
      %and3A_246 = arith.andi %get3A_242, %and3A_245 : vector<16xi32>
      %mul3A_247 = arith.constant 16 : i32
      %mul3A_248 = arith.muli %while3A_238, %mul3A_247 : i32
      %add3A_249 = vector.broadcast %mul3A_248 : i32 to vector<16xi32>
      %add3A_250 = arith.addi %add3A_249, %iota3A : vector<16xi32>
      %lt3A = vector.broadcast %scan3A_44#0 : i32 to vector<16xi32>
      %lt3A_251 = arith.cmpi slt, %add3A_250, %lt3A : vector<16xi32>
      %ge3A = vector.broadcast %add3A_60 : i32 to vector<16xi32>
      %ge3A_252 = arith.cmpi sge, %shift_right_logical3A_244, %ge3A : vector<16xi32>
      %and3A_253 = arith.andi %lt3A_251, %ge3A_252 : vector<16xi1>
      %add3A_254 = arith.constant 640 : i32
      %add3A_255 = arith.addi %add3A_60, %add3A_254 : i32
      %lt3A_256 = vector.broadcast %add3A_255 : i32 to vector<16xi32>
      %lt3A_257 = arith.cmpi slt, %shift_right_logical3A_244, %lt3A_256 : vector<16xi32>
      %and3A_258 = arith.andi %and3A_253, %lt3A_257 : vector<16xi1>
      %while3A_259:2 = scf.while (%while3A_260 = %and3A_258, %while3A_261 = %while3A_239) : (vector<16xi1>, i32) -> (vector<16xi1>, i32) {
        %all_reduce_population_count3A = tpu.all_reduce %while3A_260 {dim = 0 : i64, kind = #tpu.reduction_kind<sum>} : vector<16xi1> -> vector<16xi32>
        %slice3A = vector.extract_strided_slice %all_reduce_population_count3A {offsets = [0], sizes = [1], strides = [1]} : vector<16xi32> to vector<1xi32>
        %squeeze3A = vector.extract %slice3A[0] : i32 from vector<1xi32>
        %gt3A = arith.constant 0 : i32
        %gt3A_262 = arith.cmpi sgt, %squeeze3A, %gt3A : i32
        scf.condition(%gt3A_262) %while3A_260, %while3A_261 : vector<16xi1>, i32
      } do {
      ^bb0(%while3A_260: vector<16xi1>, %while3A_261: i32):
        %all_reduce_ffs3A = tpu.all_reduce %while3A_260 {dim = 0 : i64, kind = #tpu.reduction_kind<find_first_set>} : vector<16xi1> -> vector<16xi32>
        %slice3A = vector.extract_strided_slice %all_reduce_ffs3A {offsets = [0], sizes = [1], strides = [1]} : vector<16xi32> to vector<1xi32>
        %squeeze3A = vector.extract %slice3A[0] : i32 from vector<1xi32>
        %eq3A = vector.broadcast %squeeze3A : i32 to vector<16xi32>
        %eq3A_262 = arith.cmpi eq, %iota3A, %eq3A : vector<16xi32>
        %jit3A = arith.constant 0 : i32
        %broadcast_in_dim3A = vector.broadcast %jit3A : i32 to vector<16xi32>
        %select_n3A = arith.select %eq3A_262, %shift_right_logical3A_244, %broadcast_in_dim3A : vector<16xi1>, vector<16xi32>
        %reduce_sum3A = arith.constant true
        %reduce_sum3A_263 = vector.broadcast %reduce_sum3A : i1 to vector<16xi1>
        %reduce_sum3A_264 = tpu.scan <sum>, %select_n3A masked %reduce_sum3A_263 : vector<16xi32>, vector<16xi1> -> vector<16xi32>
        %reduce_sum3A_265 = vector.extract %reduce_sum3A_264[15] : i32 from vector<16xi32>
        %jit3A_266 = arith.constant 0 : i32
        %broadcast_in_dim3A_267 = vector.broadcast %jit3A_266 : i32 to vector<16xi32>
        %select_n3A_268 = arith.select %eq3A_262, %and3A_246, %broadcast_in_dim3A_267 : vector<16xi1>, vector<16xi32>
        %reduce_sum3A_269 = arith.constant true
        %reduce_sum3A_270 = vector.broadcast %reduce_sum3A_269 : i1 to vector<16xi1>
        %reduce_sum3A_271 = tpu.scan <sum>, %select_n3A_268 masked %reduce_sum3A_270 : vector<16xi32>, vector<16xi1> -> vector<16xi32>
        %reduce_sum3A_272 = vector.extract %reduce_sum3A_271[15] : i32 from vector<16xi32>
        %sub3A_273 = arith.subi %reduce_sum3A_265, %add3A_60 : i32
        %ge3A_274 = arith.constant 16 : i32
        %ge3A_275 = arith.cmpi sge, %while3A_261, %ge3A_274 : i32
        %convert_element_type3A = arith.extui %ge3A_275 : i1 to i32
        %cond3A = arith.constant 0 : i32
        %cond3A_276 = arith.cmpi ne, %convert_element_type3A, %cond3A : i32
        scf.if %cond3A_276 {
          %dma_wait3A_327 = arith.constant 0 : i32
          %dma_wait3A_328 = tpu.memref_slice %arg12[%dma_wait3A_327] : memref<2048xf32, #tpu.memory_space<vmem>> -> memref<128xf32, #tpu.memory_space<vmem>>
          %dma_wait3A_329 = arith.constant 0 : i32
          %dma_wait3A_330 = tpu.memref_slice %arg5[%dma_wait3A_329] : memref<524288xf32, #tpu.memory_space<hbm>> -> memref<128xf32, #tpu.memory_space<hbm>>
          %dma_wait3A_331 = arith.constant 0 : i32
          %dma_wait3A_332 = tpu.memref_slice %arg12[%dma_wait3A_331] : memref<2048xf32, #tpu.memory_space<vmem>> -> memref<128xf32, #tpu.memory_space<vmem>>
          %dma_wait3A_333 = arith.constant 0 : i32
          %dma_wait3A_334 = tpu.memref_slice %arg5[%dma_wait3A_333] : memref<524288xf32, #tpu.memory_space<hbm>> -> memref<128xf32, #tpu.memory_space<hbm>>
          tpu.wait_dma2 semaphore(%arg15 : memref<!tpu.dma_semaphore, #tpu.memory_space<semaphore_mem>>) src(%dma_wait3A_334 : memref<128xf32, #tpu.memory_space<hbm>>) dst(%dma_wait3A_332 : memref<128xf32, #tpu.memory_space<vmem>>)
        } else {
        }
        %and3A_277 = arith.constant 15 : i32
        %and3A_278 = arith.andi %while3A_261, %and3A_277 : i32
        %mul3A_279 = arith.constant 128 : i32
        %mul3A_280 = arith.muli %and3A_278, %mul3A_279 : i32
        %broadcast_in_dim3A_281 = arith.constant 0 : i32
        %broadcast_in_dim3A_282 = vector.broadcast %broadcast_in_dim3A_281 : i32 to vector<16xi32>
        %add3A_283 = vector.broadcast %sub3A_273 : i32 to vector<16xi32>
        %add3A_284 = arith.addi %broadcast_in_dim3A_282, %add3A_283 : vector<16xi32>
        %add3A_285 = arith.constant 0 : i32
        %add3A_286 = vector.broadcast %add3A_285 : i32 to vector<16xi32>
        %add3A_287 = arith.addi %add3A_286, %iota3A : vector<16xi32>
        %gather3A = tpu.vector_load_idx %arg6[%add3A_287, %add3A_284] : memref<64x648xf32, #tpu.memory_space<vmem>>[vector<16xi32>, vector<16xi32>], vector<16xf32>,
        %add3A_288 = arith.constant 0 : i32
        %add3A_289 = arith.addi %mul3A_280, %add3A_288 : i32
        %swap3A = arith.index_cast %add3A_289 : i32 to index
        %swap3A_290 = tpu.vector_load %arg12[%swap3A] {strides = array<i32>} : memref<2048xf32, #tpu.memory_space<vmem>>, vector<16xf32>,
        tpu.vector_store %arg12[%swap3A], %gather3A {strides = array<i32>} : memref<2048xf32, #tpu.memory_space<vmem>>, vector<16xf32>,
        %add3A_291 = arith.constant 16 : i32
        %add3A_292 = vector.broadcast %add3A_291 : i32 to vector<16xi32>
        %add3A_293 = arith.addi %add3A_292, %iota3A : vector<16xi32>
        %gather3A_294 = tpu.vector_load_idx %arg6[%add3A_293, %add3A_284] : memref<64x648xf32, #tpu.memory_space<vmem>>[vector<16xi32>, vector<16xi32>], vector<16xf32>,
        %add3A_295 = arith.constant 16 : i32
        %add3A_296 = arith.addi %mul3A_280, %add3A_295 : i32
        %swap3A_297 = arith.index_cast %add3A_296 : i32 to index
        %swap3A_298 = tpu.vector_load %arg12[%swap3A_297] {strides = array<i32>} : memref<2048xf32, #tpu.memory_space<vmem>>, vector<16xf32>,
        tpu.vector_store %arg12[%swap3A_297], %gather3A_294 {strides = array<i32>} : memref<2048xf32, #tpu.memory_space<vmem>>, vector<16xf32>,
        %add3A_299 = arith.constant 32 : i32
        %add3A_300 = vector.broadcast %add3A_299 : i32 to vector<16xi32>
        %add3A_301 = arith.addi %add3A_300, %iota3A : vector<16xi32>
        %gather3A_302 = tpu.vector_load_idx %arg6[%add3A_301, %add3A_284] : memref<64x648xf32, #tpu.memory_space<vmem>>[vector<16xi32>, vector<16xi32>], vector<16xf32>,
        %add3A_303 = arith.constant 32 : i32
        %add3A_304 = arith.addi %mul3A_280, %add3A_303 : i32
        %swap3A_305 = arith.index_cast %add3A_304 : i32 to index
        %swap3A_306 = tpu.vector_load %arg12[%swap3A_305] {strides = array<i32>} : memref<2048xf32, #tpu.memory_space<vmem>>, vector<16xf32>,
        tpu.vector_store %arg12[%swap3A_305], %gather3A_302 {strides = array<i32>} : memref<2048xf32, #tpu.memory_space<vmem>>, vector<16xf32>,
        %add3A_307 = arith.constant 48 : i32
        %add3A_308 = vector.broadcast %add3A_307 : i32 to vector<16xi32>
        %add3A_309 = arith.addi %add3A_308, %iota3A : vector<16xi32>
        %gather3A_310 = tpu.vector_load_idx %arg6[%add3A_309, %add3A_284] : memref<64x648xf32, #tpu.memory_space<vmem>>[vector<16xi32>, vector<16xi32>], vector<16xf32>,
        %add3A_311 = arith.constant 48 : i32
        %add3A_312 = arith.addi %mul3A_280, %add3A_311 : i32
        %swap3A_313 = arith.index_cast %add3A_312 : i32 to index
        %swap3A_314 = tpu.vector_load %arg12[%swap3A_313] {strides = array<i32>} : memref<2048xf32, #tpu.memory_space<vmem>>, vector<16xf32>,
        tpu.vector_store %arg12[%swap3A_313], %gather3A_310 {strides = array<i32>} : memref<2048xf32, #tpu.memory_space<vmem>>, vector<16xf32>,
        %multiple_of3A_315 = tpu.assume_multiple %mul3A_280, 128 : i32
        %mul3A_316 = arith.constant 128 : i32
        %mul3A_317 = arith.muli %reduce_sum3A_272, %mul3A_316 : i32
        %multiple_of3A_318 = tpu.assume_multiple %mul3A_317, 128 : i32
        %dma_start3A_319 = tpu.memref_slice %arg12[%multiple_of3A_315] : memref<2048xf32, #tpu.memory_space<vmem>> -> memref<128xf32, #tpu.memory_space<vmem>>
        %dma_start3A_320 = tpu.memref_slice %arg5[%multiple_of3A_318] : memref<524288xf32, #tpu.memory_space<hbm>> -> memref<128xf32, #tpu.memory_space<hbm>>
        %dma_start3A_321 = tpu.memref_slice %arg5[%multiple_of3A_318] : memref<524288xf32, #tpu.memory_space<hbm>> -> memref<128xf32, #tpu.memory_space<hbm>>
        %dma_start3A_322 = tpu.memref_slice %arg12[%multiple_of3A_315] : memref<2048xf32, #tpu.memory_space<vmem>> -> memref<128xf32, #tpu.memory_space<vmem>>
        tpu.enqueue_dma source(%dma_start3A_322 : memref<128xf32, #tpu.memory_space<vmem>>) target(%dma_start3A_321 : memref<128xf32, #tpu.memory_space<hbm>>) target_semaphore(%arg15 : memref<!tpu.dma_semaphore, #tpu.memory_space<semaphore_mem>>)
        %add3A_323 = arith.constant 1 : i32
        %add3A_324 = arith.addi %while3A_261, %add3A_323 : i32
        %not3A = arith.constant dense<true> : vector<16xi1>
        %not3A_325 = arith.xori %eq3A_262, %not3A : vector<16xi1>
        %and3A_326 = arith.andi %while3A_260, %not3A_325 : vector<16xi1>
        scf.yield %and3A_326, %add3A_324 : vector<16xi1>, i32
      }
      scf.yield %while3A_259#1 : i32
    }
    %add3A_72 = arith.constant 1280 : i32
    %add3A_73 = arith.addi %multiple_of3A, %add3A_72 : i32
    %multiple_of3A_74 = tpu.assume_multiple %add3A_73, 128 : i32
    %dma_start3A_75 = arith.constant 0 : i32
    %dma_start3A_76 = arith.constant 0 : i32
    %dma_start3A_77 = tpu.memref_slice %arg6[%dma_start3A_75, %dma_start3A_76] : memref<64x648xf32, #tpu.memory_space<vmem>> -> memref<64x640xf32, #tpu.memory_space<vmem>>
    %dma_start3A_78 = arith.constant 0 : i32
    %dma_start3A_79 = tpu.memref_slice %arg2[%dma_start3A_78, %multiple_of3A_74] : memref<64x100000xf32, #tpu.memory_space<hbm>> -> memref<64x640xf32, #tpu.memory_space<hbm>>
    %dma_start3A_80 = arith.constant 0 : i32
    %dma_start3A_81 = arith.constant 0 : i32
    %dma_start3A_82 = tpu.memref_slice %arg6[%dma_start3A_80, %dma_start3A_81] : memref<64x648xf32, #tpu.memory_space<vmem>> -> memref<64x640xf32, #tpu.memory_space<vmem>>
    %dma_start3A_83 = arith.constant 0 : i32
    %dma_start3A_84 = tpu.memref_slice %arg2[%dma_start3A_83, %multiple_of3A_74] : memref<64x100000xf32, #tpu.memory_space<hbm>> -> memref<64x640xf32, #tpu.memory_space<hbm>>
    tpu.enqueue_dma source(%dma_start3A_84 : memref<64x640xf32, #tpu.memory_space<hbm>>) target(%dma_start3A_82 : memref<64x640xf32, #tpu.memory_space<vmem>>) target_semaphore(%arg13 : memref<!tpu.dma_semaphore, #tpu.memory_space<semaphore_mem>>)
    %dma_wait3A_85 = arith.constant 0 : i32
    %dma_wait3A_86 = arith.constant 0 : i32
    %dma_wait3A_87 = tpu.memref_slice %arg7[%dma_wait3A_85, %dma_wait3A_86] : memref<64x648xf32, #tpu.memory_space<vmem>> -> memref<64x640xf32, #tpu.memory_space<vmem>>
    %dma_wait3A_88 = arith.constant 0 : i32
    %dma_wait3A_89 = tpu.memref_slice %arg2[%dma_wait3A_88, %multiple_of3A_20] : memref<64x100000xf32, #tpu.memory_space<hbm>> -> memref<64x640xf32, #tpu.memory_space<hbm>>
    %dma_wait3A_90 = arith.constant 0 : i32
    %dma_wait3A_91 = arith.constant 0 : i32
    %dma_wait3A_92 = tpu.memref_slice %arg7[%dma_wait3A_90, %dma_wait3A_91] : memref<64x648xf32, #tpu.memory_space<vmem>> -> memref<64x640xf32, #tpu.memory_space<vmem>>
    %dma_wait3A_93 = arith.constant 0 : i32
    %dma_wait3A_94 = tpu.memref_slice %arg2[%dma_wait3A_93, %multiple_of3A_20] : memref<64x100000xf32, #tpu.memory_space<hbm>> -> memref<64x640xf32, #tpu.memory_space<hbm>>
    tpu.wait_dma2 semaphore(%arg14 : memref<!tpu.dma_semaphore, #tpu.memory_space<semaphore_mem>>) src(%dma_wait3A_94 : memref<64x640xf32, #tpu.memory_space<hbm>>) dst(%dma_wait3A_92 : memref<64x640xf32, #tpu.memory_space<vmem>>)
    %add3A_95 = arith.constant 640 : i32
    %add3A_96 = arith.addi %multiple_of3A, %add3A_95 : i32
    %while3A_97 = arith.constant 0 : i32
    %while3A_98 = arith.subi %div3A_49, %while3A_97 : i32
    %while3A_99 = arith.addi %while3A_97, %while3A_98 : i32
    %while3A_100 = arith.constant 1 : i32
    %while3A_101 = arith.divsi %while3A_98, %while3A_100 : i32
    %while3A_102 = arith.muli %while3A_101, %while3A_100 : i32
    %while3A_103 = arith.addi %while3A_97, %while3A_102 : i32
    %while3A_104 = arith.constant 1 : i32
    %while3A_105 = scf.for %while3A_238 = %while3A_97 to %while3A_103 step %while3A_104 iter_args(%while3A_239 = %while3A_71) -> (i32)  : i32 {
      %mul3A_240 = arith.constant 16 : i32
      %mul3A_241 = arith.muli %while3A_238, %mul3A_240 : i32
      %get3A = arith.index_cast %mul3A_241 : i32 to index
      %get3A_242 = tpu.vector_load %arg10[%get3A] {strides = array<i32>} : memref<4112xi32, #tpu.memory_space<vmem>>, vector<16xi32>,
      %shift_right_logical3A = arith.constant 12 : i32
      %shift_right_logical3A_243 = vector.broadcast %shift_right_logical3A : i32 to vector<16xi32>
      %shift_right_logical3A_244 = arith.shrui %get3A_242, %shift_right_logical3A_243 : vector<16xi32>
      %and3A = arith.constant 4095 : i32
      %and3A_245 = vector.broadcast %and3A : i32 to vector<16xi32>
      %and3A_246 = arith.andi %get3A_242, %and3A_245 : vector<16xi32>
      %mul3A_247 = arith.constant 16 : i32
      %mul3A_248 = arith.muli %while3A_238, %mul3A_247 : i32
      %add3A_249 = vector.broadcast %mul3A_248 : i32 to vector<16xi32>
      %add3A_250 = arith.addi %add3A_249, %iota3A : vector<16xi32>
      %lt3A = vector.broadcast %scan3A_44#0 : i32 to vector<16xi32>
      %lt3A_251 = arith.cmpi slt, %add3A_250, %lt3A : vector<16xi32>
      %ge3A = vector.broadcast %add3A_96 : i32 to vector<16xi32>
      %ge3A_252 = arith.cmpi sge, %shift_right_logical3A_244, %ge3A : vector<16xi32>
      %and3A_253 = arith.andi %lt3A_251, %ge3A_252 : vector<16xi1>
      %add3A_254 = arith.constant 640 : i32
      %add3A_255 = arith.addi %add3A_96, %add3A_254 : i32
      %lt3A_256 = vector.broadcast %add3A_255 : i32 to vector<16xi32>
      %lt3A_257 = arith.cmpi slt, %shift_right_logical3A_244, %lt3A_256 : vector<16xi32>
      %and3A_258 = arith.andi %and3A_253, %lt3A_257 : vector<16xi1>
      %while3A_259:2 = scf.while (%while3A_260 = %and3A_258, %while3A_261 = %while3A_239) : (vector<16xi1>, i32) -> (vector<16xi1>, i32) {
        %all_reduce_population_count3A = tpu.all_reduce %while3A_260 {dim = 0 : i64, kind = #tpu.reduction_kind<sum>} : vector<16xi1> -> vector<16xi32>
        %slice3A = vector.extract_strided_slice %all_reduce_population_count3A {offsets = [0], sizes = [1], strides = [1]} : vector<16xi32> to vector<1xi32>
        %squeeze3A = vector.extract %slice3A[0] : i32 from vector<1xi32>
        %gt3A = arith.constant 0 : i32
        %gt3A_262 = arith.cmpi sgt, %squeeze3A, %gt3A : i32
        scf.condition(%gt3A_262) %while3A_260, %while3A_261 : vector<16xi1>, i32
      } do {
      ^bb0(%while3A_260: vector<16xi1>, %while3A_261: i32):
        %all_reduce_ffs3A = tpu.all_reduce %while3A_260 {dim = 0 : i64, kind = #tpu.reduction_kind<find_first_set>} : vector<16xi1> -> vector<16xi32>
        %slice3A = vector.extract_strided_slice %all_reduce_ffs3A {offsets = [0], sizes = [1], strides = [1]} : vector<16xi32> to vector<1xi32>
        %squeeze3A = vector.extract %slice3A[0] : i32 from vector<1xi32>
        %eq3A = vector.broadcast %squeeze3A : i32 to vector<16xi32>
        %eq3A_262 = arith.cmpi eq, %iota3A, %eq3A : vector<16xi32>
        %jit3A = arith.constant 0 : i32
        %broadcast_in_dim3A = vector.broadcast %jit3A : i32 to vector<16xi32>
        %select_n3A = arith.select %eq3A_262, %shift_right_logical3A_244, %broadcast_in_dim3A : vector<16xi1>, vector<16xi32>
        %reduce_sum3A = arith.constant true
        %reduce_sum3A_263 = vector.broadcast %reduce_sum3A : i1 to vector<16xi1>
        %reduce_sum3A_264 = tpu.scan <sum>, %select_n3A masked %reduce_sum3A_263 : vector<16xi32>, vector<16xi1> -> vector<16xi32>
        %reduce_sum3A_265 = vector.extract %reduce_sum3A_264[15] : i32 from vector<16xi32>
        %jit3A_266 = arith.constant 0 : i32
        %broadcast_in_dim3A_267 = vector.broadcast %jit3A_266 : i32 to vector<16xi32>
        %select_n3A_268 = arith.select %eq3A_262, %and3A_246, %broadcast_in_dim3A_267 : vector<16xi1>, vector<16xi32>
        %reduce_sum3A_269 = arith.constant true
        %reduce_sum3A_270 = vector.broadcast %reduce_sum3A_269 : i1 to vector<16xi1>
        %reduce_sum3A_271 = tpu.scan <sum>, %select_n3A_268 masked %reduce_sum3A_270 : vector<16xi32>, vector<16xi1> -> vector<16xi32>
        %reduce_sum3A_272 = vector.extract %reduce_sum3A_271[15] : i32 from vector<16xi32>
        %sub3A_273 = arith.subi %reduce_sum3A_265, %add3A_96 : i32
        %ge3A_274 = arith.constant 16 : i32
        %ge3A_275 = arith.cmpi sge, %while3A_261, %ge3A_274 : i32
        %convert_element_type3A = arith.extui %ge3A_275 : i1 to i32
        %cond3A = arith.constant 0 : i32
        %cond3A_276 = arith.cmpi ne, %convert_element_type3A, %cond3A : i32
        scf.if %cond3A_276 {
          %dma_wait3A_327 = arith.constant 0 : i32
          %dma_wait3A_328 = tpu.memref_slice %arg12[%dma_wait3A_327] : memref<2048xf32, #tpu.memory_space<vmem>> -> memref<128xf32, #tpu.memory_space<vmem>>
          %dma_wait3A_329 = arith.constant 0 : i32
          %dma_wait3A_330 = tpu.memref_slice %arg5[%dma_wait3A_329] : memref<524288xf32, #tpu.memory_space<hbm>> -> memref<128xf32, #tpu.memory_space<hbm>>
          %dma_wait3A_331 = arith.constant 0 : i32
          %dma_wait3A_332 = tpu.memref_slice %arg12[%dma_wait3A_331] : memref<2048xf32, #tpu.memory_space<vmem>> -> memref<128xf32, #tpu.memory_space<vmem>>
          %dma_wait3A_333 = arith.constant 0 : i32
          %dma_wait3A_334 = tpu.memref_slice %arg5[%dma_wait3A_333] : memref<524288xf32, #tpu.memory_space<hbm>> -> memref<128xf32, #tpu.memory_space<hbm>>
          tpu.wait_dma2 semaphore(%arg15 : memref<!tpu.dma_semaphore, #tpu.memory_space<semaphore_mem>>) src(%dma_wait3A_334 : memref<128xf32, #tpu.memory_space<hbm>>) dst(%dma_wait3A_332 : memref<128xf32, #tpu.memory_space<vmem>>)
        } else {
        }
        %and3A_277 = arith.constant 15 : i32
        %and3A_278 = arith.andi %while3A_261, %and3A_277 : i32
        %mul3A_279 = arith.constant 128 : i32
        %mul3A_280 = arith.muli %and3A_278, %mul3A_279 : i32
        %broadcast_in_dim3A_281 = arith.constant 0 : i32
        %broadcast_in_dim3A_282 = vector.broadcast %broadcast_in_dim3A_281 : i32 to vector<16xi32>
        %add3A_283 = vector.broadcast %sub3A_273 : i32 to vector<16xi32>
        %add3A_284 = arith.addi %broadcast_in_dim3A_282, %add3A_283 : vector<16xi32>
        %add3A_285 = arith.constant 0 : i32
        %add3A_286 = vector.broadcast %add3A_285 : i32 to vector<16xi32>
        %add3A_287 = arith.addi %add3A_286, %iota3A : vector<16xi32>
        %gather3A = tpu.vector_load_idx %arg7[%add3A_287, %add3A_284] : memref<64x648xf32, #tpu.memory_space<vmem>>[vector<16xi32>, vector<16xi32>], vector<16xf32>,
        %add3A_288 = arith.constant 0 : i32
        %add3A_289 = arith.addi %mul3A_280, %add3A_288 : i32
        %swap3A = arith.index_cast %add3A_289 : i32 to index
        %swap3A_290 = tpu.vector_load %arg12[%swap3A] {strides = array<i32>} : memref<2048xf32, #tpu.memory_space<vmem>>, vector<16xf32>,
        tpu.vector_store %arg12[%swap3A], %gather3A {strides = array<i32>} : memref<2048xf32, #tpu.memory_space<vmem>>, vector<16xf32>,
        %add3A_291 = arith.constant 16 : i32
        %add3A_292 = vector.broadcast %add3A_291 : i32 to vector<16xi32>
        %add3A_293 = arith.addi %add3A_292, %iota3A : vector<16xi32>
        %gather3A_294 = tpu.vector_load_idx %arg7[%add3A_293, %add3A_284] : memref<64x648xf32, #tpu.memory_space<vmem>>[vector<16xi32>, vector<16xi32>], vector<16xf32>,
        %add3A_295 = arith.constant 16 : i32
        %add3A_296 = arith.addi %mul3A_280, %add3A_295 : i32
        %swap3A_297 = arith.index_cast %add3A_296 : i32 to index
        %swap3A_298 = tpu.vector_load %arg12[%swap3A_297] {strides = array<i32>} : memref<2048xf32, #tpu.memory_space<vmem>>, vector<16xf32>,
        tpu.vector_store %arg12[%swap3A_297], %gather3A_294 {strides = array<i32>} : memref<2048xf32, #tpu.memory_space<vmem>>, vector<16xf32>,
        %add3A_299 = arith.constant 32 : i32
        %add3A_300 = vector.broadcast %add3A_299 : i32 to vector<16xi32>
        %add3A_301 = arith.addi %add3A_300, %iota3A : vector<16xi32>
        %gather3A_302 = tpu.vector_load_idx %arg7[%add3A_301, %add3A_284] : memref<64x648xf32, #tpu.memory_space<vmem>>[vector<16xi32>, vector<16xi32>], vector<16xf32>,
        %add3A_303 = arith.constant 32 : i32
        %add3A_304 = arith.addi %mul3A_280, %add3A_303 : i32
        %swap3A_305 = arith.index_cast %add3A_304 : i32 to index
        %swap3A_306 = tpu.vector_load %arg12[%swap3A_305] {strides = array<i32>} : memref<2048xf32, #tpu.memory_space<vmem>>, vector<16xf32>,
        tpu.vector_store %arg12[%swap3A_305], %gather3A_302 {strides = array<i32>} : memref<2048xf32, #tpu.memory_space<vmem>>, vector<16xf32>,
        %add3A_307 = arith.constant 48 : i32
        %add3A_308 = vector.broadcast %add3A_307 : i32 to vector<16xi32>
        %add3A_309 = arith.addi %add3A_308, %iota3A : vector<16xi32>
        %gather3A_310 = tpu.vector_load_idx %arg7[%add3A_309, %add3A_284] : memref<64x648xf32, #tpu.memory_space<vmem>>[vector<16xi32>, vector<16xi32>], vector<16xf32>,
        %add3A_311 = arith.constant 48 : i32
        %add3A_312 = arith.addi %mul3A_280, %add3A_311 : i32
        %swap3A_313 = arith.index_cast %add3A_312 : i32 to index
        %swap3A_314 = tpu.vector_load %arg12[%swap3A_313] {strides = array<i32>} : memref<2048xf32, #tpu.memory_space<vmem>>, vector<16xf32>,
        tpu.vector_store %arg12[%swap3A_313], %gather3A_310 {strides = array<i32>} : memref<2048xf32, #tpu.memory_space<vmem>>, vector<16xf32>,
        %multiple_of3A_315 = tpu.assume_multiple %mul3A_280, 128 : i32
        %mul3A_316 = arith.constant 128 : i32
        %mul3A_317 = arith.muli %reduce_sum3A_272, %mul3A_316 : i32
        %multiple_of3A_318 = tpu.assume_multiple %mul3A_317, 128 : i32
        %dma_start3A_319 = tpu.memref_slice %arg12[%multiple_of3A_315] : memref<2048xf32, #tpu.memory_space<vmem>> -> memref<128xf32, #tpu.memory_space<vmem>>
        %dma_start3A_320 = tpu.memref_slice %arg5[%multiple_of3A_318] : memref<524288xf32, #tpu.memory_space<hbm>> -> memref<128xf32, #tpu.memory_space<hbm>>
        %dma_start3A_321 = tpu.memref_slice %arg5[%multiple_of3A_318] : memref<524288xf32, #tpu.memory_space<hbm>> -> memref<128xf32, #tpu.memory_space<hbm>>
        %dma_start3A_322 = tpu.memref_slice %arg12[%multiple_of3A_315] : memref<2048xf32, #tpu.memory_space<vmem>> -> memref<128xf32, #tpu.memory_space<vmem>>
        tpu.enqueue_dma source(%dma_start3A_322 : memref<128xf32, #tpu.memory_space<vmem>>) target(%dma_start3A_321 : memref<128xf32, #tpu.memory_space<hbm>>) target_semaphore(%arg15 : memref<!tpu.dma_semaphore, #tpu.memory_space<semaphore_mem>>)
        %add3A_323 = arith.constant 1 : i32
        %add3A_324 = arith.addi %while3A_261, %add3A_323 : i32
        %not3A = arith.constant dense<true> : vector<16xi1>
        %not3A_325 = arith.xori %eq3A_262, %not3A : vector<16xi1>
        %and3A_326 = arith.andi %while3A_260, %not3A_325 : vector<16xi1>
        scf.yield %and3A_326, %add3A_324 : vector<16xi1>, i32
      }
      scf.yield %while3A_259#1 : i32
    }
    %while3A_106 = arith.constant 1 : i32
    %while3A_107 = scf.for %while3A_238 = %while3A_103 to %while3A_99 step %while3A_106 iter_args(%while3A_239 = %while3A_105) -> (i32)  : i32 {
      %mul3A_240 = arith.constant 16 : i32
      %mul3A_241 = arith.muli %while3A_238, %mul3A_240 : i32
      %get3A = arith.index_cast %mul3A_241 : i32 to index
      %get3A_242 = tpu.vector_load %arg10[%get3A] {strides = array<i32>} : memref<4112xi32, #tpu.memory_space<vmem>>, vector<16xi32>,
      %shift_right_logical3A = arith.constant 12 : i32
      %shift_right_logical3A_243 = vector.broadcast %shift_right_logical3A : i32 to vector<16xi32>
      %shift_right_logical3A_244 = arith.shrui %get3A_242, %shift_right_logical3A_243 : vector<16xi32>
      %and3A = arith.constant 4095 : i32
      %and3A_245 = vector.broadcast %and3A : i32 to vector<16xi32>
      %and3A_246 = arith.andi %get3A_242, %and3A_245 : vector<16xi32>
      %mul3A_247 = arith.constant 16 : i32
      %mul3A_248 = arith.muli %while3A_238, %mul3A_247 : i32
      %add3A_249 = vector.broadcast %mul3A_248 : i32 to vector<16xi32>
      %add3A_250 = arith.addi %add3A_249, %iota3A : vector<16xi32>
      %lt3A = vector.broadcast %scan3A_44#0 : i32 to vector<16xi32>
      %lt3A_251 = arith.cmpi slt, %add3A_250, %lt3A : vector<16xi32>
      %ge3A = vector.broadcast %add3A_96 : i32 to vector<16xi32>
      %ge3A_252 = arith.cmpi sge, %shift_right_logical3A_244, %ge3A : vector<16xi32>
      %and3A_253 = arith.andi %lt3A_251, %ge3A_252 : vector<16xi1>
      %add3A_254 = arith.constant 640 : i32
      %add3A_255 = arith.addi %add3A_96, %add3A_254 : i32
      %lt3A_256 = vector.broadcast %add3A_255 : i32 to vector<16xi32>
      %lt3A_257 = arith.cmpi slt, %shift_right_logical3A_244, %lt3A_256 : vector<16xi32>
      %and3A_258 = arith.andi %and3A_253, %lt3A_257 : vector<16xi1>
      %while3A_259:2 = scf.while (%while3A_260 = %and3A_258, %while3A_261 = %while3A_239) : (vector<16xi1>, i32) -> (vector<16xi1>, i32) {
        %all_reduce_population_count3A = tpu.all_reduce %while3A_260 {dim = 0 : i64, kind = #tpu.reduction_kind<sum>} : vector<16xi1> -> vector<16xi32>
        %slice3A = vector.extract_strided_slice %all_reduce_population_count3A {offsets = [0], sizes = [1], strides = [1]} : vector<16xi32> to vector<1xi32>
        %squeeze3A = vector.extract %slice3A[0] : i32 from vector<1xi32>
        %gt3A = arith.constant 0 : i32
        %gt3A_262 = arith.cmpi sgt, %squeeze3A, %gt3A : i32
        scf.condition(%gt3A_262) %while3A_260, %while3A_261 : vector<16xi1>, i32
      } do {
      ^bb0(%while3A_260: vector<16xi1>, %while3A_261: i32):
        %all_reduce_ffs3A = tpu.all_reduce %while3A_260 {dim = 0 : i64, kind = #tpu.reduction_kind<find_first_set>} : vector<16xi1> -> vector<16xi32>
        %slice3A = vector.extract_strided_slice %all_reduce_ffs3A {offsets = [0], sizes = [1], strides = [1]} : vector<16xi32> to vector<1xi32>
        %squeeze3A = vector.extract %slice3A[0] : i32 from vector<1xi32>
        %eq3A = vector.broadcast %squeeze3A : i32 to vector<16xi32>
        %eq3A_262 = arith.cmpi eq, %iota3A, %eq3A : vector<16xi32>
        %jit3A = arith.constant 0 : i32
        %broadcast_in_dim3A = vector.broadcast %jit3A : i32 to vector<16xi32>
        %select_n3A = arith.select %eq3A_262, %shift_right_logical3A_244, %broadcast_in_dim3A : vector<16xi1>, vector<16xi32>
        %reduce_sum3A = arith.constant true
        %reduce_sum3A_263 = vector.broadcast %reduce_sum3A : i1 to vector<16xi1>
        %reduce_sum3A_264 = tpu.scan <sum>, %select_n3A masked %reduce_sum3A_263 : vector<16xi32>, vector<16xi1> -> vector<16xi32>
        %reduce_sum3A_265 = vector.extract %reduce_sum3A_264[15] : i32 from vector<16xi32>
        %jit3A_266 = arith.constant 0 : i32
        %broadcast_in_dim3A_267 = vector.broadcast %jit3A_266 : i32 to vector<16xi32>
        %select_n3A_268 = arith.select %eq3A_262, %and3A_246, %broadcast_in_dim3A_267 : vector<16xi1>, vector<16xi32>
        %reduce_sum3A_269 = arith.constant true
        %reduce_sum3A_270 = vector.broadcast %reduce_sum3A_269 : i1 to vector<16xi1>
        %reduce_sum3A_271 = tpu.scan <sum>, %select_n3A_268 masked %reduce_sum3A_270 : vector<16xi32>, vector<16xi1> -> vector<16xi32>
        %reduce_sum3A_272 = vector.extract %reduce_sum3A_271[15] : i32 from vector<16xi32>
        %sub3A_273 = arith.subi %reduce_sum3A_265, %add3A_96 : i32
        %ge3A_274 = arith.constant 16 : i32
        %ge3A_275 = arith.cmpi sge, %while3A_261, %ge3A_274 : i32
        %convert_element_type3A = arith.extui %ge3A_275 : i1 to i32
        %cond3A = arith.constant 0 : i32
        %cond3A_276 = arith.cmpi ne, %convert_element_type3A, %cond3A : i32
        scf.if %cond3A_276 {
          %dma_wait3A_327 = arith.constant 0 : i32
          %dma_wait3A_328 = tpu.memref_slice %arg12[%dma_wait3A_327] : memref<2048xf32, #tpu.memory_space<vmem>> -> memref<128xf32, #tpu.memory_space<vmem>>
          %dma_wait3A_329 = arith.constant 0 : i32
          %dma_wait3A_330 = tpu.memref_slice %arg5[%dma_wait3A_329] : memref<524288xf32, #tpu.memory_space<hbm>> -> memref<128xf32, #tpu.memory_space<hbm>>
          %dma_wait3A_331 = arith.constant 0 : i32
          %dma_wait3A_332 = tpu.memref_slice %arg12[%dma_wait3A_331] : memref<2048xf32, #tpu.memory_space<vmem>> -> memref<128xf32, #tpu.memory_space<vmem>>
          %dma_wait3A_333 = arith.constant 0 : i32
          %dma_wait3A_334 = tpu.memref_slice %arg5[%dma_wait3A_333] : memref<524288xf32, #tpu.memory_space<hbm>> -> memref<128xf32, #tpu.memory_space<hbm>>
          tpu.wait_dma2 semaphore(%arg15 : memref<!tpu.dma_semaphore, #tpu.memory_space<semaphore_mem>>) src(%dma_wait3A_334 : memref<128xf32, #tpu.memory_space<hbm>>) dst(%dma_wait3A_332 : memref<128xf32, #tpu.memory_space<vmem>>)
        } else {
        }
        %and3A_277 = arith.constant 15 : i32
        %and3A_278 = arith.andi %while3A_261, %and3A_277 : i32
        %mul3A_279 = arith.constant 128 : i32
        %mul3A_280 = arith.muli %and3A_278, %mul3A_279 : i32
        %broadcast_in_dim3A_281 = arith.constant 0 : i32
        %broadcast_in_dim3A_282 = vector.broadcast %broadcast_in_dim3A_281 : i32 to vector<16xi32>
        %add3A_283 = vector.broadcast %sub3A_273 : i32 to vector<16xi32>
        %add3A_284 = arith.addi %broadcast_in_dim3A_282, %add3A_283 : vector<16xi32>
        %add3A_285 = arith.constant 0 : i32
        %add3A_286 = vector.broadcast %add3A_285 : i32 to vector<16xi32>
        %add3A_287 = arith.addi %add3A_286, %iota3A : vector<16xi32>
        %gather3A = tpu.vector_load_idx %arg7[%add3A_287, %add3A_284] : memref<64x648xf32, #tpu.memory_space<vmem>>[vector<16xi32>, vector<16xi32>], vector<16xf32>,
        %add3A_288 = arith.constant 0 : i32
        %add3A_289 = arith.addi %mul3A_280, %add3A_288 : i32
        %swap3A = arith.index_cast %add3A_289 : i32 to index
        %swap3A_290 = tpu.vector_load %arg12[%swap3A] {strides = array<i32>} : memref<2048xf32, #tpu.memory_space<vmem>>, vector<16xf32>,
        tpu.vector_store %arg12[%swap3A], %gather3A {strides = array<i32>} : memref<2048xf32, #tpu.memory_space<vmem>>, vector<16xf32>,
        %add3A_291 = arith.constant 16 : i32
        %add3A_292 = vector.broadcast %add3A_291 : i32 to vector<16xi32>
        %add3A_293 = arith.addi %add3A_292, %iota3A : vector<16xi32>
        %gather3A_294 = tpu.vector_load_idx %arg7[%add3A_293, %add3A_284] : memref<64x648xf32, #tpu.memory_space<vmem>>[vector<16xi32>, vector<16xi32>], vector<16xf32>,
        %add3A_295 = arith.constant 16 : i32
        %add3A_296 = arith.addi %mul3A_280, %add3A_295 : i32
        %swap3A_297 = arith.index_cast %add3A_296 : i32 to index
        %swap3A_298 = tpu.vector_load %arg12[%swap3A_297] {strides = array<i32>} : memref<2048xf32, #tpu.memory_space<vmem>>, vector<16xf32>,
        tpu.vector_store %arg12[%swap3A_297], %gather3A_294 {strides = array<i32>} : memref<2048xf32, #tpu.memory_space<vmem>>, vector<16xf32>,
        %add3A_299 = arith.constant 32 : i32
        %add3A_300 = vector.broadcast %add3A_299 : i32 to vector<16xi32>
        %add3A_301 = arith.addi %add3A_300, %iota3A : vector<16xi32>
        %gather3A_302 = tpu.vector_load_idx %arg7[%add3A_301, %add3A_284] : memref<64x648xf32, #tpu.memory_space<vmem>>[vector<16xi32>, vector<16xi32>], vector<16xf32>,
        %add3A_303 = arith.constant 32 : i32
        %add3A_304 = arith.addi %mul3A_280, %add3A_303 : i32
        %swap3A_305 = arith.index_cast %add3A_304 : i32 to index
        %swap3A_306 = tpu.vector_load %arg12[%swap3A_305] {strides = array<i32>} : memref<2048xf32, #tpu.memory_space<vmem>>, vector<16xf32>,
        tpu.vector_store %arg12[%swap3A_305], %gather3A_302 {strides = array<i32>} : memref<2048xf32, #tpu.memory_space<vmem>>, vector<16xf32>,
        %add3A_307 = arith.constant 48 : i32
        %add3A_308 = vector.broadcast %add3A_307 : i32 to vector<16xi32>
        %add3A_309 = arith.addi %add3A_308, %iota3A : vector<16xi32>
        %gather3A_310 = tpu.vector_load_idx %arg7[%add3A_309, %add3A_284] : memref<64x648xf32, #tpu.memory_space<vmem>>[vector<16xi32>, vector<16xi32>], vector<16xf32>,
        %add3A_311 = arith.constant 48 : i32
        %add3A_312 = arith.addi %mul3A_280, %add3A_311 : i32
        %swap3A_313 = arith.index_cast %add3A_312 : i32 to index
        %swap3A_314 = tpu.vector_load %arg12[%swap3A_313] {strides = array<i32>} : memref<2048xf32, #tpu.memory_space<vmem>>, vector<16xf32>,
        tpu.vector_store %arg12[%swap3A_313], %gather3A_310 {strides = array<i32>} : memref<2048xf32, #tpu.memory_space<vmem>>, vector<16xf32>,
        %multiple_of3A_315 = tpu.assume_multiple %mul3A_280, 128 : i32
        %mul3A_316 = arith.constant 128 : i32
        %mul3A_317 = arith.muli %reduce_sum3A_272, %mul3A_316 : i32
        %multiple_of3A_318 = tpu.assume_multiple %mul3A_317, 128 : i32
        %dma_start3A_319 = tpu.memref_slice %arg12[%multiple_of3A_315] : memref<2048xf32, #tpu.memory_space<vmem>> -> memref<128xf32, #tpu.memory_space<vmem>>
        %dma_start3A_320 = tpu.memref_slice %arg5[%multiple_of3A_318] : memref<524288xf32, #tpu.memory_space<hbm>> -> memref<128xf32, #tpu.memory_space<hbm>>
        %dma_start3A_321 = tpu.memref_slice %arg5[%multiple_of3A_318] : memref<524288xf32, #tpu.memory_space<hbm>> -> memref<128xf32, #tpu.memory_space<hbm>>
        %dma_start3A_322 = tpu.memref_slice %arg12[%multiple_of3A_315] : memref<2048xf32, #tpu.memory_space<vmem>> -> memref<128xf32, #tpu.memory_space<vmem>>
        tpu.enqueue_dma source(%dma_start3A_322 : memref<128xf32, #tpu.memory_space<vmem>>) target(%dma_start3A_321 : memref<128xf32, #tpu.memory_space<hbm>>) target_semaphore(%arg15 : memref<!tpu.dma_semaphore, #tpu.memory_space<semaphore_mem>>)
        %add3A_323 = arith.constant 1 : i32
        %add3A_324 = arith.addi %while3A_261, %add3A_323 : i32
        %not3A = arith.constant dense<true> : vector<16xi1>
        %not3A_325 = arith.xori %eq3A_262, %not3A : vector<16xi1>
        %and3A_326 = arith.andi %while3A_260, %not3A_325 : vector<16xi1>
        scf.yield %and3A_326, %add3A_324 : vector<16xi1>, i32
      }
      scf.yield %while3A_259#1 : i32
    }
    %add3A_108 = arith.constant 1920 : i32
    %add3A_109 = arith.addi %multiple_of3A, %add3A_108 : i32
    %multiple_of3A_110 = tpu.assume_multiple %add3A_109, 128 : i32
    %dma_start3A_111 = arith.constant 0 : i32
    %dma_start3A_112 = arith.constant 0 : i32
    %dma_start3A_113 = tpu.memref_slice %arg7[%dma_start3A_111, %dma_start3A_112] : memref<64x648xf32, #tpu.memory_space<vmem>> -> memref<64x640xf32, #tpu.memory_space<vmem>>
    %dma_start3A_114 = arith.constant 0 : i32
    %dma_start3A_115 = tpu.memref_slice %arg2[%dma_start3A_114, %multiple_of3A_110] : memref<64x100000xf32, #tpu.memory_space<hbm>> -> memref<64x640xf32, #tpu.memory_space<hbm>>
    %dma_start3A_116 = arith.constant 0 : i32
    %dma_start3A_117 = arith.constant 0 : i32
    %dma_start3A_118 = tpu.memref_slice %arg7[%dma_start3A_116, %dma_start3A_117] : memref<64x648xf32, #tpu.memory_space<vmem>> -> memref<64x640xf32, #tpu.memory_space<vmem>>
    %dma_start3A_119 = arith.constant 0 : i32
    %dma_start3A_120 = tpu.memref_slice %arg2[%dma_start3A_119, %multiple_of3A_110] : memref<64x100000xf32, #tpu.memory_space<hbm>> -> memref<64x640xf32, #tpu.memory_space<hbm>>
    tpu.enqueue_dma source(%dma_start3A_120 : memref<64x640xf32, #tpu.memory_space<hbm>>) target(%dma_start3A_118 : memref<64x640xf32, #tpu.memory_space<vmem>>) target_semaphore(%arg14 : memref<!tpu.dma_semaphore, #tpu.memory_space<semaphore_mem>>)
    %dma_wait3A_121 = arith.constant 0 : i32
    %dma_wait3A_122 = arith.constant 0 : i32
    %dma_wait3A_123 = tpu.memref_slice %arg6[%dma_wait3A_121, %dma_wait3A_122] : memref<64x648xf32, #tpu.memory_space<vmem>> -> memref<64x640xf32, #tpu.memory_space<vmem>>
    %dma_wait3A_124 = arith.constant 0 : i32
    %dma_wait3A_125 = tpu.memref_slice %arg2[%dma_wait3A_124, %multiple_of3A_74] : memref<64x100000xf32, #tpu.memory_space<hbm>> -> memref<64x640xf32, #tpu.memory_space<hbm>>
    %dma_wait3A_126 = arith.constant 0 : i32
    %dma_wait3A_127 = arith.constant 0 : i32
    %dma_wait3A_128 = tpu.memref_slice %arg6[%dma_wait3A_126, %dma_wait3A_127] : memref<64x648xf32, #tpu.memory_space<vmem>> -> memref<64x640xf32, #tpu.memory_space<vmem>>
    %dma_wait3A_129 = arith.constant 0 : i32
    %dma_wait3A_130 = tpu.memref_slice %arg2[%dma_wait3A_129, %multiple_of3A_74] : memref<64x100000xf32, #tpu.memory_space<hbm>> -> memref<64x640xf32, #tpu.memory_space<hbm>>
    tpu.wait_dma2 semaphore(%arg13 : memref<!tpu.dma_semaphore, #tpu.memory_space<semaphore_mem>>) src(%dma_wait3A_130 : memref<64x640xf32, #tpu.memory_space<hbm>>) dst(%dma_wait3A_128 : memref<64x640xf32, #tpu.memory_space<vmem>>)
    %add3A_131 = arith.constant 1280 : i32
    %add3A_132 = arith.addi %multiple_of3A, %add3A_131 : i32
    %while3A_133 = arith.constant 0 : i32
    %while3A_134 = arith.subi %div3A_49, %while3A_133 : i32
    %while3A_135 = arith.addi %while3A_133, %while3A_134 : i32
    %while3A_136 = arith.constant 1 : i32
    %while3A_137 = arith.divsi %while3A_134, %while3A_136 : i32
    %while3A_138 = arith.muli %while3A_137, %while3A_136 : i32
    %while3A_139 = arith.addi %while3A_133, %while3A_138 : i32
    %while3A_140 = arith.constant 1 : i32
    %while3A_141 = scf.for %while3A_238 = %while3A_133 to %while3A_139 step %while3A_140 iter_args(%while3A_239 = %while3A_107) -> (i32)  : i32 {
      %mul3A_240 = arith.constant 16 : i32
      %mul3A_241 = arith.muli %while3A_238, %mul3A_240 : i32
      %get3A = arith.index_cast %mul3A_241 : i32 to index
      %get3A_242 = tpu.vector_load %arg10[%get3A] {strides = array<i32>} : memref<4112xi32, #tpu.memory_space<vmem>>, vector<16xi32>,
      %shift_right_logical3A = arith.constant 12 : i32
      %shift_right_logical3A_243 = vector.broadcast %shift_right_logical3A : i32 to vector<16xi32>
      %shift_right_logical3A_244 = arith.shrui %get3A_242, %shift_right_logical3A_243 : vector<16xi32>
      %and3A = arith.constant 4095 : i32
      %and3A_245 = vector.broadcast %and3A : i32 to vector<16xi32>
      %and3A_246 = arith.andi %get3A_242, %and3A_245 : vector<16xi32>
      %mul3A_247 = arith.constant 16 : i32
      %mul3A_248 = arith.muli %while3A_238, %mul3A_247 : i32
      %add3A_249 = vector.broadcast %mul3A_248 : i32 to vector<16xi32>
      %add3A_250 = arith.addi %add3A_249, %iota3A : vector<16xi32>
      %lt3A = vector.broadcast %scan3A_44#0 : i32 to vector<16xi32>
      %lt3A_251 = arith.cmpi slt, %add3A_250, %lt3A : vector<16xi32>
      %ge3A = vector.broadcast %add3A_132 : i32 to vector<16xi32>
      %ge3A_252 = arith.cmpi sge, %shift_right_logical3A_244, %ge3A : vector<16xi32>
      %and3A_253 = arith.andi %lt3A_251, %ge3A_252 : vector<16xi1>
      %add3A_254 = arith.constant 640 : i32
      %add3A_255 = arith.addi %add3A_132, %add3A_254 : i32
      %lt3A_256 = vector.broadcast %add3A_255 : i32 to vector<16xi32>
      %lt3A_257 = arith.cmpi slt, %shift_right_logical3A_244, %lt3A_256 : vector<16xi32>
      %and3A_258 = arith.andi %and3A_253, %lt3A_257 : vector<16xi1>
      %while3A_259:2 = scf.while (%while3A_260 = %and3A_258, %while3A_261 = %while3A_239) : (vector<16xi1>, i32) -> (vector<16xi1>, i32) {
        %all_reduce_population_count3A = tpu.all_reduce %while3A_260 {dim = 0 : i64, kind = #tpu.reduction_kind<sum>} : vector<16xi1> -> vector<16xi32>
        %slice3A = vector.extract_strided_slice %all_reduce_population_count3A {offsets = [0], sizes = [1], strides = [1]} : vector<16xi32> to vector<1xi32>
        %squeeze3A = vector.extract %slice3A[0] : i32 from vector<1xi32>
        %gt3A = arith.constant 0 : i32
        %gt3A_262 = arith.cmpi sgt, %squeeze3A, %gt3A : i32
        scf.condition(%gt3A_262) %while3A_260, %while3A_261 : vector<16xi1>, i32
      } do {
      ^bb0(%while3A_260: vector<16xi1>, %while3A_261: i32):
        %all_reduce_ffs3A = tpu.all_reduce %while3A_260 {dim = 0 : i64, kind = #tpu.reduction_kind<find_first_set>} : vector<16xi1> -> vector<16xi32>
        %slice3A = vector.extract_strided_slice %all_reduce_ffs3A {offsets = [0], sizes = [1], strides = [1]} : vector<16xi32> to vector<1xi32>
        %squeeze3A = vector.extract %slice3A[0] : i32 from vector<1xi32>
        %eq3A = vector.broadcast %squeeze3A : i32 to vector<16xi32>
        %eq3A_262 = arith.cmpi eq, %iota3A, %eq3A : vector<16xi32>
        %jit3A = arith.constant 0 : i32
        %broadcast_in_dim3A = vector.broadcast %jit3A : i32 to vector<16xi32>
        %select_n3A = arith.select %eq3A_262, %shift_right_logical3A_244, %broadcast_in_dim3A : vector<16xi1>, vector<16xi32>
        %reduce_sum3A = arith.constant true
        %reduce_sum3A_263 = vector.broadcast %reduce_sum3A : i1 to vector<16xi1>
        %reduce_sum3A_264 = tpu.scan <sum>, %select_n3A masked %reduce_sum3A_263 : vector<16xi32>, vector<16xi1> -> vector<16xi32>
        %reduce_sum3A_265 = vector.extract %reduce_sum3A_264[15] : i32 from vector<16xi32>
        %jit3A_266 = arith.constant 0 : i32
        %broadcast_in_dim3A_267 = vector.broadcast %jit3A_266 : i32 to vector<16xi32>
        %select_n3A_268 = arith.select %eq3A_262, %and3A_246, %broadcast_in_dim3A_267 : vector<16xi1>, vector<16xi32>
        %reduce_sum3A_269 = arith.constant true
        %reduce_sum3A_270 = vector.broadcast %reduce_sum3A_269 : i1 to vector<16xi1>
        %reduce_sum3A_271 = tpu.scan <sum>, %select_n3A_268 masked %reduce_sum3A_270 : vector<16xi32>, vector<16xi1> -> vector<16xi32>
        %reduce_sum3A_272 = vector.extract %reduce_sum3A_271[15] : i32 from vector<16xi32>
        %sub3A_273 = arith.subi %reduce_sum3A_265, %add3A_132 : i32
        %ge3A_274 = arith.constant 16 : i32
        %ge3A_275 = arith.cmpi sge, %while3A_261, %ge3A_274 : i32
        %convert_element_type3A = arith.extui %ge3A_275 : i1 to i32
        %cond3A = arith.constant 0 : i32
        %cond3A_276 = arith.cmpi ne, %convert_element_type3A, %cond3A : i32
        scf.if %cond3A_276 {
          %dma_wait3A_327 = arith.constant 0 : i32
          %dma_wait3A_328 = tpu.memref_slice %arg12[%dma_wait3A_327] : memref<2048xf32, #tpu.memory_space<vmem>> -> memref<128xf32, #tpu.memory_space<vmem>>
          %dma_wait3A_329 = arith.constant 0 : i32
          %dma_wait3A_330 = tpu.memref_slice %arg5[%dma_wait3A_329] : memref<524288xf32, #tpu.memory_space<hbm>> -> memref<128xf32, #tpu.memory_space<hbm>>
          %dma_wait3A_331 = arith.constant 0 : i32
          %dma_wait3A_332 = tpu.memref_slice %arg12[%dma_wait3A_331] : memref<2048xf32, #tpu.memory_space<vmem>> -> memref<128xf32, #tpu.memory_space<vmem>>
          %dma_wait3A_333 = arith.constant 0 : i32
          %dma_wait3A_334 = tpu.memref_slice %arg5[%dma_wait3A_333] : memref<524288xf32, #tpu.memory_space<hbm>> -> memref<128xf32, #tpu.memory_space<hbm>>
          tpu.wait_dma2 semaphore(%arg15 : memref<!tpu.dma_semaphore, #tpu.memory_space<semaphore_mem>>) src(%dma_wait3A_334 : memref<128xf32, #tpu.memory_space<hbm>>) dst(%dma_wait3A_332 : memref<128xf32, #tpu.memory_space<vmem>>)
        } else {
        }
        %and3A_277 = arith.constant 15 : i32
        %and3A_278 = arith.andi %while3A_261, %and3A_277 : i32
        %mul3A_279 = arith.constant 128 : i32
        %mul3A_280 = arith.muli %and3A_278, %mul3A_279 : i32
        %broadcast_in_dim3A_281 = arith.constant 0 : i32
        %broadcast_in_dim3A_282 = vector.broadcast %broadcast_in_dim3A_281 : i32 to vector<16xi32>
        %add3A_283 = vector.broadcast %sub3A_273 : i32 to vector<16xi32>
        %add3A_284 = arith.addi %broadcast_in_dim3A_282, %add3A_283 : vector<16xi32>
        %add3A_285 = arith.constant 0 : i32
        %add3A_286 = vector.broadcast %add3A_285 : i32 to vector<16xi32>
        %add3A_287 = arith.addi %add3A_286, %iota3A : vector<16xi32>
        %gather3A = tpu.vector_load_idx %arg6[%add3A_287, %add3A_284] : memref<64x648xf32, #tpu.memory_space<vmem>>[vector<16xi32>, vector<16xi32>], vector<16xf32>,
        %add3A_288 = arith.constant 0 : i32
        %add3A_289 = arith.addi %mul3A_280, %add3A_288 : i32
        %swap3A = arith.index_cast %add3A_289 : i32 to index
        %swap3A_290 = tpu.vector_load %arg12[%swap3A] {strides = array<i32>} : memref<2048xf32, #tpu.memory_space<vmem>>, vector<16xf32>,
        tpu.vector_store %arg12[%swap3A], %gather3A {strides = array<i32>} : memref<2048xf32, #tpu.memory_space<vmem>>, vector<16xf32>,
        %add3A_291 = arith.constant 16 : i32
        %add3A_292 = vector.broadcast %add3A_291 : i32 to vector<16xi32>
        %add3A_293 = arith.addi %add3A_292, %iota3A : vector<16xi32>
        %gather3A_294 = tpu.vector_load_idx %arg6[%add3A_293, %add3A_284] : memref<64x648xf32, #tpu.memory_space<vmem>>[vector<16xi32>, vector<16xi32>], vector<16xf32>,
        %add3A_295 = arith.constant 16 : i32
        %add3A_296 = arith.addi %mul3A_280, %add3A_295 : i32
        %swap3A_297 = arith.index_cast %add3A_296 : i32 to index
        %swap3A_298 = tpu.vector_load %arg12[%swap3A_297] {strides = array<i32>} : memref<2048xf32, #tpu.memory_space<vmem>>, vector<16xf32>,
        tpu.vector_store %arg12[%swap3A_297], %gather3A_294 {strides = array<i32>} : memref<2048xf32, #tpu.memory_space<vmem>>, vector<16xf32>,
        %add3A_299 = arith.constant 32 : i32
        %add3A_300 = vector.broadcast %add3A_299 : i32 to vector<16xi32>
        %add3A_301 = arith.addi %add3A_300, %iota3A : vector<16xi32>
        %gather3A_302 = tpu.vector_load_idx %arg6[%add3A_301, %add3A_284] : memref<64x648xf32, #tpu.memory_space<vmem>>[vector<16xi32>, vector<16xi32>], vector<16xf32>,
        %add3A_303 = arith.constant 32 : i32
        %add3A_304 = arith.addi %mul3A_280, %add3A_303 : i32
        %swap3A_305 = arith.index_cast %add3A_304 : i32 to index
        %swap3A_306 = tpu.vector_load %arg12[%swap3A_305] {strides = array<i32>} : memref<2048xf32, #tpu.memory_space<vmem>>, vector<16xf32>,
        tpu.vector_store %arg12[%swap3A_305], %gather3A_302 {strides = array<i32>} : memref<2048xf32, #tpu.memory_space<vmem>>, vector<16xf32>,
        %add3A_307 = arith.constant 48 : i32
        %add3A_308 = vector.broadcast %add3A_307 : i32 to vector<16xi32>
        %add3A_309 = arith.addi %add3A_308, %iota3A : vector<16xi32>
        %gather3A_310 = tpu.vector_load_idx %arg6[%add3A_309, %add3A_284] : memref<64x648xf32, #tpu.memory_space<vmem>>[vector<16xi32>, vector<16xi32>], vector<16xf32>,
        %add3A_311 = arith.constant 48 : i32
        %add3A_312 = arith.addi %mul3A_280, %add3A_311 : i32
        %swap3A_313 = arith.index_cast %add3A_312 : i32 to index
        %swap3A_314 = tpu.vector_load %arg12[%swap3A_313] {strides = array<i32>} : memref<2048xf32, #tpu.memory_space<vmem>>, vector<16xf32>,
        tpu.vector_store %arg12[%swap3A_313], %gather3A_310 {strides = array<i32>} : memref<2048xf32, #tpu.memory_space<vmem>>, vector<16xf32>,
        %multiple_of3A_315 = tpu.assume_multiple %mul3A_280, 128 : i32
        %mul3A_316 = arith.constant 128 : i32
        %mul3A_317 = arith.muli %reduce_sum3A_272, %mul3A_316 : i32
        %multiple_of3A_318 = tpu.assume_multiple %mul3A_317, 128 : i32
        %dma_start3A_319 = tpu.memref_slice %arg12[%multiple_of3A_315] : memref<2048xf32, #tpu.memory_space<vmem>> -> memref<128xf32, #tpu.memory_space<vmem>>
        %dma_start3A_320 = tpu.memref_slice %arg5[%multiple_of3A_318] : memref<524288xf32, #tpu.memory_space<hbm>> -> memref<128xf32, #tpu.memory_space<hbm>>
        %dma_start3A_321 = tpu.memref_slice %arg5[%multiple_of3A_318] : memref<524288xf32, #tpu.memory_space<hbm>> -> memref<128xf32, #tpu.memory_space<hbm>>
        %dma_start3A_322 = tpu.memref_slice %arg12[%multiple_of3A_315] : memref<2048xf32, #tpu.memory_space<vmem>> -> memref<128xf32, #tpu.memory_space<vmem>>
        tpu.enqueue_dma source(%dma_start3A_322 : memref<128xf32, #tpu.memory_space<vmem>>) target(%dma_start3A_321 : memref<128xf32, #tpu.memory_space<hbm>>) target_semaphore(%arg15 : memref<!tpu.dma_semaphore, #tpu.memory_space<semaphore_mem>>)
        %add3A_323 = arith.constant 1 : i32
        %add3A_324 = arith.addi %while3A_261, %add3A_323 : i32
        %not3A = arith.constant dense<true> : vector<16xi1>
        %not3A_325 = arith.xori %eq3A_262, %not3A : vector<16xi1>
        %and3A_326 = arith.andi %while3A_260, %not3A_325 : vector<16xi1>
        scf.yield %and3A_326, %add3A_324 : vector<16xi1>, i32
      }
      scf.yield %while3A_259#1 : i32
    }
    %while3A_142 = arith.constant 1 : i32
    %while3A_143 = scf.for %while3A_238 = %while3A_139 to %while3A_135 step %while3A_142 iter_args(%while3A_239 = %while3A_141) -> (i32)  : i32 {
      %mul3A_240 = arith.constant 16 : i32
      %mul3A_241 = arith.muli %while3A_238, %mul3A_240 : i32
      %get3A = arith.index_cast %mul3A_241 : i32 to index
      %get3A_242 = tpu.vector_load %arg10[%get3A] {strides = array<i32>} : memref<4112xi32, #tpu.memory_space<vmem>>, vector<16xi32>,
      %shift_right_logical3A = arith.constant 12 : i32
      %shift_right_logical3A_243 = vector.broadcast %shift_right_logical3A : i32 to vector<16xi32>
      %shift_right_logical3A_244 = arith.shrui %get3A_242, %shift_right_logical3A_243 : vector<16xi32>
      %and3A = arith.constant 4095 : i32
      %and3A_245 = vector.broadcast %and3A : i32 to vector<16xi32>
      %and3A_246 = arith.andi %get3A_242, %and3A_245 : vector<16xi32>
      %mul3A_247 = arith.constant 16 : i32
      %mul3A_248 = arith.muli %while3A_238, %mul3A_247 : i32
      %add3A_249 = vector.broadcast %mul3A_248 : i32 to vector<16xi32>
      %add3A_250 = arith.addi %add3A_249, %iota3A : vector<16xi32>
      %lt3A = vector.broadcast %scan3A_44#0 : i32 to vector<16xi32>
      %lt3A_251 = arith.cmpi slt, %add3A_250, %lt3A : vector<16xi32>
      %ge3A = vector.broadcast %add3A_132 : i32 to vector<16xi32>
      %ge3A_252 = arith.cmpi sge, %shift_right_logical3A_244, %ge3A : vector<16xi32>
      %and3A_253 = arith.andi %lt3A_251, %ge3A_252 : vector<16xi1>
      %add3A_254 = arith.constant 640 : i32
      %add3A_255 = arith.addi %add3A_132, %add3A_254 : i32
      %lt3A_256 = vector.broadcast %add3A_255 : i32 to vector<16xi32>
      %lt3A_257 = arith.cmpi slt, %shift_right_logical3A_244, %lt3A_256 : vector<16xi32>
      %and3A_258 = arith.andi %and3A_253, %lt3A_257 : vector<16xi1>
      %while3A_259:2 = scf.while (%while3A_260 = %and3A_258, %while3A_261 = %while3A_239) : (vector<16xi1>, i32) -> (vector<16xi1>, i32) {
        %all_reduce_population_count3A = tpu.all_reduce %while3A_260 {dim = 0 : i64, kind = #tpu.reduction_kind<sum>} : vector<16xi1> -> vector<16xi32>
        %slice3A = vector.extract_strided_slice %all_reduce_population_count3A {offsets = [0], sizes = [1], strides = [1]} : vector<16xi32> to vector<1xi32>
        %squeeze3A = vector.extract %slice3A[0] : i32 from vector<1xi32>
        %gt3A = arith.constant 0 : i32
        %gt3A_262 = arith.cmpi sgt, %squeeze3A, %gt3A : i32
        scf.condition(%gt3A_262) %while3A_260, %while3A_261 : vector<16xi1>, i32
      } do {
      ^bb0(%while3A_260: vector<16xi1>, %while3A_261: i32):
        %all_reduce_ffs3A = tpu.all_reduce %while3A_260 {dim = 0 : i64, kind = #tpu.reduction_kind<find_first_set>} : vector<16xi1> -> vector<16xi32>
        %slice3A = vector.extract_strided_slice %all_reduce_ffs3A {offsets = [0], sizes = [1], strides = [1]} : vector<16xi32> to vector<1xi32>
        %squeeze3A = vector.extract %slice3A[0] : i32 from vector<1xi32>
        %eq3A = vector.broadcast %squeeze3A : i32 to vector<16xi32>
        %eq3A_262 = arith.cmpi eq, %iota3A, %eq3A : vector<16xi32>
        %jit3A = arith.constant 0 : i32
        %broadcast_in_dim3A = vector.broadcast %jit3A : i32 to vector<16xi32>
        %select_n3A = arith.select %eq3A_262, %shift_right_logical3A_244, %broadcast_in_dim3A : vector<16xi1>, vector<16xi32>
        %reduce_sum3A = arith.constant true
        %reduce_sum3A_263 = vector.broadcast %reduce_sum3A : i1 to vector<16xi1>
        %reduce_sum3A_264 = tpu.scan <sum>, %select_n3A masked %reduce_sum3A_263 : vector<16xi32>, vector<16xi1> -> vector<16xi32>
        %reduce_sum3A_265 = vector.extract %reduce_sum3A_264[15] : i32 from vector<16xi32>
        %jit3A_266 = arith.constant 0 : i32
        %broadcast_in_dim3A_267 = vector.broadcast %jit3A_266 : i32 to vector<16xi32>
        %select_n3A_268 = arith.select %eq3A_262, %and3A_246, %broadcast_in_dim3A_267 : vector<16xi1>, vector<16xi32>
        %reduce_sum3A_269 = arith.constant true
        %reduce_sum3A_270 = vector.broadcast %reduce_sum3A_269 : i1 to vector<16xi1>
        %reduce_sum3A_271 = tpu.scan <sum>, %select_n3A_268 masked %reduce_sum3A_270 : vector<16xi32>, vector<16xi1> -> vector<16xi32>
        %reduce_sum3A_272 = vector.extract %reduce_sum3A_271[15] : i32 from vector<16xi32>
        %sub3A_273 = arith.subi %reduce_sum3A_265, %add3A_132 : i32
        %ge3A_274 = arith.constant 16 : i32
        %ge3A_275 = arith.cmpi sge, %while3A_261, %ge3A_274 : i32
        %convert_element_type3A = arith.extui %ge3A_275 : i1 to i32
        %cond3A = arith.constant 0 : i32
        %cond3A_276 = arith.cmpi ne, %convert_element_type3A, %cond3A : i32
        scf.if %cond3A_276 {
          %dma_wait3A_327 = arith.constant 0 : i32
          %dma_wait3A_328 = tpu.memref_slice %arg12[%dma_wait3A_327] : memref<2048xf32, #tpu.memory_space<vmem>> -> memref<128xf32, #tpu.memory_space<vmem>>
          %dma_wait3A_329 = arith.constant 0 : i32
          %dma_wait3A_330 = tpu.memref_slice %arg5[%dma_wait3A_329] : memref<524288xf32, #tpu.memory_space<hbm>> -> memref<128xf32, #tpu.memory_space<hbm>>
          %dma_wait3A_331 = arith.constant 0 : i32
          %dma_wait3A_332 = tpu.memref_slice %arg12[%dma_wait3A_331] : memref<2048xf32, #tpu.memory_space<vmem>> -> memref<128xf32, #tpu.memory_space<vmem>>
          %dma_wait3A_333 = arith.constant 0 : i32
          %dma_wait3A_334 = tpu.memref_slice %arg5[%dma_wait3A_333] : memref<524288xf32, #tpu.memory_space<hbm>> -> memref<128xf32, #tpu.memory_space<hbm>>
          tpu.wait_dma2 semaphore(%arg15 : memref<!tpu.dma_semaphore, #tpu.memory_space<semaphore_mem>>) src(%dma_wait3A_334 : memref<128xf32, #tpu.memory_space<hbm>>) dst(%dma_wait3A_332 : memref<128xf32, #tpu.memory_space<vmem>>)
        } else {
        }
        %and3A_277 = arith.constant 15 : i32
        %and3A_278 = arith.andi %while3A_261, %and3A_277 : i32
        %mul3A_279 = arith.constant 128 : i32
        %mul3A_280 = arith.muli %and3A_278, %mul3A_279 : i32
        %broadcast_in_dim3A_281 = arith.constant 0 : i32
        %broadcast_in_dim3A_282 = vector.broadcast %broadcast_in_dim3A_281 : i32 to vector<16xi32>
        %add3A_283 = vector.broadcast %sub3A_273 : i32 to vector<16xi32>
        %add3A_284 = arith.addi %broadcast_in_dim3A_282, %add3A_283 : vector<16xi32>
        %add3A_285 = arith.constant 0 : i32
        %add3A_286 = vector.broadcast %add3A_285 : i32 to vector<16xi32>
        %add3A_287 = arith.addi %add3A_286, %iota3A : vector<16xi32>
        %gather3A = tpu.vector_load_idx %arg6[%add3A_287, %add3A_284] : memref<64x648xf32, #tpu.memory_space<vmem>>[vector<16xi32>, vector<16xi32>], vector<16xf32>,
        %add3A_288 = arith.constant 0 : i32
        %add3A_289 = arith.addi %mul3A_280, %add3A_288 : i32
        %swap3A = arith.index_cast %add3A_289 : i32 to index
        %swap3A_290 = tpu.vector_load %arg12[%swap3A] {strides = array<i32>} : memref<2048xf32, #tpu.memory_space<vmem>>, vector<16xf32>,
        tpu.vector_store %arg12[%swap3A], %gather3A {strides = array<i32>} : memref<2048xf32, #tpu.memory_space<vmem>>, vector<16xf32>,
        %add3A_291 = arith.constant 16 : i32
        %add3A_292 = vector.broadcast %add3A_291 : i32 to vector<16xi32>
        %add3A_293 = arith.addi %add3A_292, %iota3A : vector<16xi32>
        %gather3A_294 = tpu.vector_load_idx %arg6[%add3A_293, %add3A_284] : memref<64x648xf32, #tpu.memory_space<vmem>>[vector<16xi32>, vector<16xi32>], vector<16xf32>,
        %add3A_295 = arith.constant 16 : i32
        %add3A_296 = arith.addi %mul3A_280, %add3A_295 : i32
        %swap3A_297 = arith.index_cast %add3A_296 : i32 to index
        %swap3A_298 = tpu.vector_load %arg12[%swap3A_297] {strides = array<i32>} : memref<2048xf32, #tpu.memory_space<vmem>>, vector<16xf32>,
        tpu.vector_store %arg12[%swap3A_297], %gather3A_294 {strides = array<i32>} : memref<2048xf32, #tpu.memory_space<vmem>>, vector<16xf32>,
        %add3A_299 = arith.constant 32 : i32
        %add3A_300 = vector.broadcast %add3A_299 : i32 to vector<16xi32>
        %add3A_301 = arith.addi %add3A_300, %iota3A : vector<16xi32>
        %gather3A_302 = tpu.vector_load_idx %arg6[%add3A_301, %add3A_284] : memref<64x648xf32, #tpu.memory_space<vmem>>[vector<16xi32>, vector<16xi32>], vector<16xf32>,
        %add3A_303 = arith.constant 32 : i32
        %add3A_304 = arith.addi %mul3A_280, %add3A_303 : i32
        %swap3A_305 = arith.index_cast %add3A_304 : i32 to index
        %swap3A_306 = tpu.vector_load %arg12[%swap3A_305] {strides = array<i32>} : memref<2048xf32, #tpu.memory_space<vmem>>, vector<16xf32>,
        tpu.vector_store %arg12[%swap3A_305], %gather3A_302 {strides = array<i32>} : memref<2048xf32, #tpu.memory_space<vmem>>, vector<16xf32>,
        %add3A_307 = arith.constant 48 : i32
        %add3A_308 = vector.broadcast %add3A_307 : i32 to vector<16xi32>
        %add3A_309 = arith.addi %add3A_308, %iota3A : vector<16xi32>
        %gather3A_310 = tpu.vector_load_idx %arg6[%add3A_309, %add3A_284] : memref<64x648xf32, #tpu.memory_space<vmem>>[vector<16xi32>, vector<16xi32>], vector<16xf32>,
        %add3A_311 = arith.constant 48 : i32
        %add3A_312 = arith.addi %mul3A_280, %add3A_311 : i32
        %swap3A_313 = arith.index_cast %add3A_312 : i32 to index
        %swap3A_314 = tpu.vector_load %arg12[%swap3A_313] {strides = array<i32>} : memref<2048xf32, #tpu.memory_space<vmem>>, vector<16xf32>,
        tpu.vector_store %arg12[%swap3A_313], %gather3A_310 {strides = array<i32>} : memref<2048xf32, #tpu.memory_space<vmem>>, vector<16xf32>,
        %multiple_of3A_315 = tpu.assume_multiple %mul3A_280, 128 : i32
        %mul3A_316 = arith.constant 128 : i32
        %mul3A_317 = arith.muli %reduce_sum3A_272, %mul3A_316 : i32
        %multiple_of3A_318 = tpu.assume_multiple %mul3A_317, 128 : i32
        %dma_start3A_319 = tpu.memref_slice %arg12[%multiple_of3A_315] : memref<2048xf32, #tpu.memory_space<vmem>> -> memref<128xf32, #tpu.memory_space<vmem>>
        %dma_start3A_320 = tpu.memref_slice %arg5[%multiple_of3A_318] : memref<524288xf32, #tpu.memory_space<hbm>> -> memref<128xf32, #tpu.memory_space<hbm>>
        %dma_start3A_321 = tpu.memref_slice %arg5[%multiple_of3A_318] : memref<524288xf32, #tpu.memory_space<hbm>> -> memref<128xf32, #tpu.memory_space<hbm>>
        %dma_start3A_322 = tpu.memref_slice %arg12[%multiple_of3A_315] : memref<2048xf32, #tpu.memory_space<vmem>> -> memref<128xf32, #tpu.memory_space<vmem>>
        tpu.enqueue_dma source(%dma_start3A_322 : memref<128xf32, #tpu.memory_space<vmem>>) target(%dma_start3A_321 : memref<128xf32, #tpu.memory_space<hbm>>) target_semaphore(%arg15 : memref<!tpu.dma_semaphore, #tpu.memory_space<semaphore_mem>>)
        %add3A_323 = arith.constant 1 : i32
        %add3A_324 = arith.addi %while3A_261, %add3A_323 : i32
        %not3A = arith.constant dense<true> : vector<16xi1>
        %not3A_325 = arith.xori %eq3A_262, %not3A : vector<16xi1>
        %and3A_326 = arith.andi %while3A_260, %not3A_325 : vector<16xi1>
        scf.yield %and3A_326, %add3A_324 : vector<16xi1>, i32
      }
      scf.yield %while3A_259#1 : i32
    }
    %add3A_144 = arith.constant 2560 : i32
    %add3A_145 = arith.addi %multiple_of3A, %add3A_144 : i32
    %multiple_of3A_146 = tpu.assume_multiple %add3A_145, 128 : i32
    %dma_start3A_147 = arith.constant 0 : i32
    %dma_start3A_148 = arith.constant 0 : i32
    %dma_start3A_149 = tpu.memref_slice %arg6[%dma_start3A_147, %dma_start3A_148] : memref<64x648xf32, #tpu.memory_space<vmem>> -> memref<64x640xf32, #tpu.memory_space<vmem>>
    %dma_start3A_150 = arith.constant 0 : i32
    %dma_start3A_151 = tpu.memref_slice %arg2[%dma_start3A_150, %multiple_of3A_146] : memref<64x100000xf32, #tpu.memory_space<hbm>> -> memref<64x640xf32, #tpu.memory_space<hbm>>
    %dma_start3A_152 = arith.constant 0 : i32
    %dma_start3A_153 = arith.constant 0 : i32
    %dma_start3A_154 = tpu.memref_slice %arg6[%dma_start3A_152, %dma_start3A_153] : memref<64x648xf32, #tpu.memory_space<vmem>> -> memref<64x640xf32, #tpu.memory_space<vmem>>
    %dma_start3A_155 = arith.constant 0 : i32
    %dma_start3A_156 = tpu.memref_slice %arg2[%dma_start3A_155, %multiple_of3A_146] : memref<64x100000xf32, #tpu.memory_space<hbm>> -> memref<64x640xf32, #tpu.memory_space<hbm>>
    tpu.enqueue_dma source(%dma_start3A_156 : memref<64x640xf32, #tpu.memory_space<hbm>>) target(%dma_start3A_154 : memref<64x640xf32, #tpu.memory_space<vmem>>) target_semaphore(%arg13 : memref<!tpu.dma_semaphore, #tpu.memory_space<semaphore_mem>>)
    %dma_wait3A_157 = arith.constant 0 : i32
    %dma_wait3A_158 = arith.constant 0 : i32
    %dma_wait3A_159 = tpu.memref_slice %arg7[%dma_wait3A_157, %dma_wait3A_158] : memref<64x648xf32, #tpu.memory_space<vmem>> -> memref<64x640xf32, #tpu.memory_space<vmem>>
    %dma_wait3A_160 = arith.constant 0 : i32
    %dma_wait3A_161 = tpu.memref_slice %arg2[%dma_wait3A_160, %multiple_of3A_110] : memref<64x100000xf32, #tpu.memory_space<hbm>> -> memref<64x640xf32, #tpu.memory_space<hbm>>
    %dma_wait3A_162 = arith.constant 0 : i32
    %dma_wait3A_163 = arith.constant 0 : i32
    %dma_wait3A_164 = tpu.memref_slice %arg7[%dma_wait3A_162, %dma_wait3A_163] : memref<64x648xf32, #tpu.memory_space<vmem>> -> memref<64x640xf32, #tpu.memory_space<vmem>>
    %dma_wait3A_165 = arith.constant 0 : i32
    %dma_wait3A_166 = tpu.memref_slice %arg2[%dma_wait3A_165, %multiple_of3A_110] : memref<64x100000xf32, #tpu.memory_space<hbm>> -> memref<64x640xf32, #tpu.memory_space<hbm>>
    tpu.wait_dma2 semaphore(%arg14 : memref<!tpu.dma_semaphore, #tpu.memory_space<semaphore_mem>>) src(%dma_wait3A_166 : memref<64x640xf32, #tpu.memory_space<hbm>>) dst(%dma_wait3A_164 : memref<64x640xf32, #tpu.memory_space<vmem>>)
    %add3A_167 = arith.constant 1920 : i32
    %add3A_168 = arith.addi %multiple_of3A, %add3A_167 : i32
    %while3A_169 = arith.constant 0 : i32
    %while3A_170 = arith.subi %div3A_49, %while3A_169 : i32
    %while3A_171 = arith.addi %while3A_169, %while3A_170 : i32
    %while3A_172 = arith.constant 1 : i32
    %while3A_173 = arith.divsi %while3A_170, %while3A_172 : i32
    %while3A_174 = arith.muli %while3A_173, %while3A_172 : i32
    %while3A_175 = arith.addi %while3A_169, %while3A_174 : i32
    %while3A_176 = arith.constant 1 : i32
    %while3A_177 = scf.for %while3A_238 = %while3A_169 to %while3A_175 step %while3A_176 iter_args(%while3A_239 = %while3A_143) -> (i32)  : i32 {
      %mul3A_240 = arith.constant 16 : i32
      %mul3A_241 = arith.muli %while3A_238, %mul3A_240 : i32
      %get3A = arith.index_cast %mul3A_241 : i32 to index
      %get3A_242 = tpu.vector_load %arg10[%get3A] {strides = array<i32>} : memref<4112xi32, #tpu.memory_space<vmem>>, vector<16xi32>,
      %shift_right_logical3A = arith.constant 12 : i32
      %shift_right_logical3A_243 = vector.broadcast %shift_right_logical3A : i32 to vector<16xi32>
      %shift_right_logical3A_244 = arith.shrui %get3A_242, %shift_right_logical3A_243 : vector<16xi32>
      %and3A = arith.constant 4095 : i32
      %and3A_245 = vector.broadcast %and3A : i32 to vector<16xi32>
      %and3A_246 = arith.andi %get3A_242, %and3A_245 : vector<16xi32>
      %mul3A_247 = arith.constant 16 : i32
      %mul3A_248 = arith.muli %while3A_238, %mul3A_247 : i32
      %add3A_249 = vector.broadcast %mul3A_248 : i32 to vector<16xi32>
      %add3A_250 = arith.addi %add3A_249, %iota3A : vector<16xi32>
      %lt3A = vector.broadcast %scan3A_44#0 : i32 to vector<16xi32>
      %lt3A_251 = arith.cmpi slt, %add3A_250, %lt3A : vector<16xi32>
      %ge3A = vector.broadcast %add3A_168 : i32 to vector<16xi32>
      %ge3A_252 = arith.cmpi sge, %shift_right_logical3A_244, %ge3A : vector<16xi32>
      %and3A_253 = arith.andi %lt3A_251, %ge3A_252 : vector<16xi1>
      %add3A_254 = arith.constant 640 : i32
      %add3A_255 = arith.addi %add3A_168, %add3A_254 : i32
      %lt3A_256 = vector.broadcast %add3A_255 : i32 to vector<16xi32>
      %lt3A_257 = arith.cmpi slt, %shift_right_logical3A_244, %lt3A_256 : vector<16xi32>
      %and3A_258 = arith.andi %and3A_253, %lt3A_257 : vector<16xi1>
      %while3A_259:2 = scf.while (%while3A_260 = %and3A_258, %while3A_261 = %while3A_239) : (vector<16xi1>, i32) -> (vector<16xi1>, i32) {
        %all_reduce_population_count3A = tpu.all_reduce %while3A_260 {dim = 0 : i64, kind = #tpu.reduction_kind<sum>} : vector<16xi1> -> vector<16xi32>
        %slice3A = vector.extract_strided_slice %all_reduce_population_count3A {offsets = [0], sizes = [1], strides = [1]} : vector<16xi32> to vector<1xi32>
        %squeeze3A = vector.extract %slice3A[0] : i32 from vector<1xi32>
        %gt3A = arith.constant 0 : i32
        %gt3A_262 = arith.cmpi sgt, %squeeze3A, %gt3A : i32
        scf.condition(%gt3A_262) %while3A_260, %while3A_261 : vector<16xi1>, i32
      } do {
      ^bb0(%while3A_260: vector<16xi1>, %while3A_261: i32):
        %all_reduce_ffs3A = tpu.all_reduce %while3A_260 {dim = 0 : i64, kind = #tpu.reduction_kind<find_first_set>} : vector<16xi1> -> vector<16xi32>
        %slice3A = vector.extract_strided_slice %all_reduce_ffs3A {offsets = [0], sizes = [1], strides = [1]} : vector<16xi32> to vector<1xi32>
        %squeeze3A = vector.extract %slice3A[0] : i32 from vector<1xi32>
        %eq3A = vector.broadcast %squeeze3A : i32 to vector<16xi32>
        %eq3A_262 = arith.cmpi eq, %iota3A, %eq3A : vector<16xi32>
        %jit3A = arith.constant 0 : i32
        %broadcast_in_dim3A = vector.broadcast %jit3A : i32 to vector<16xi32>
        %select_n3A = arith.select %eq3A_262, %shift_right_logical3A_244, %broadcast_in_dim3A : vector<16xi1>, vector<16xi32>
        %reduce_sum3A = arith.constant true
        %reduce_sum3A_263 = vector.broadcast %reduce_sum3A : i1 to vector<16xi1>
        %reduce_sum3A_264 = tpu.scan <sum>, %select_n3A masked %reduce_sum3A_263 : vector<16xi32>, vector<16xi1> -> vector<16xi32>
        %reduce_sum3A_265 = vector.extract %reduce_sum3A_264[15] : i32 from vector<16xi32>
        %jit3A_266 = arith.constant 0 : i32
        %broadcast_in_dim3A_267 = vector.broadcast %jit3A_266 : i32 to vector<16xi32>
        %select_n3A_268 = arith.select %eq3A_262, %and3A_246, %broadcast_in_dim3A_267 : vector<16xi1>, vector<16xi32>
        %reduce_sum3A_269 = arith.constant true
        %reduce_sum3A_270 = vector.broadcast %reduce_sum3A_269 : i1 to vector<16xi1>
        %reduce_sum3A_271 = tpu.scan <sum>, %select_n3A_268 masked %reduce_sum3A_270 : vector<16xi32>, vector<16xi1> -> vector<16xi32>
        %reduce_sum3A_272 = vector.extract %reduce_sum3A_271[15] : i32 from vector<16xi32>
        %sub3A_273 = arith.subi %reduce_sum3A_265, %add3A_168 : i32
        %ge3A_274 = arith.constant 16 : i32
        %ge3A_275 = arith.cmpi sge, %while3A_261, %ge3A_274 : i32
        %convert_element_type3A = arith.extui %ge3A_275 : i1 to i32
        %cond3A = arith.constant 0 : i32
        %cond3A_276 = arith.cmpi ne, %convert_element_type3A, %cond3A : i32
        scf.if %cond3A_276 {
          %dma_wait3A_327 = arith.constant 0 : i32
          %dma_wait3A_328 = tpu.memref_slice %arg12[%dma_wait3A_327] : memref<2048xf32, #tpu.memory_space<vmem>> -> memref<128xf32, #tpu.memory_space<vmem>>
          %dma_wait3A_329 = arith.constant 0 : i32
          %dma_wait3A_330 = tpu.memref_slice %arg5[%dma_wait3A_329] : memref<524288xf32, #tpu.memory_space<hbm>> -> memref<128xf32, #tpu.memory_space<hbm>>
          %dma_wait3A_331 = arith.constant 0 : i32
          %dma_wait3A_332 = tpu.memref_slice %arg12[%dma_wait3A_331] : memref<2048xf32, #tpu.memory_space<vmem>> -> memref<128xf32, #tpu.memory_space<vmem>>
          %dma_wait3A_333 = arith.constant 0 : i32
          %dma_wait3A_334 = tpu.memref_slice %arg5[%dma_wait3A_333] : memref<524288xf32, #tpu.memory_space<hbm>> -> memref<128xf32, #tpu.memory_space<hbm>>
          tpu.wait_dma2 semaphore(%arg15 : memref<!tpu.dma_semaphore, #tpu.memory_space<semaphore_mem>>) src(%dma_wait3A_334 : memref<128xf32, #tpu.memory_space<hbm>>) dst(%dma_wait3A_332 : memref<128xf32, #tpu.memory_space<vmem>>)
        } else {
        }
        %and3A_277 = arith.constant 15 : i32
        %and3A_278 = arith.andi %while3A_261, %and3A_277 : i32
        %mul3A_279 = arith.constant 128 : i32
        %mul3A_280 = arith.muli %and3A_278, %mul3A_279 : i32
        %broadcast_in_dim3A_281 = arith.constant 0 : i32
        %broadcast_in_dim3A_282 = vector.broadcast %broadcast_in_dim3A_281 : i32 to vector<16xi32>
        %add3A_283 = vector.broadcast %sub3A_273 : i32 to vector<16xi32>
        %add3A_284 = arith.addi %broadcast_in_dim3A_282, %add3A_283 : vector<16xi32>
        %add3A_285 = arith.constant 0 : i32
        %add3A_286 = vector.broadcast %add3A_285 : i32 to vector<16xi32>
        %add3A_287 = arith.addi %add3A_286, %iota3A : vector<16xi32>
        %gather3A = tpu.vector_load_idx %arg7[%add3A_287, %add3A_284] : memref<64x648xf32, #tpu.memory_space<vmem>>[vector<16xi32>, vector<16xi32>], vector<16xf32>,
        %add3A_288 = arith.constant 0 : i32
        %add3A_289 = arith.addi %mul3A_280, %add3A_288 : i32
        %swap3A = arith.index_cast %add3A_289 : i32 to index
        %swap3A_290 = tpu.vector_load %arg12[%swap3A] {strides = array<i32>} : memref<2048xf32, #tpu.memory_space<vmem>>, vector<16xf32>,
        tpu.vector_store %arg12[%swap3A], %gather3A {strides = array<i32>} : memref<2048xf32, #tpu.memory_space<vmem>>, vector<16xf32>,
        %add3A_291 = arith.constant 16 : i32
        %add3A_292 = vector.broadcast %add3A_291 : i32 to vector<16xi32>
        %add3A_293 = arith.addi %add3A_292, %iota3A : vector<16xi32>
        %gather3A_294 = tpu.vector_load_idx %arg7[%add3A_293, %add3A_284] : memref<64x648xf32, #tpu.memory_space<vmem>>[vector<16xi32>, vector<16xi32>], vector<16xf32>,
        %add3A_295 = arith.constant 16 : i32
        %add3A_296 = arith.addi %mul3A_280, %add3A_295 : i32
        %swap3A_297 = arith.index_cast %add3A_296 : i32 to index
        %swap3A_298 = tpu.vector_load %arg12[%swap3A_297] {strides = array<i32>} : memref<2048xf32, #tpu.memory_space<vmem>>, vector<16xf32>,
        tpu.vector_store %arg12[%swap3A_297], %gather3A_294 {strides = array<i32>} : memref<2048xf32, #tpu.memory_space<vmem>>, vector<16xf32>,
        %add3A_299 = arith.constant 32 : i32
        %add3A_300 = vector.broadcast %add3A_299 : i32 to vector<16xi32>
        %add3A_301 = arith.addi %add3A_300, %iota3A : vector<16xi32>
        %gather3A_302 = tpu.vector_load_idx %arg7[%add3A_301, %add3A_284] : memref<64x648xf32, #tpu.memory_space<vmem>>[vector<16xi32>, vector<16xi32>], vector<16xf32>,
        %add3A_303 = arith.constant 32 : i32
        %add3A_304 = arith.addi %mul3A_280, %add3A_303 : i32
        %swap3A_305 = arith.index_cast %add3A_304 : i32 to index
        %swap3A_306 = tpu.vector_load %arg12[%swap3A_305] {strides = array<i32>} : memref<2048xf32, #tpu.memory_space<vmem>>, vector<16xf32>,
        tpu.vector_store %arg12[%swap3A_305], %gather3A_302 {strides = array<i32>} : memref<2048xf32, #tpu.memory_space<vmem>>, vector<16xf32>,
        %add3A_307 = arith.constant 48 : i32
        %add3A_308 = vector.broadcast %add3A_307 : i32 to vector<16xi32>
        %add3A_309 = arith.addi %add3A_308, %iota3A : vector<16xi32>
        %gather3A_310 = tpu.vector_load_idx %arg7[%add3A_309, %add3A_284] : memref<64x648xf32, #tpu.memory_space<vmem>>[vector<16xi32>, vector<16xi32>], vector<16xf32>,
        %add3A_311 = arith.constant 48 : i32
        %add3A_312 = arith.addi %mul3A_280, %add3A_311 : i32
        %swap3A_313 = arith.index_cast %add3A_312 : i32 to index
        %swap3A_314 = tpu.vector_load %arg12[%swap3A_313] {strides = array<i32>} : memref<2048xf32, #tpu.memory_space<vmem>>, vector<16xf32>,
        tpu.vector_store %arg12[%swap3A_313], %gather3A_310 {strides = array<i32>} : memref<2048xf32, #tpu.memory_space<vmem>>, vector<16xf32>,
        %multiple_of3A_315 = tpu.assume_multiple %mul3A_280, 128 : i32
        %mul3A_316 = arith.constant 128 : i32
        %mul3A_317 = arith.muli %reduce_sum3A_272, %mul3A_316 : i32
        %multiple_of3A_318 = tpu.assume_multiple %mul3A_317, 128 : i32
        %dma_start3A_319 = tpu.memref_slice %arg12[%multiple_of3A_315] : memref<2048xf32, #tpu.memory_space<vmem>> -> memref<128xf32, #tpu.memory_space<vmem>>
        %dma_start3A_320 = tpu.memref_slice %arg5[%multiple_of3A_318] : memref<524288xf32, #tpu.memory_space<hbm>> -> memref<128xf32, #tpu.memory_space<hbm>>
        %dma_start3A_321 = tpu.memref_slice %arg5[%multiple_of3A_318] : memref<524288xf32, #tpu.memory_space<hbm>> -> memref<128xf32, #tpu.memory_space<hbm>>
        %dma_start3A_322 = tpu.memref_slice %arg12[%multiple_of3A_315] : memref<2048xf32, #tpu.memory_space<vmem>> -> memref<128xf32, #tpu.memory_space<vmem>>
        tpu.enqueue_dma source(%dma_start3A_322 : memref<128xf32, #tpu.memory_space<vmem>>) target(%dma_start3A_321 : memref<128xf32, #tpu.memory_space<hbm>>) target_semaphore(%arg15 : memref<!tpu.dma_semaphore, #tpu.memory_space<semaphore_mem>>)
        %add3A_323 = arith.constant 1 : i32
        %add3A_324 = arith.addi %while3A_261, %add3A_323 : i32
        %not3A = arith.constant dense<true> : vector<16xi1>
        %not3A_325 = arith.xori %eq3A_262, %not3A : vector<16xi1>
        %and3A_326 = arith.andi %while3A_260, %not3A_325 : vector<16xi1>
        scf.yield %and3A_326, %add3A_324 : vector<16xi1>, i32
      }
      scf.yield %while3A_259#1 : i32
    }
    %while3A_178 = arith.constant 1 : i32
    %while3A_179 = scf.for %while3A_238 = %while3A_175 to %while3A_171 step %while3A_178 iter_args(%while3A_239 = %while3A_177) -> (i32)  : i32 {
      %mul3A_240 = arith.constant 16 : i32
      %mul3A_241 = arith.muli %while3A_238, %mul3A_240 : i32
      %get3A = arith.index_cast %mul3A_241 : i32 to index
      %get3A_242 = tpu.vector_load %arg10[%get3A] {strides = array<i32>} : memref<4112xi32, #tpu.memory_space<vmem>>, vector<16xi32>,
      %shift_right_logical3A = arith.constant 12 : i32
      %shift_right_logical3A_243 = vector.broadcast %shift_right_logical3A : i32 to vector<16xi32>
      %shift_right_logical3A_244 = arith.shrui %get3A_242, %shift_right_logical3A_243 : vector<16xi32>
      %and3A = arith.constant 4095 : i32
      %and3A_245 = vector.broadcast %and3A : i32 to vector<16xi32>
      %and3A_246 = arith.andi %get3A_242, %and3A_245 : vector<16xi32>
      %mul3A_247 = arith.constant 16 : i32
      %mul3A_248 = arith.muli %while3A_238, %mul3A_247 : i32
      %add3A_249 = vector.broadcast %mul3A_248 : i32 to vector<16xi32>
      %add3A_250 = arith.addi %add3A_249, %iota3A : vector<16xi32>
      %lt3A = vector.broadcast %scan3A_44#0 : i32 to vector<16xi32>
      %lt3A_251 = arith.cmpi slt, %add3A_250, %lt3A : vector<16xi32>
      %ge3A = vector.broadcast %add3A_168 : i32 to vector<16xi32>
      %ge3A_252 = arith.cmpi sge, %shift_right_logical3A_244, %ge3A : vector<16xi32>
      %and3A_253 = arith.andi %lt3A_251, %ge3A_252 : vector<16xi1>
      %add3A_254 = arith.constant 640 : i32
      %add3A_255 = arith.addi %add3A_168, %add3A_254 : i32
      %lt3A_256 = vector.broadcast %add3A_255 : i32 to vector<16xi32>
      %lt3A_257 = arith.cmpi slt, %shift_right_logical3A_244, %lt3A_256 : vector<16xi32>
      %and3A_258 = arith.andi %and3A_253, %lt3A_257 : vector<16xi1>
      %while3A_259:2 = scf.while (%while3A_260 = %and3A_258, %while3A_261 = %while3A_239) : (vector<16xi1>, i32) -> (vector<16xi1>, i32) {
        %all_reduce_population_count3A = tpu.all_reduce %while3A_260 {dim = 0 : i64, kind = #tpu.reduction_kind<sum>} : vector<16xi1> -> vector<16xi32>
        %slice3A = vector.extract_strided_slice %all_reduce_population_count3A {offsets = [0], sizes = [1], strides = [1]} : vector<16xi32> to vector<1xi32>
        %squeeze3A = vector.extract %slice3A[0] : i32 from vector<1xi32>
        %gt3A = arith.constant 0 : i32
        %gt3A_262 = arith.cmpi sgt, %squeeze3A, %gt3A : i32
        scf.condition(%gt3A_262) %while3A_260, %while3A_261 : vector<16xi1>, i32
      } do {
      ^bb0(%while3A_260: vector<16xi1>, %while3A_261: i32):
        %all_reduce_ffs3A = tpu.all_reduce %while3A_260 {dim = 0 : i64, kind = #tpu.reduction_kind<find_first_set>} : vector<16xi1> -> vector<16xi32>
        %slice3A = vector.extract_strided_slice %all_reduce_ffs3A {offsets = [0], sizes = [1], strides = [1]} : vector<16xi32> to vector<1xi32>
        %squeeze3A = vector.extract %slice3A[0] : i32 from vector<1xi32>
        %eq3A = vector.broadcast %squeeze3A : i32 to vector<16xi32>
        %eq3A_262 = arith.cmpi eq, %iota3A, %eq3A : vector<16xi32>
        %jit3A = arith.constant 0 : i32
        %broadcast_in_dim3A = vector.broadcast %jit3A : i32 to vector<16xi32>
        %select_n3A = arith.select %eq3A_262, %shift_right_logical3A_244, %broadcast_in_dim3A : vector<16xi1>, vector<16xi32>
        %reduce_sum3A = arith.constant true
        %reduce_sum3A_263 = vector.broadcast %reduce_sum3A : i1 to vector<16xi1>
        %reduce_sum3A_264 = tpu.scan <sum>, %select_n3A masked %reduce_sum3A_263 : vector<16xi32>, vector<16xi1> -> vector<16xi32>
        %reduce_sum3A_265 = vector.extract %reduce_sum3A_264[15] : i32 from vector<16xi32>
        %jit3A_266 = arith.constant 0 : i32
        %broadcast_in_dim3A_267 = vector.broadcast %jit3A_266 : i32 to vector<16xi32>
        %select_n3A_268 = arith.select %eq3A_262, %and3A_246, %broadcast_in_dim3A_267 : vector<16xi1>, vector<16xi32>
        %reduce_sum3A_269 = arith.constant true
        %reduce_sum3A_270 = vector.broadcast %reduce_sum3A_269 : i1 to vector<16xi1>
        %reduce_sum3A_271 = tpu.scan <sum>, %select_n3A_268 masked %reduce_sum3A_270 : vector<16xi32>, vector<16xi1> -> vector<16xi32>
        %reduce_sum3A_272 = vector.extract %reduce_sum3A_271[15] : i32 from vector<16xi32>
        %sub3A_273 = arith.subi %reduce_sum3A_265, %add3A_168 : i32
        %ge3A_274 = arith.constant 16 : i32
        %ge3A_275 = arith.cmpi sge, %while3A_261, %ge3A_274 : i32
        %convert_element_type3A = arith.extui %ge3A_275 : i1 to i32
        %cond3A = arith.constant 0 : i32
        %cond3A_276 = arith.cmpi ne, %convert_element_type3A, %cond3A : i32
        scf.if %cond3A_276 {
          %dma_wait3A_327 = arith.constant 0 : i32
          %dma_wait3A_328 = tpu.memref_slice %arg12[%dma_wait3A_327] : memref<2048xf32, #tpu.memory_space<vmem>> -> memref<128xf32, #tpu.memory_space<vmem>>
          %dma_wait3A_329 = arith.constant 0 : i32
          %dma_wait3A_330 = tpu.memref_slice %arg5[%dma_wait3A_329] : memref<524288xf32, #tpu.memory_space<hbm>> -> memref<128xf32, #tpu.memory_space<hbm>>
          %dma_wait3A_331 = arith.constant 0 : i32
          %dma_wait3A_332 = tpu.memref_slice %arg12[%dma_wait3A_331] : memref<2048xf32, #tpu.memory_space<vmem>> -> memref<128xf32, #tpu.memory_space<vmem>>
          %dma_wait3A_333 = arith.constant 0 : i32
          %dma_wait3A_334 = tpu.memref_slice %arg5[%dma_wait3A_333] : memref<524288xf32, #tpu.memory_space<hbm>> -> memref<128xf32, #tpu.memory_space<hbm>>
          tpu.wait_dma2 semaphore(%arg15 : memref<!tpu.dma_semaphore, #tpu.memory_space<semaphore_mem>>) src(%dma_wait3A_334 : memref<128xf32, #tpu.memory_space<hbm>>) dst(%dma_wait3A_332 : memref<128xf32, #tpu.memory_space<vmem>>)
        } else {
        }
        %and3A_277 = arith.constant 15 : i32
        %and3A_278 = arith.andi %while3A_261, %and3A_277 : i32
        %mul3A_279 = arith.constant 128 : i32
        %mul3A_280 = arith.muli %and3A_278, %mul3A_279 : i32
        %broadcast_in_dim3A_281 = arith.constant 0 : i32
        %broadcast_in_dim3A_282 = vector.broadcast %broadcast_in_dim3A_281 : i32 to vector<16xi32>
        %add3A_283 = vector.broadcast %sub3A_273 : i32 to vector<16xi32>
        %add3A_284 = arith.addi %broadcast_in_dim3A_282, %add3A_283 : vector<16xi32>
        %add3A_285 = arith.constant 0 : i32
        %add3A_286 = vector.broadcast %add3A_285 : i32 to vector<16xi32>
        %add3A_287 = arith.addi %add3A_286, %iota3A : vector<16xi32>
        %gather3A = tpu.vector_load_idx %arg7[%add3A_287, %add3A_284] : memref<64x648xf32, #tpu.memory_space<vmem>>[vector<16xi32>, vector<16xi32>], vector<16xf32>,
        %add3A_288 = arith.constant 0 : i32
        %add3A_289 = arith.addi %mul3A_280, %add3A_288 : i32
        %swap3A = arith.index_cast %add3A_289 : i32 to index
        %swap3A_290 = tpu.vector_load %arg12[%swap3A] {strides = array<i32>} : memref<2048xf32, #tpu.memory_space<vmem>>, vector<16xf32>,
        tpu.vector_store %arg12[%swap3A], %gather3A {strides = array<i32>} : memref<2048xf32, #tpu.memory_space<vmem>>, vector<16xf32>,
        %add3A_291 = arith.constant 16 : i32
        %add3A_292 = vector.broadcast %add3A_291 : i32 to vector<16xi32>
        %add3A_293 = arith.addi %add3A_292, %iota3A : vector<16xi32>
        %gather3A_294 = tpu.vector_load_idx %arg7[%add3A_293, %add3A_284] : memref<64x648xf32, #tpu.memory_space<vmem>>[vector<16xi32>, vector<16xi32>], vector<16xf32>,
        %add3A_295 = arith.constant 16 : i32
        %add3A_296 = arith.addi %mul3A_280, %add3A_295 : i32
        %swap3A_297 = arith.index_cast %add3A_296 : i32 to index
        %swap3A_298 = tpu.vector_load %arg12[%swap3A_297] {strides = array<i32>} : memref<2048xf32, #tpu.memory_space<vmem>>, vector<16xf32>,
        tpu.vector_store %arg12[%swap3A_297], %gather3A_294 {strides = array<i32>} : memref<2048xf32, #tpu.memory_space<vmem>>, vector<16xf32>,
        %add3A_299 = arith.constant 32 : i32
        %add3A_300 = vector.broadcast %add3A_299 : i32 to vector<16xi32>
        %add3A_301 = arith.addi %add3A_300, %iota3A : vector<16xi32>
        %gather3A_302 = tpu.vector_load_idx %arg7[%add3A_301, %add3A_284] : memref<64x648xf32, #tpu.memory_space<vmem>>[vector<16xi32>, vector<16xi32>], vector<16xf32>,
        %add3A_303 = arith.constant 32 : i32
        %add3A_304 = arith.addi %mul3A_280, %add3A_303 : i32
        %swap3A_305 = arith.index_cast %add3A_304 : i32 to index
        %swap3A_306 = tpu.vector_load %arg12[%swap3A_305] {strides = array<i32>} : memref<2048xf32, #tpu.memory_space<vmem>>, vector<16xf32>,
        tpu.vector_store %arg12[%swap3A_305], %gather3A_302 {strides = array<i32>} : memref<2048xf32, #tpu.memory_space<vmem>>, vector<16xf32>,
        %add3A_307 = arith.constant 48 : i32
        %add3A_308 = vector.broadcast %add3A_307 : i32 to vector<16xi32>
        %add3A_309 = arith.addi %add3A_308, %iota3A : vector<16xi32>
        %gather3A_310 = tpu.vector_load_idx %arg7[%add3A_309, %add3A_284] : memref<64x648xf32, #tpu.memory_space<vmem>>[vector<16xi32>, vector<16xi32>], vector<16xf32>,
        %add3A_311 = arith.constant 48 : i32
        %add3A_312 = arith.addi %mul3A_280, %add3A_311 : i32
        %swap3A_313 = arith.index_cast %add3A_312 : i32 to index
        %swap3A_314 = tpu.vector_load %arg12[%swap3A_313] {strides = array<i32>} : memref<2048xf32, #tpu.memory_space<vmem>>, vector<16xf32>,
        tpu.vector_store %arg12[%swap3A_313], %gather3A_310 {strides = array<i32>} : memref<2048xf32, #tpu.memory_space<vmem>>, vector<16xf32>,
        %multiple_of3A_315 = tpu.assume_multiple %mul3A_280, 128 : i32
        %mul3A_316 = arith.constant 128 : i32
        %mul3A_317 = arith.muli %reduce_sum3A_272, %mul3A_316 : i32
        %multiple_of3A_318 = tpu.assume_multiple %mul3A_317, 128 : i32
        %dma_start3A_319 = tpu.memref_slice %arg12[%multiple_of3A_315] : memref<2048xf32, #tpu.memory_space<vmem>> -> memref<128xf32, #tpu.memory_space<vmem>>
        %dma_start3A_320 = tpu.memref_slice %arg5[%multiple_of3A_318] : memref<524288xf32, #tpu.memory_space<hbm>> -> memref<128xf32, #tpu.memory_space<hbm>>
        %dma_start3A_321 = tpu.memref_slice %arg5[%multiple_of3A_318] : memref<524288xf32, #tpu.memory_space<hbm>> -> memref<128xf32, #tpu.memory_space<hbm>>
        %dma_start3A_322 = tpu.memref_slice %arg12[%multiple_of3A_315] : memref<2048xf32, #tpu.memory_space<vmem>> -> memref<128xf32, #tpu.memory_space<vmem>>
        tpu.enqueue_dma source(%dma_start3A_322 : memref<128xf32, #tpu.memory_space<vmem>>) target(%dma_start3A_321 : memref<128xf32, #tpu.memory_space<hbm>>) target_semaphore(%arg15 : memref<!tpu.dma_semaphore, #tpu.memory_space<semaphore_mem>>)
        %add3A_323 = arith.constant 1 : i32
        %add3A_324 = arith.addi %while3A_261, %add3A_323 : i32
        %not3A = arith.constant dense<true> : vector<16xi1>
        %not3A_325 = arith.xori %eq3A_262, %not3A : vector<16xi1>
        %and3A_326 = arith.andi %while3A_260, %not3A_325 : vector<16xi1>
        scf.yield %and3A_326, %add3A_324 : vector<16xi1>, i32
      }
      scf.yield %while3A_259#1 : i32
    }
    %dma_wait3A_180 = arith.constant 0 : i32
    %dma_wait3A_181 = arith.constant 0 : i32
    %dma_wait3A_182 = tpu.memref_slice %arg6[%dma_wait3A_180, %dma_wait3A_181] : memref<64x648xf32, #tpu.memory_space<vmem>> -> memref<64x640xf32, #tpu.memory_space<vmem>>
    %dma_wait3A_183 = arith.constant 0 : i32
    %dma_wait3A_184 = tpu.memref_slice %arg2[%dma_wait3A_183, %multiple_of3A_146] : memref<64x100000xf32, #tpu.memory_space<hbm>> -> memref<64x640xf32, #tpu.memory_space<hbm>>
    %dma_wait3A_185 = arith.constant 0 : i32
    %dma_wait3A_186 = arith.constant 0 : i32
    %dma_wait3A_187 = tpu.memref_slice %arg6[%dma_wait3A_185, %dma_wait3A_186] : memref<64x648xf32, #tpu.memory_space<vmem>> -> memref<64x640xf32, #tpu.memory_space<vmem>>
    %dma_wait3A_188 = arith.constant 0 : i32
    %dma_wait3A_189 = tpu.memref_slice %arg2[%dma_wait3A_188, %multiple_of3A_146] : memref<64x100000xf32, #tpu.memory_space<hbm>> -> memref<64x640xf32, #tpu.memory_space<hbm>>
    tpu.wait_dma2 semaphore(%arg13 : memref<!tpu.dma_semaphore, #tpu.memory_space<semaphore_mem>>) src(%dma_wait3A_189 : memref<64x640xf32, #tpu.memory_space<hbm>>) dst(%dma_wait3A_187 : memref<64x640xf32, #tpu.memory_space<vmem>>)
    %add3A_190 = arith.constant 2560 : i32
    %add3A_191 = arith.addi %multiple_of3A, %add3A_190 : i32
    %while3A_192 = arith.constant 0 : i32
    %while3A_193 = arith.subi %div3A_49, %while3A_192 : i32
    %while3A_194 = arith.addi %while3A_192, %while3A_193 : i32
    %while3A_195 = arith.constant 1 : i32
    %while3A_196 = arith.divsi %while3A_193, %while3A_195 : i32
    %while3A_197 = arith.muli %while3A_196, %while3A_195 : i32
    %while3A_198 = arith.addi %while3A_192, %while3A_197 : i32
    %while3A_199 = arith.constant 1 : i32
    %while3A_200 = scf.for %while3A_238 = %while3A_192 to %while3A_198 step %while3A_199 iter_args(%while3A_239 = %while3A_179) -> (i32)  : i32 {
      %mul3A_240 = arith.constant 16 : i32
      %mul3A_241 = arith.muli %while3A_238, %mul3A_240 : i32
      %get3A = arith.index_cast %mul3A_241 : i32 to index
      %get3A_242 = tpu.vector_load %arg10[%get3A] {strides = array<i32>} : memref<4112xi32, #tpu.memory_space<vmem>>, vector<16xi32>,
      %shift_right_logical3A = arith.constant 12 : i32
      %shift_right_logical3A_243 = vector.broadcast %shift_right_logical3A : i32 to vector<16xi32>
      %shift_right_logical3A_244 = arith.shrui %get3A_242, %shift_right_logical3A_243 : vector<16xi32>
      %and3A = arith.constant 4095 : i32
      %and3A_245 = vector.broadcast %and3A : i32 to vector<16xi32>
      %and3A_246 = arith.andi %get3A_242, %and3A_245 : vector<16xi32>
      %mul3A_247 = arith.constant 16 : i32
      %mul3A_248 = arith.muli %while3A_238, %mul3A_247 : i32
      %add3A_249 = vector.broadcast %mul3A_248 : i32 to vector<16xi32>
      %add3A_250 = arith.addi %add3A_249, %iota3A : vector<16xi32>
      %lt3A = vector.broadcast %scan3A_44#0 : i32 to vector<16xi32>
      %lt3A_251 = arith.cmpi slt, %add3A_250, %lt3A : vector<16xi32>
      %ge3A = vector.broadcast %add3A_191 : i32 to vector<16xi32>
      %ge3A_252 = arith.cmpi sge, %shift_right_logical3A_244, %ge3A : vector<16xi32>
      %and3A_253 = arith.andi %lt3A_251, %ge3A_252 : vector<16xi1>
      %add3A_254 = arith.constant 640 : i32
      %add3A_255 = arith.addi %add3A_191, %add3A_254 : i32
      %lt3A_256 = vector.broadcast %add3A_255 : i32 to vector<16xi32>
      %lt3A_257 = arith.cmpi slt, %shift_right_logical3A_244, %lt3A_256 : vector<16xi32>
      %and3A_258 = arith.andi %and3A_253, %lt3A_257 : vector<16xi1>
      %while3A_259:2 = scf.while (%while3A_260 = %and3A_258, %while3A_261 = %while3A_239) : (vector<16xi1>, i32) -> (vector<16xi1>, i32) {
        %all_reduce_population_count3A = tpu.all_reduce %while3A_260 {dim = 0 : i64, kind = #tpu.reduction_kind<sum>} : vector<16xi1> -> vector<16xi32>
        %slice3A = vector.extract_strided_slice %all_reduce_population_count3A {offsets = [0], sizes = [1], strides = [1]} : vector<16xi32> to vector<1xi32>
        %squeeze3A = vector.extract %slice3A[0] : i32 from vector<1xi32>
        %gt3A = arith.constant 0 : i32
        %gt3A_262 = arith.cmpi sgt, %squeeze3A, %gt3A : i32
        scf.condition(%gt3A_262) %while3A_260, %while3A_261 : vector<16xi1>, i32
      } do {
      ^bb0(%while3A_260: vector<16xi1>, %while3A_261: i32):
        %all_reduce_ffs3A = tpu.all_reduce %while3A_260 {dim = 0 : i64, kind = #tpu.reduction_kind<find_first_set>} : vector<16xi1> -> vector<16xi32>
        %slice3A = vector.extract_strided_slice %all_reduce_ffs3A {offsets = [0], sizes = [1], strides = [1]} : vector<16xi32> to vector<1xi32>
        %squeeze3A = vector.extract %slice3A[0] : i32 from vector<1xi32>
        %eq3A = vector.broadcast %squeeze3A : i32 to vector<16xi32>
        %eq3A_262 = arith.cmpi eq, %iota3A, %eq3A : vector<16xi32>
        %jit3A = arith.constant 0 : i32
        %broadcast_in_dim3A = vector.broadcast %jit3A : i32 to vector<16xi32>
        %select_n3A = arith.select %eq3A_262, %shift_right_logical3A_244, %broadcast_in_dim3A : vector<16xi1>, vector<16xi32>
        %reduce_sum3A = arith.constant true
        %reduce_sum3A_263 = vector.broadcast %reduce_sum3A : i1 to vector<16xi1>
        %reduce_sum3A_264 = tpu.scan <sum>, %select_n3A masked %reduce_sum3A_263 : vector<16xi32>, vector<16xi1> -> vector<16xi32>
        %reduce_sum3A_265 = vector.extract %reduce_sum3A_264[15] : i32 from vector<16xi32>
        %jit3A_266 = arith.constant 0 : i32
        %broadcast_in_dim3A_267 = vector.broadcast %jit3A_266 : i32 to vector<16xi32>
        %select_n3A_268 = arith.select %eq3A_262, %and3A_246, %broadcast_in_dim3A_267 : vector<16xi1>, vector<16xi32>
        %reduce_sum3A_269 = arith.constant true
        %reduce_sum3A_270 = vector.broadcast %reduce_sum3A_269 : i1 to vector<16xi1>
        %reduce_sum3A_271 = tpu.scan <sum>, %select_n3A_268 masked %reduce_sum3A_270 : vector<16xi32>, vector<16xi1> -> vector<16xi32>
        %reduce_sum3A_272 = vector.extract %reduce_sum3A_271[15] : i32 from vector<16xi32>
        %sub3A_273 = arith.subi %reduce_sum3A_265, %add3A_191 : i32
        %ge3A_274 = arith.constant 16 : i32
        %ge3A_275 = arith.cmpi sge, %while3A_261, %ge3A_274 : i32
        %convert_element_type3A = arith.extui %ge3A_275 : i1 to i32
        %cond3A = arith.constant 0 : i32
        %cond3A_276 = arith.cmpi ne, %convert_element_type3A, %cond3A : i32
        scf.if %cond3A_276 {
          %dma_wait3A_327 = arith.constant 0 : i32
          %dma_wait3A_328 = tpu.memref_slice %arg12[%dma_wait3A_327] : memref<2048xf32, #tpu.memory_space<vmem>> -> memref<128xf32, #tpu.memory_space<vmem>>
          %dma_wait3A_329 = arith.constant 0 : i32
          %dma_wait3A_330 = tpu.memref_slice %arg5[%dma_wait3A_329] : memref<524288xf32, #tpu.memory_space<hbm>> -> memref<128xf32, #tpu.memory_space<hbm>>
          %dma_wait3A_331 = arith.constant 0 : i32
          %dma_wait3A_332 = tpu.memref_slice %arg12[%dma_wait3A_331] : memref<2048xf32, #tpu.memory_space<vmem>> -> memref<128xf32, #tpu.memory_space<vmem>>
          %dma_wait3A_333 = arith.constant 0 : i32
          %dma_wait3A_334 = tpu.memref_slice %arg5[%dma_wait3A_333] : memref<524288xf32, #tpu.memory_space<hbm>> -> memref<128xf32, #tpu.memory_space<hbm>>
          tpu.wait_dma2 semaphore(%arg15 : memref<!tpu.dma_semaphore, #tpu.memory_space<semaphore_mem>>) src(%dma_wait3A_334 : memref<128xf32, #tpu.memory_space<hbm>>) dst(%dma_wait3A_332 : memref<128xf32, #tpu.memory_space<vmem>>)
        } else {
        }
        %and3A_277 = arith.constant 15 : i32
        %and3A_278 = arith.andi %while3A_261, %and3A_277 : i32
        %mul3A_279 = arith.constant 128 : i32
        %mul3A_280 = arith.muli %and3A_278, %mul3A_279 : i32
        %broadcast_in_dim3A_281 = arith.constant 0 : i32
        %broadcast_in_dim3A_282 = vector.broadcast %broadcast_in_dim3A_281 : i32 to vector<16xi32>
        %add3A_283 = vector.broadcast %sub3A_273 : i32 to vector<16xi32>
        %add3A_284 = arith.addi %broadcast_in_dim3A_282, %add3A_283 : vector<16xi32>
        %add3A_285 = arith.constant 0 : i32
        %add3A_286 = vector.broadcast %add3A_285 : i32 to vector<16xi32>
        %add3A_287 = arith.addi %add3A_286, %iota3A : vector<16xi32>
        %gather3A = tpu.vector_load_idx %arg6[%add3A_287, %add3A_284] : memref<64x648xf32, #tpu.memory_space<vmem>>[vector<16xi32>, vector<16xi32>], vector<16xf32>,
        %add3A_288 = arith.constant 0 : i32
        %add3A_289 = arith.addi %mul3A_280, %add3A_288 : i32
        %swap3A = arith.index_cast %add3A_289 : i32 to index
        %swap3A_290 = tpu.vector_load %arg12[%swap3A] {strides = array<i32>} : memref<2048xf32, #tpu.memory_space<vmem>>, vector<16xf32>,
        tpu.vector_store %arg12[%swap3A], %gather3A {strides = array<i32>} : memref<2048xf32, #tpu.memory_space<vmem>>, vector<16xf32>,
        %add3A_291 = arith.constant 16 : i32
        %add3A_292 = vector.broadcast %add3A_291 : i32 to vector<16xi32>
        %add3A_293 = arith.addi %add3A_292, %iota3A : vector<16xi32>
        %gather3A_294 = tpu.vector_load_idx %arg6[%add3A_293, %add3A_284] : memref<64x648xf32, #tpu.memory_space<vmem>>[vector<16xi32>, vector<16xi32>], vector<16xf32>,
        %add3A_295 = arith.constant 16 : i32
        %add3A_296 = arith.addi %mul3A_280, %add3A_295 : i32
        %swap3A_297 = arith.index_cast %add3A_296 : i32 to index
        %swap3A_298 = tpu.vector_load %arg12[%swap3A_297] {strides = array<i32>} : memref<2048xf32, #tpu.memory_space<vmem>>, vector<16xf32>,
        tpu.vector_store %arg12[%swap3A_297], %gather3A_294 {strides = array<i32>} : memref<2048xf32, #tpu.memory_space<vmem>>, vector<16xf32>,
        %add3A_299 = arith.constant 32 : i32
        %add3A_300 = vector.broadcast %add3A_299 : i32 to vector<16xi32>
        %add3A_301 = arith.addi %add3A_300, %iota3A : vector<16xi32>
        %gather3A_302 = tpu.vector_load_idx %arg6[%add3A_301, %add3A_284] : memref<64x648xf32, #tpu.memory_space<vmem>>[vector<16xi32>, vector<16xi32>], vector<16xf32>,
        %add3A_303 = arith.constant 32 : i32
        %add3A_304 = arith.addi %mul3A_280, %add3A_303 : i32
        %swap3A_305 = arith.index_cast %add3A_304 : i32 to index
        %swap3A_306 = tpu.vector_load %arg12[%swap3A_305] {strides = array<i32>} : memref<2048xf32, #tpu.memory_space<vmem>>, vector<16xf32>,
        tpu.vector_store %arg12[%swap3A_305], %gather3A_302 {strides = array<i32>} : memref<2048xf32, #tpu.memory_space<vmem>>, vector<16xf32>,
        %add3A_307 = arith.constant 48 : i32
        %add3A_308 = vector.broadcast %add3A_307 : i32 to vector<16xi32>
        %add3A_309 = arith.addi %add3A_308, %iota3A : vector<16xi32>
        %gather3A_310 = tpu.vector_load_idx %arg6[%add3A_309, %add3A_284] : memref<64x648xf32, #tpu.memory_space<vmem>>[vector<16xi32>, vector<16xi32>], vector<16xf32>,
        %add3A_311 = arith.constant 48 : i32
        %add3A_312 = arith.addi %mul3A_280, %add3A_311 : i32
        %swap3A_313 = arith.index_cast %add3A_312 : i32 to index
        %swap3A_314 = tpu.vector_load %arg12[%swap3A_313] {strides = array<i32>} : memref<2048xf32, #tpu.memory_space<vmem>>, vector<16xf32>,
        tpu.vector_store %arg12[%swap3A_313], %gather3A_310 {strides = array<i32>} : memref<2048xf32, #tpu.memory_space<vmem>>, vector<16xf32>,
        %multiple_of3A_315 = tpu.assume_multiple %mul3A_280, 128 : i32
        %mul3A_316 = arith.constant 128 : i32
        %mul3A_317 = arith.muli %reduce_sum3A_272, %mul3A_316 : i32
        %multiple_of3A_318 = tpu.assume_multiple %mul3A_317, 128 : i32
        %dma_start3A_319 = tpu.memref_slice %arg12[%multiple_of3A_315] : memref<2048xf32, #tpu.memory_space<vmem>> -> memref<128xf32, #tpu.memory_space<vmem>>
        %dma_start3A_320 = tpu.memref_slice %arg5[%multiple_of3A_318] : memref<524288xf32, #tpu.memory_space<hbm>> -> memref<128xf32, #tpu.memory_space<hbm>>
        %dma_start3A_321 = tpu.memref_slice %arg5[%multiple_of3A_318] : memref<524288xf32, #tpu.memory_space<hbm>> -> memref<128xf32, #tpu.memory_space<hbm>>
        %dma_start3A_322 = tpu.memref_slice %arg12[%multiple_of3A_315] : memref<2048xf32, #tpu.memory_space<vmem>> -> memref<128xf32, #tpu.memory_space<vmem>>
        tpu.enqueue_dma source(%dma_start3A_322 : memref<128xf32, #tpu.memory_space<vmem>>) target(%dma_start3A_321 : memref<128xf32, #tpu.memory_space<hbm>>) target_semaphore(%arg15 : memref<!tpu.dma_semaphore, #tpu.memory_space<semaphore_mem>>)
        %add3A_323 = arith.constant 1 : i32
        %add3A_324 = arith.addi %while3A_261, %add3A_323 : i32
        %not3A = arith.constant dense<true> : vector<16xi1>
        %not3A_325 = arith.xori %eq3A_262, %not3A : vector<16xi1>
        %and3A_326 = arith.andi %while3A_260, %not3A_325 : vector<16xi1>
        scf.yield %and3A_326, %add3A_324 : vector<16xi1>, i32
      }
      scf.yield %while3A_259#1 : i32
    }
    %while3A_201 = arith.constant 1 : i32
    %while3A_202 = scf.for %while3A_238 = %while3A_198 to %while3A_194 step %while3A_201 iter_args(%while3A_239 = %while3A_200) -> (i32)  : i32 {
      %mul3A_240 = arith.constant 16 : i32
      %mul3A_241 = arith.muli %while3A_238, %mul3A_240 : i32
      %get3A = arith.index_cast %mul3A_241 : i32 to index
      %get3A_242 = tpu.vector_load %arg10[%get3A] {strides = array<i32>} : memref<4112xi32, #tpu.memory_space<vmem>>, vector<16xi32>,
      %shift_right_logical3A = arith.constant 12 : i32
      %shift_right_logical3A_243 = vector.broadcast %shift_right_logical3A : i32 to vector<16xi32>
      %shift_right_logical3A_244 = arith.shrui %get3A_242, %shift_right_logical3A_243 : vector<16xi32>
      %and3A = arith.constant 4095 : i32
      %and3A_245 = vector.broadcast %and3A : i32 to vector<16xi32>
      %and3A_246 = arith.andi %get3A_242, %and3A_245 : vector<16xi32>
      %mul3A_247 = arith.constant 16 : i32
      %mul3A_248 = arith.muli %while3A_238, %mul3A_247 : i32
      %add3A_249 = vector.broadcast %mul3A_248 : i32 to vector<16xi32>
      %add3A_250 = arith.addi %add3A_249, %iota3A : vector<16xi32>
      %lt3A = vector.broadcast %scan3A_44#0 : i32 to vector<16xi32>
      %lt3A_251 = arith.cmpi slt, %add3A_250, %lt3A : vector<16xi32>
      %ge3A = vector.broadcast %add3A_191 : i32 to vector<16xi32>
      %ge3A_252 = arith.cmpi sge, %shift_right_logical3A_244, %ge3A : vector<16xi32>
      %and3A_253 = arith.andi %lt3A_251, %ge3A_252 : vector<16xi1>
      %add3A_254 = arith.constant 640 : i32
      %add3A_255 = arith.addi %add3A_191, %add3A_254 : i32
      %lt3A_256 = vector.broadcast %add3A_255 : i32 to vector<16xi32>
      %lt3A_257 = arith.cmpi slt, %shift_right_logical3A_244, %lt3A_256 : vector<16xi32>
      %and3A_258 = arith.andi %and3A_253, %lt3A_257 : vector<16xi1>
      %while3A_259:2 = scf.while (%while3A_260 = %and3A_258, %while3A_261 = %while3A_239) : (vector<16xi1>, i32) -> (vector<16xi1>, i32) {
        %all_reduce_population_count3A = tpu.all_reduce %while3A_260 {dim = 0 : i64, kind = #tpu.reduction_kind<sum>} : vector<16xi1> -> vector<16xi32>
        %slice3A = vector.extract_strided_slice %all_reduce_population_count3A {offsets = [0], sizes = [1], strides = [1]} : vector<16xi32> to vector<1xi32>
        %squeeze3A = vector.extract %slice3A[0] : i32 from vector<1xi32>
        %gt3A = arith.constant 0 : i32
        %gt3A_262 = arith.cmpi sgt, %squeeze3A, %gt3A : i32
        scf.condition(%gt3A_262) %while3A_260, %while3A_261 : vector<16xi1>, i32
      } do {
      ^bb0(%while3A_260: vector<16xi1>, %while3A_261: i32):
        %all_reduce_ffs3A = tpu.all_reduce %while3A_260 {dim = 0 : i64, kind = #tpu.reduction_kind<find_first_set>} : vector<16xi1> -> vector<16xi32>
        %slice3A = vector.extract_strided_slice %all_reduce_ffs3A {offsets = [0], sizes = [1], strides = [1]} : vector<16xi32> to vector<1xi32>
        %squeeze3A = vector.extract %slice3A[0] : i32 from vector<1xi32>
        %eq3A = vector.broadcast %squeeze3A : i32 to vector<16xi32>
        %eq3A_262 = arith.cmpi eq, %iota3A, %eq3A : vector<16xi32>
        %jit3A = arith.constant 0 : i32
        %broadcast_in_dim3A = vector.broadcast %jit3A : i32 to vector<16xi32>
        %select_n3A = arith.select %eq3A_262, %shift_right_logical3A_244, %broadcast_in_dim3A : vector<16xi1>, vector<16xi32>
        %reduce_sum3A = arith.constant true
        %reduce_sum3A_263 = vector.broadcast %reduce_sum3A : i1 to vector<16xi1>
        %reduce_sum3A_264 = tpu.scan <sum>, %select_n3A masked %reduce_sum3A_263 : vector<16xi32>, vector<16xi1> -> vector<16xi32>
        %reduce_sum3A_265 = vector.extract %reduce_sum3A_264[15] : i32 from vector<16xi32>
        %jit3A_266 = arith.constant 0 : i32
        %broadcast_in_dim3A_267 = vector.broadcast %jit3A_266 : i32 to vector<16xi32>
        %select_n3A_268 = arith.select %eq3A_262, %and3A_246, %broadcast_in_dim3A_267 : vector<16xi1>, vector<16xi32>
        %reduce_sum3A_269 = arith.constant true
        %reduce_sum3A_270 = vector.broadcast %reduce_sum3A_269 : i1 to vector<16xi1>
        %reduce_sum3A_271 = tpu.scan <sum>, %select_n3A_268 masked %reduce_sum3A_270 : vector<16xi32>, vector<16xi1> -> vector<16xi32>
        %reduce_sum3A_272 = vector.extract %reduce_sum3A_271[15] : i32 from vector<16xi32>
        %sub3A_273 = arith.subi %reduce_sum3A_265, %add3A_191 : i32
        %ge3A_274 = arith.constant 16 : i32
        %ge3A_275 = arith.cmpi sge, %while3A_261, %ge3A_274 : i32
        %convert_element_type3A = arith.extui %ge3A_275 : i1 to i32
        %cond3A = arith.constant 0 : i32
        %cond3A_276 = arith.cmpi ne, %convert_element_type3A, %cond3A : i32
        scf.if %cond3A_276 {
          %dma_wait3A_327 = arith.constant 0 : i32
          %dma_wait3A_328 = tpu.memref_slice %arg12[%dma_wait3A_327] : memref<2048xf32, #tpu.memory_space<vmem>> -> memref<128xf32, #tpu.memory_space<vmem>>
          %dma_wait3A_329 = arith.constant 0 : i32
          %dma_wait3A_330 = tpu.memref_slice %arg5[%dma_wait3A_329] : memref<524288xf32, #tpu.memory_space<hbm>> -> memref<128xf32, #tpu.memory_space<hbm>>
          %dma_wait3A_331 = arith.constant 0 : i32
          %dma_wait3A_332 = tpu.memref_slice %arg12[%dma_wait3A_331] : memref<2048xf32, #tpu.memory_space<vmem>> -> memref<128xf32, #tpu.memory_space<vmem>>
          %dma_wait3A_333 = arith.constant 0 : i32
          %dma_wait3A_334 = tpu.memref_slice %arg5[%dma_wait3A_333] : memref<524288xf32, #tpu.memory_space<hbm>> -> memref<128xf32, #tpu.memory_space<hbm>>
          tpu.wait_dma2 semaphore(%arg15 : memref<!tpu.dma_semaphore, #tpu.memory_space<semaphore_mem>>) src(%dma_wait3A_334 : memref<128xf32, #tpu.memory_space<hbm>>) dst(%dma_wait3A_332 : memref<128xf32, #tpu.memory_space<vmem>>)
        } else {
        }
        %and3A_277 = arith.constant 15 : i32
        %and3A_278 = arith.andi %while3A_261, %and3A_277 : i32
        %mul3A_279 = arith.constant 128 : i32
        %mul3A_280 = arith.muli %and3A_278, %mul3A_279 : i32
        %broadcast_in_dim3A_281 = arith.constant 0 : i32
        %broadcast_in_dim3A_282 = vector.broadcast %broadcast_in_dim3A_281 : i32 to vector<16xi32>
        %add3A_283 = vector.broadcast %sub3A_273 : i32 to vector<16xi32>
        %add3A_284 = arith.addi %broadcast_in_dim3A_282, %add3A_283 : vector<16xi32>
        %add3A_285 = arith.constant 0 : i32
        %add3A_286 = vector.broadcast %add3A_285 : i32 to vector<16xi32>
        %add3A_287 = arith.addi %add3A_286, %iota3A : vector<16xi32>
        %gather3A = tpu.vector_load_idx %arg6[%add3A_287, %add3A_284] : memref<64x648xf32, #tpu.memory_space<vmem>>[vector<16xi32>, vector<16xi32>], vector<16xf32>,
        %add3A_288 = arith.constant 0 : i32
        %add3A_289 = arith.addi %mul3A_280, %add3A_288 : i32
        %swap3A = arith.index_cast %add3A_289 : i32 to index
        %swap3A_290 = tpu.vector_load %arg12[%swap3A] {strides = array<i32>} : memref<2048xf32, #tpu.memory_space<vmem>>, vector<16xf32>,
        tpu.vector_store %arg12[%swap3A], %gather3A {strides = array<i32>} : memref<2048xf32, #tpu.memory_space<vmem>>, vector<16xf32>,
        %add3A_291 = arith.constant 16 : i32
        %add3A_292 = vector.broadcast %add3A_291 : i32 to vector<16xi32>
        %add3A_293 = arith.addi %add3A_292, %iota3A : vector<16xi32>
        %gather3A_294 = tpu.vector_load_idx %arg6[%add3A_293, %add3A_284] : memref<64x648xf32, #tpu.memory_space<vmem>>[vector<16xi32>, vector<16xi32>], vector<16xf32>,
        %add3A_295 = arith.constant 16 : i32
        %add3A_296 = arith.addi %mul3A_280, %add3A_295 : i32
        %swap3A_297 = arith.index_cast %add3A_296 : i32 to index
        %swap3A_298 = tpu.vector_load %arg12[%swap3A_297] {strides = array<i32>} : memref<2048xf32, #tpu.memory_space<vmem>>, vector<16xf32>,
        tpu.vector_store %arg12[%swap3A_297], %gather3A_294 {strides = array<i32>} : memref<2048xf32, #tpu.memory_space<vmem>>, vector<16xf32>,
        %add3A_299 = arith.constant 32 : i32
        %add3A_300 = vector.broadcast %add3A_299 : i32 to vector<16xi32>
        %add3A_301 = arith.addi %add3A_300, %iota3A : vector<16xi32>
        %gather3A_302 = tpu.vector_load_idx %arg6[%add3A_301, %add3A_284] : memref<64x648xf32, #tpu.memory_space<vmem>>[vector<16xi32>, vector<16xi32>], vector<16xf32>,
        %add3A_303 = arith.constant 32 : i32
        %add3A_304 = arith.addi %mul3A_280, %add3A_303 : i32
        %swap3A_305 = arith.index_cast %add3A_304 : i32 to index
        %swap3A_306 = tpu.vector_load %arg12[%swap3A_305] {strides = array<i32>} : memref<2048xf32, #tpu.memory_space<vmem>>, vector<16xf32>,
        tpu.vector_store %arg12[%swap3A_305], %gather3A_302 {strides = array<i32>} : memref<2048xf32, #tpu.memory_space<vmem>>, vector<16xf32>,
        %add3A_307 = arith.constant 48 : i32
        %add3A_308 = vector.broadcast %add3A_307 : i32 to vector<16xi32>
        %add3A_309 = arith.addi %add3A_308, %iota3A : vector<16xi32>
        %gather3A_310 = tpu.vector_load_idx %arg6[%add3A_309, %add3A_284] : memref<64x648xf32, #tpu.memory_space<vmem>>[vector<16xi32>, vector<16xi32>], vector<16xf32>,
        %add3A_311 = arith.constant 48 : i32
        %add3A_312 = arith.addi %mul3A_280, %add3A_311 : i32
        %swap3A_313 = arith.index_cast %add3A_312 : i32 to index
        %swap3A_314 = tpu.vector_load %arg12[%swap3A_313] {strides = array<i32>} : memref<2048xf32, #tpu.memory_space<vmem>>, vector<16xf32>,
        tpu.vector_store %arg12[%swap3A_313], %gather3A_310 {strides = array<i32>} : memref<2048xf32, #tpu.memory_space<vmem>>, vector<16xf32>,
        %multiple_of3A_315 = tpu.assume_multiple %mul3A_280, 128 : i32
        %mul3A_316 = arith.constant 128 : i32
        %mul3A_317 = arith.muli %reduce_sum3A_272, %mul3A_316 : i32
        %multiple_of3A_318 = tpu.assume_multiple %mul3A_317, 128 : i32
        %dma_start3A_319 = tpu.memref_slice %arg12[%multiple_of3A_315] : memref<2048xf32, #tpu.memory_space<vmem>> -> memref<128xf32, #tpu.memory_space<vmem>>
        %dma_start3A_320 = tpu.memref_slice %arg5[%multiple_of3A_318] : memref<524288xf32, #tpu.memory_space<hbm>> -> memref<128xf32, #tpu.memory_space<hbm>>
        %dma_start3A_321 = tpu.memref_slice %arg5[%multiple_of3A_318] : memref<524288xf32, #tpu.memory_space<hbm>> -> memref<128xf32, #tpu.memory_space<hbm>>
        %dma_start3A_322 = tpu.memref_slice %arg12[%multiple_of3A_315] : memref<2048xf32, #tpu.memory_space<vmem>> -> memref<128xf32, #tpu.memory_space<vmem>>
        tpu.enqueue_dma source(%dma_start3A_322 : memref<128xf32, #tpu.memory_space<vmem>>) target(%dma_start3A_321 : memref<128xf32, #tpu.memory_space<hbm>>) target_semaphore(%arg15 : memref<!tpu.dma_semaphore, #tpu.memory_space<semaphore_mem>>)
        %add3A_323 = arith.constant 1 : i32
        %add3A_324 = arith.addi %while3A_261, %add3A_323 : i32
        %not3A = arith.constant dense<true> : vector<16xi1>
        %not3A_325 = arith.xori %eq3A_262, %not3A : vector<16xi1>
        %and3A_326 = arith.andi %while3A_260, %not3A_325 : vector<16xi1>
        scf.yield %and3A_326, %add3A_324 : vector<16xi1>, i32
      }
      scf.yield %while3A_259#1 : i32
    }
    %dma_wait3A_203 = arith.constant 0 : i32
    %dma_wait3A_204 = arith.constant 0 : i32
    %dma_wait3A_205 = tpu.memref_slice %arg8[%dma_wait3A_203, %dma_wait3A_204] : memref<64x136xf32, #tpu.memory_space<vmem>> -> memref<64x128xf32, #tpu.memory_space<vmem>>
    %dma_wait3A_206 = arith.constant 0 : i32
    %dma_wait3A_207 = arith.constant 0 : i32
    %dma_wait3A_208 = tpu.memref_slice %arg8[%dma_wait3A_206, %dma_wait3A_207] : memref<64x136xf32, #tpu.memory_space<vmem>> -> memref<64x128xf32, #tpu.memory_space<vmem>>
    tpu.wait_dma2 semaphore(%arg16 : memref<!tpu.dma_semaphore, #tpu.memory_space<semaphore_mem>>) src(%arg4 : memref<64x128xf32, #tpu.memory_space<hbm>>) dst(%dma_wait3A_208 : memref<64x128xf32, #tpu.memory_space<vmem>>)
    %add3A_209 = arith.constant 16 : i32
    %add3A_210 = arith.addi %scan3A_44#1, %add3A_209 : i32
    %sub3A_211 = arith.constant 1 : i32
    %sub3A_212 = arith.subi %add3A_210, %sub3A_211 : i32
    %div3A_213 = arith.constant 16 : i32
    %div3A_214 = arith.divsi %sub3A_212, %div3A_213 : i32
    %while3A_215 = arith.constant 0 : i32
    %while3A_216 = arith.subi %div3A_214, %while3A_215 : i32
    %while3A_217 = arith.addi %while3A_215, %while3A_216 : i32
    %while3A_218 = arith.constant 1 : i32
    %while3A_219 = arith.divsi %while3A_216, %while3A_218 : i32
    %while3A_220 = arith.muli %while3A_219, %while3A_218 : i32
    %while3A_221 = arith.addi %while3A_215, %while3A_220 : i32
    %while3A_222 = arith.constant 1 : i32
    %while3A_223 = scf.for %while3A_238 = %while3A_215 to %while3A_221 step %while3A_222 iter_args(%while3A_239 = %while3A_202) -> (i32)  : i32 {
      %mul3A_240 = arith.constant 16 : i32
      %mul3A_241 = arith.muli %while3A_238, %mul3A_240 : i32
      %get3A = arith.index_cast %mul3A_241 : i32 to index
      %get3A_242 = tpu.vector_load %arg11[%get3A] {strides = array<i32>} : memref<4112xi32, #tpu.memory_space<vmem>>, vector<16xi32>,
      %shift_right_logical3A = arith.constant 12 : i32
      %shift_right_logical3A_243 = vector.broadcast %shift_right_logical3A : i32 to vector<16xi32>
      %shift_right_logical3A_244 = arith.shrui %get3A_242, %shift_right_logical3A_243 : vector<16xi32>
      %and3A = arith.constant 4095 : i32
      %and3A_245 = vector.broadcast %and3A : i32 to vector<16xi32>
      %and3A_246 = arith.andi %get3A_242, %and3A_245 : vector<16xi32>
      %mul3A_247 = arith.constant 16 : i32
      %mul3A_248 = arith.muli %while3A_238, %mul3A_247 : i32
      %add3A_249 = vector.broadcast %mul3A_248 : i32 to vector<16xi32>
      %add3A_250 = arith.addi %add3A_249, %iota3A : vector<16xi32>
      %lt3A = vector.broadcast %scan3A_44#1 : i32 to vector<16xi32>
      %lt3A_251 = arith.cmpi slt, %add3A_250, %lt3A : vector<16xi32>
      %while3A_252:2 = scf.while (%while3A_253 = %lt3A_251, %while3A_254 = %while3A_239) : (vector<16xi1>, i32) -> (vector<16xi1>, i32) {
        %all_reduce_population_count3A = tpu.all_reduce %while3A_253 {dim = 0 : i64, kind = #tpu.reduction_kind<sum>} : vector<16xi1> -> vector<16xi32>
        %slice3A = vector.extract_strided_slice %all_reduce_population_count3A {offsets = [0], sizes = [1], strides = [1]} : vector<16xi32> to vector<1xi32>
        %squeeze3A = vector.extract %slice3A[0] : i32 from vector<1xi32>
        %gt3A = arith.constant 0 : i32
        %gt3A_255 = arith.cmpi sgt, %squeeze3A, %gt3A : i32
        scf.condition(%gt3A_255) %while3A_253, %while3A_254 : vector<16xi1>, i32
      } do {
      ^bb0(%while3A_253: vector<16xi1>, %while3A_254: i32):
        %all_reduce_ffs3A = tpu.all_reduce %while3A_253 {dim = 0 : i64, kind = #tpu.reduction_kind<find_first_set>} : vector<16xi1> -> vector<16xi32>
        %slice3A = vector.extract_strided_slice %all_reduce_ffs3A {offsets = [0], sizes = [1], strides = [1]} : vector<16xi32> to vector<1xi32>
        %squeeze3A = vector.extract %slice3A[0] : i32 from vector<1xi32>
        %eq3A = vector.broadcast %squeeze3A : i32 to vector<16xi32>
        %eq3A_255 = arith.cmpi eq, %iota3A, %eq3A : vector<16xi32>
        %jit3A = arith.constant 0 : i32
        %broadcast_in_dim3A = vector.broadcast %jit3A : i32 to vector<16xi32>
        %select_n3A = arith.select %eq3A_255, %shift_right_logical3A_244, %broadcast_in_dim3A : vector<16xi1>, vector<16xi32>
        %reduce_sum3A = arith.constant true
        %reduce_sum3A_256 = vector.broadcast %reduce_sum3A : i1 to vector<16xi1>
        %reduce_sum3A_257 = tpu.scan <sum>, %select_n3A masked %reduce_sum3A_256 : vector<16xi32>, vector<16xi1> -> vector<16xi32>
        %reduce_sum3A_258 = vector.extract %reduce_sum3A_257[15] : i32 from vector<16xi32>
        %jit3A_259 = arith.constant 0 : i32
        %broadcast_in_dim3A_260 = vector.broadcast %jit3A_259 : i32 to vector<16xi32>
        %select_n3A_261 = arith.select %eq3A_255, %and3A_246, %broadcast_in_dim3A_260 : vector<16xi1>, vector<16xi32>
        %reduce_sum3A_262 = arith.constant true
        %reduce_sum3A_263 = vector.broadcast %reduce_sum3A_262 : i1 to vector<16xi1>
        %reduce_sum3A_264 = tpu.scan <sum>, %select_n3A_261 masked %reduce_sum3A_263 : vector<16xi32>, vector<16xi1> -> vector<16xi32>
        %reduce_sum3A_265 = vector.extract %reduce_sum3A_264[15] : i32 from vector<16xi32>
        %sub3A_266 = arith.constant 0 : i32
        %sub3A_267 = arith.subi %reduce_sum3A_258, %sub3A_266 : i32
        %ge3A = arith.constant 16 : i32
        %ge3A_268 = arith.cmpi sge, %while3A_254, %ge3A : i32
        %convert_element_type3A = arith.extui %ge3A_268 : i1 to i32
        %cond3A = arith.constant 0 : i32
        %cond3A_269 = arith.cmpi ne, %convert_element_type3A, %cond3A : i32
        scf.if %cond3A_269 {
          %dma_wait3A_320 = arith.constant 0 : i32
          %dma_wait3A_321 = tpu.memref_slice %arg12[%dma_wait3A_320] : memref<2048xf32, #tpu.memory_space<vmem>> -> memref<128xf32, #tpu.memory_space<vmem>>
          %dma_wait3A_322 = arith.constant 0 : i32
          %dma_wait3A_323 = tpu.memref_slice %arg5[%dma_wait3A_322] : memref<524288xf32, #tpu.memory_space<hbm>> -> memref<128xf32, #tpu.memory_space<hbm>>
          %dma_wait3A_324 = arith.constant 0 : i32
          %dma_wait3A_325 = tpu.memref_slice %arg12[%dma_wait3A_324] : memref<2048xf32, #tpu.memory_space<vmem>> -> memref<128xf32, #tpu.memory_space<vmem>>
          %dma_wait3A_326 = arith.constant 0 : i32
          %dma_wait3A_327 = tpu.memref_slice %arg5[%dma_wait3A_326] : memref<524288xf32, #tpu.memory_space<hbm>> -> memref<128xf32, #tpu.memory_space<hbm>>
          tpu.wait_dma2 semaphore(%arg15 : memref<!tpu.dma_semaphore, #tpu.memory_space<semaphore_mem>>) src(%dma_wait3A_327 : memref<128xf32, #tpu.memory_space<hbm>>) dst(%dma_wait3A_325 : memref<128xf32, #tpu.memory_space<vmem>>)
        } else {
        }
        %and3A_270 = arith.constant 15 : i32
        %and3A_271 = arith.andi %while3A_254, %and3A_270 : i32
        %mul3A_272 = arith.constant 128 : i32
        %mul3A_273 = arith.muli %and3A_271, %mul3A_272 : i32
        %broadcast_in_dim3A_274 = arith.constant 0 : i32
        %broadcast_in_dim3A_275 = vector.broadcast %broadcast_in_dim3A_274 : i32 to vector<16xi32>
        %add3A_276 = vector.broadcast %sub3A_267 : i32 to vector<16xi32>
        %add3A_277 = arith.addi %broadcast_in_dim3A_275, %add3A_276 : vector<16xi32>
        %add3A_278 = arith.constant 0 : i32
        %add3A_279 = vector.broadcast %add3A_278 : i32 to vector<16xi32>
        %add3A_280 = arith.addi %add3A_279, %iota3A : vector<16xi32>
        %gather3A = tpu.vector_load_idx %arg8[%add3A_280, %add3A_277] : memref<64x136xf32, #tpu.memory_space<vmem>>[vector<16xi32>, vector<16xi32>], vector<16xf32>,
        %add3A_281 = arith.constant 0 : i32
        %add3A_282 = arith.addi %mul3A_273, %add3A_281 : i32
        %swap3A = arith.index_cast %add3A_282 : i32 to index
        %swap3A_283 = tpu.vector_load %arg12[%swap3A] {strides = array<i32>} : memref<2048xf32, #tpu.memory_space<vmem>>, vector<16xf32>,
        tpu.vector_store %arg12[%swap3A], %gather3A {strides = array<i32>} : memref<2048xf32, #tpu.memory_space<vmem>>, vector<16xf32>,
        %add3A_284 = arith.constant 16 : i32
        %add3A_285 = vector.broadcast %add3A_284 : i32 to vector<16xi32>
        %add3A_286 = arith.addi %add3A_285, %iota3A : vector<16xi32>
        %gather3A_287 = tpu.vector_load_idx %arg8[%add3A_286, %add3A_277] : memref<64x136xf32, #tpu.memory_space<vmem>>[vector<16xi32>, vector<16xi32>], vector<16xf32>,
        %add3A_288 = arith.constant 16 : i32
        %add3A_289 = arith.addi %mul3A_273, %add3A_288 : i32
        %swap3A_290 = arith.index_cast %add3A_289 : i32 to index
        %swap3A_291 = tpu.vector_load %arg12[%swap3A_290] {strides = array<i32>} : memref<2048xf32, #tpu.memory_space<vmem>>, vector<16xf32>,
        tpu.vector_store %arg12[%swap3A_290], %gather3A_287 {strides = array<i32>} : memref<2048xf32, #tpu.memory_space<vmem>>, vector<16xf32>,
        %add3A_292 = arith.constant 32 : i32
        %add3A_293 = vector.broadcast %add3A_292 : i32 to vector<16xi32>
        %add3A_294 = arith.addi %add3A_293, %iota3A : vector<16xi32>
        %gather3A_295 = tpu.vector_load_idx %arg8[%add3A_294, %add3A_277] : memref<64x136xf32, #tpu.memory_space<vmem>>[vector<16xi32>, vector<16xi32>], vector<16xf32>,
        %add3A_296 = arith.constant 32 : i32
        %add3A_297 = arith.addi %mul3A_273, %add3A_296 : i32
        %swap3A_298 = arith.index_cast %add3A_297 : i32 to index
        %swap3A_299 = tpu.vector_load %arg12[%swap3A_298] {strides = array<i32>} : memref<2048xf32, #tpu.memory_space<vmem>>, vector<16xf32>,
        tpu.vector_store %arg12[%swap3A_298], %gather3A_295 {strides = array<i32>} : memref<2048xf32, #tpu.memory_space<vmem>>, vector<16xf32>,
        %add3A_300 = arith.constant 48 : i32
        %add3A_301 = vector.broadcast %add3A_300 : i32 to vector<16xi32>
        %add3A_302 = arith.addi %add3A_301, %iota3A : vector<16xi32>
        %gather3A_303 = tpu.vector_load_idx %arg8[%add3A_302, %add3A_277] : memref<64x136xf32, #tpu.memory_space<vmem>>[vector<16xi32>, vector<16xi32>], vector<16xf32>,
        %add3A_304 = arith.constant 48 : i32
        %add3A_305 = arith.addi %mul3A_273, %add3A_304 : i32
        %swap3A_306 = arith.index_cast %add3A_305 : i32 to index
        %swap3A_307 = tpu.vector_load %arg12[%swap3A_306] {strides = array<i32>} : memref<2048xf32, #tpu.memory_space<vmem>>, vector<16xf32>,
        tpu.vector_store %arg12[%swap3A_306], %gather3A_303 {strides = array<i32>} : memref<2048xf32, #tpu.memory_space<vmem>>, vector<16xf32>,
        %multiple_of3A_308 = tpu.assume_multiple %mul3A_273, 128 : i32
        %mul3A_309 = arith.constant 128 : i32
        %mul3A_310 = arith.muli %reduce_sum3A_265, %mul3A_309 : i32
        %multiple_of3A_311 = tpu.assume_multiple %mul3A_310, 128 : i32
        %dma_start3A_312 = tpu.memref_slice %arg12[%multiple_of3A_308] : memref<2048xf32, #tpu.memory_space<vmem>> -> memref<128xf32, #tpu.memory_space<vmem>>
        %dma_start3A_313 = tpu.memref_slice %arg5[%multiple_of3A_311] : memref<524288xf32, #tpu.memory_space<hbm>> -> memref<128xf32, #tpu.memory_space<hbm>>
        %dma_start3A_314 = tpu.memref_slice %arg5[%multiple_of3A_311] : memref<524288xf32, #tpu.memory_space<hbm>> -> memref<128xf32, #tpu.memory_space<hbm>>
        %dma_start3A_315 = tpu.memref_slice %arg12[%multiple_of3A_308] : memref<2048xf32, #tpu.memory_space<vmem>> -> memref<128xf32, #tpu.memory_space<vmem>>
        tpu.enqueue_dma source(%dma_start3A_315 : memref<128xf32, #tpu.memory_space<vmem>>) target(%dma_start3A_314 : memref<128xf32, #tpu.memory_space<hbm>>) target_semaphore(%arg15 : memref<!tpu.dma_semaphore, #tpu.memory_space<semaphore_mem>>)
        %add3A_316 = arith.constant 1 : i32
        %add3A_317 = arith.addi %while3A_254, %add3A_316 : i32
        %not3A = arith.constant dense<true> : vector<16xi1>
        %not3A_318 = arith.xori %eq3A_255, %not3A : vector<16xi1>
        %and3A_319 = arith.andi %while3A_253, %not3A_318 : vector<16xi1>
        scf.yield %and3A_319, %add3A_317 : vector<16xi1>, i32
      }
      scf.yield %while3A_252#1 : i32
    }
    %while3A_224 = arith.constant 1 : i32
    %while3A_225 = scf.for %while3A_238 = %while3A_221 to %while3A_217 step %while3A_224 iter_args(%while3A_239 = %while3A_223) -> (i32)  : i32 {
      %mul3A_240 = arith.constant 16 : i32
      %mul3A_241 = arith.muli %while3A_238, %mul3A_240 : i32
      %get3A = arith.index_cast %mul3A_241 : i32 to index
      %get3A_242 = tpu.vector_load %arg11[%get3A] {strides = array<i32>} : memref<4112xi32, #tpu.memory_space<vmem>>, vector<16xi32>,
      %shift_right_logical3A = arith.constant 12 : i32
      %shift_right_logical3A_243 = vector.broadcast %shift_right_logical3A : i32 to vector<16xi32>
      %shift_right_logical3A_244 = arith.shrui %get3A_242, %shift_right_logical3A_243 : vector<16xi32>
      %and3A = arith.constant 4095 : i32
      %and3A_245 = vector.broadcast %and3A : i32 to vector<16xi32>
      %and3A_246 = arith.andi %get3A_242, %and3A_245 : vector<16xi32>
      %mul3A_247 = arith.constant 16 : i32
      %mul3A_248 = arith.muli %while3A_238, %mul3A_247 : i32
      %add3A_249 = vector.broadcast %mul3A_248 : i32 to vector<16xi32>
      %add3A_250 = arith.addi %add3A_249, %iota3A : vector<16xi32>
      %lt3A = vector.broadcast %scan3A_44#1 : i32 to vector<16xi32>
      %lt3A_251 = arith.cmpi slt, %add3A_250, %lt3A : vector<16xi32>
      %while3A_252:2 = scf.while (%while3A_253 = %lt3A_251, %while3A_254 = %while3A_239) : (vector<16xi1>, i32) -> (vector<16xi1>, i32) {
        %all_reduce_population_count3A = tpu.all_reduce %while3A_253 {dim = 0 : i64, kind = #tpu.reduction_kind<sum>} : vector<16xi1> -> vector<16xi32>
        %slice3A = vector.extract_strided_slice %all_reduce_population_count3A {offsets = [0], sizes = [1], strides = [1]} : vector<16xi32> to vector<1xi32>
        %squeeze3A = vector.extract %slice3A[0] : i32 from vector<1xi32>
        %gt3A = arith.constant 0 : i32
        %gt3A_255 = arith.cmpi sgt, %squeeze3A, %gt3A : i32
        scf.condition(%gt3A_255) %while3A_253, %while3A_254 : vector<16xi1>, i32
      } do {
      ^bb0(%while3A_253: vector<16xi1>, %while3A_254: i32):
        %all_reduce_ffs3A = tpu.all_reduce %while3A_253 {dim = 0 : i64, kind = #tpu.reduction_kind<find_first_set>} : vector<16xi1> -> vector<16xi32>
        %slice3A = vector.extract_strided_slice %all_reduce_ffs3A {offsets = [0], sizes = [1], strides = [1]} : vector<16xi32> to vector<1xi32>
        %squeeze3A = vector.extract %slice3A[0] : i32 from vector<1xi32>
        %eq3A = vector.broadcast %squeeze3A : i32 to vector<16xi32>
        %eq3A_255 = arith.cmpi eq, %iota3A, %eq3A : vector<16xi32>
        %jit3A = arith.constant 0 : i32
        %broadcast_in_dim3A = vector.broadcast %jit3A : i32 to vector<16xi32>
        %select_n3A = arith.select %eq3A_255, %shift_right_logical3A_244, %broadcast_in_dim3A : vector<16xi1>, vector<16xi32>
        %reduce_sum3A = arith.constant true
        %reduce_sum3A_256 = vector.broadcast %reduce_sum3A : i1 to vector<16xi1>
        %reduce_sum3A_257 = tpu.scan <sum>, %select_n3A masked %reduce_sum3A_256 : vector<16xi32>, vector<16xi1> -> vector<16xi32>
        %reduce_sum3A_258 = vector.extract %reduce_sum3A_257[15] : i32 from vector<16xi32>
        %jit3A_259 = arith.constant 0 : i32
        %broadcast_in_dim3A_260 = vector.broadcast %jit3A_259 : i32 to vector<16xi32>
        %select_n3A_261 = arith.select %eq3A_255, %and3A_246, %broadcast_in_dim3A_260 : vector<16xi1>, vector<16xi32>
        %reduce_sum3A_262 = arith.constant true
        %reduce_sum3A_263 = vector.broadcast %reduce_sum3A_262 : i1 to vector<16xi1>
        %reduce_sum3A_264 = tpu.scan <sum>, %select_n3A_261 masked %reduce_sum3A_263 : vector<16xi32>, vector<16xi1> -> vector<16xi32>
        %reduce_sum3A_265 = vector.extract %reduce_sum3A_264[15] : i32 from vector<16xi32>
        %sub3A_266 = arith.constant 0 : i32
        %sub3A_267 = arith.subi %reduce_sum3A_258, %sub3A_266 : i32
        %ge3A = arith.constant 16 : i32
        %ge3A_268 = arith.cmpi sge, %while3A_254, %ge3A : i32
        %convert_element_type3A = arith.extui %ge3A_268 : i1 to i32
        %cond3A = arith.constant 0 : i32
        %cond3A_269 = arith.cmpi ne, %convert_element_type3A, %cond3A : i32
        scf.if %cond3A_269 {
          %dma_wait3A_320 = arith.constant 0 : i32
          %dma_wait3A_321 = tpu.memref_slice %arg12[%dma_wait3A_320] : memref<2048xf32, #tpu.memory_space<vmem>> -> memref<128xf32, #tpu.memory_space<vmem>>
          %dma_wait3A_322 = arith.constant 0 : i32
          %dma_wait3A_323 = tpu.memref_slice %arg5[%dma_wait3A_322] : memref<524288xf32, #tpu.memory_space<hbm>> -> memref<128xf32, #tpu.memory_space<hbm>>
          %dma_wait3A_324 = arith.constant 0 : i32
          %dma_wait3A_325 = tpu.memref_slice %arg12[%dma_wait3A_324] : memref<2048xf32, #tpu.memory_space<vmem>> -> memref<128xf32, #tpu.memory_space<vmem>>
          %dma_wait3A_326 = arith.constant 0 : i32
          %dma_wait3A_327 = tpu.memref_slice %arg5[%dma_wait3A_326] : memref<524288xf32, #tpu.memory_space<hbm>> -> memref<128xf32, #tpu.memory_space<hbm>>
          tpu.wait_dma2 semaphore(%arg15 : memref<!tpu.dma_semaphore, #tpu.memory_space<semaphore_mem>>) src(%dma_wait3A_327 : memref<128xf32, #tpu.memory_space<hbm>>) dst(%dma_wait3A_325 : memref<128xf32, #tpu.memory_space<vmem>>)
        } else {
        }
        %and3A_270 = arith.constant 15 : i32
        %and3A_271 = arith.andi %while3A_254, %and3A_270 : i32
        %mul3A_272 = arith.constant 128 : i32
        %mul3A_273 = arith.muli %and3A_271, %mul3A_272 : i32
        %broadcast_in_dim3A_274 = arith.constant 0 : i32
        %broadcast_in_dim3A_275 = vector.broadcast %broadcast_in_dim3A_274 : i32 to vector<16xi32>
        %add3A_276 = vector.broadcast %sub3A_267 : i32 to vector<16xi32>
        %add3A_277 = arith.addi %broadcast_in_dim3A_275, %add3A_276 : vector<16xi32>
        %add3A_278 = arith.constant 0 : i32
        %add3A_279 = vector.broadcast %add3A_278 : i32 to vector<16xi32>
        %add3A_280 = arith.addi %add3A_279, %iota3A : vector<16xi32>
        %gather3A = tpu.vector_load_idx %arg8[%add3A_280, %add3A_277] : memref<64x136xf32, #tpu.memory_space<vmem>>[vector<16xi32>, vector<16xi32>], vector<16xf32>,
        %add3A_281 = arith.constant 0 : i32
        %add3A_282 = arith.addi %mul3A_273, %add3A_281 : i32
        %swap3A = arith.index_cast %add3A_282 : i32 to index
        %swap3A_283 = tpu.vector_load %arg12[%swap3A] {strides = array<i32>} : memref<2048xf32, #tpu.memory_space<vmem>>, vector<16xf32>,
        tpu.vector_store %arg12[%swap3A], %gather3A {strides = array<i32>} : memref<2048xf32, #tpu.memory_space<vmem>>, vector<16xf32>,
        %add3A_284 = arith.constant 16 : i32
        %add3A_285 = vector.broadcast %add3A_284 : i32 to vector<16xi32>
        %add3A_286 = arith.addi %add3A_285, %iota3A : vector<16xi32>
        %gather3A_287 = tpu.vector_load_idx %arg8[%add3A_286, %add3A_277] : memref<64x136xf32, #tpu.memory_space<vmem>>[vector<16xi32>, vector<16xi32>], vector<16xf32>,
        %add3A_288 = arith.constant 16 : i32
        %add3A_289 = arith.addi %mul3A_273, %add3A_288 : i32
        %swap3A_290 = arith.index_cast %add3A_289 : i32 to index
        %swap3A_291 = tpu.vector_load %arg12[%swap3A_290] {strides = array<i32>} : memref<2048xf32, #tpu.memory_space<vmem>>, vector<16xf32>,
        tpu.vector_store %arg12[%swap3A_290], %gather3A_287 {strides = array<i32>} : memref<2048xf32, #tpu.memory_space<vmem>>, vector<16xf32>,
        %add3A_292 = arith.constant 32 : i32
        %add3A_293 = vector.broadcast %add3A_292 : i32 to vector<16xi32>
        %add3A_294 = arith.addi %add3A_293, %iota3A : vector<16xi32>
        %gather3A_295 = tpu.vector_load_idx %arg8[%add3A_294, %add3A_277] : memref<64x136xf32, #tpu.memory_space<vmem>>[vector<16xi32>, vector<16xi32>], vector<16xf32>,
        %add3A_296 = arith.constant 32 : i32
        %add3A_297 = arith.addi %mul3A_273, %add3A_296 : i32
        %swap3A_298 = arith.index_cast %add3A_297 : i32 to index
        %swap3A_299 = tpu.vector_load %arg12[%swap3A_298] {strides = array<i32>} : memref<2048xf32, #tpu.memory_space<vmem>>, vector<16xf32>,
        tpu.vector_store %arg12[%swap3A_298], %gather3A_295 {strides = array<i32>} : memref<2048xf32, #tpu.memory_space<vmem>>, vector<16xf32>,
        %add3A_300 = arith.constant 48 : i32
        %add3A_301 = vector.broadcast %add3A_300 : i32 to vector<16xi32>
        %add3A_302 = arith.addi %add3A_301, %iota3A : vector<16xi32>
        %gather3A_303 = tpu.vector_load_idx %arg8[%add3A_302, %add3A_277] : memref<64x136xf32, #tpu.memory_space<vmem>>[vector<16xi32>, vector<16xi32>], vector<16xf32>,
        %add3A_304 = arith.constant 48 : i32
        %add3A_305 = arith.addi %mul3A_273, %add3A_304 : i32
        %swap3A_306 = arith.index_cast %add3A_305 : i32 to index
        %swap3A_307 = tpu.vector_load %arg12[%swap3A_306] {strides = array<i32>} : memref<2048xf32, #tpu.memory_space<vmem>>, vector<16xf32>,
        tpu.vector_store %arg12[%swap3A_306], %gather3A_303 {strides = array<i32>} : memref<2048xf32, #tpu.memory_space<vmem>>, vector<16xf32>,
        %multiple_of3A_308 = tpu.assume_multiple %mul3A_273, 128 : i32
        %mul3A_309 = arith.constant 128 : i32
        %mul3A_310 = arith.muli %reduce_sum3A_265, %mul3A_309 : i32
        %multiple_of3A_311 = tpu.assume_multiple %mul3A_310, 128 : i32
        %dma_start3A_312 = tpu.memref_slice %arg12[%multiple_of3A_308] : memref<2048xf32, #tpu.memory_space<vmem>> -> memref<128xf32, #tpu.memory_space<vmem>>
        %dma_start3A_313 = tpu.memref_slice %arg5[%multiple_of3A_311] : memref<524288xf32, #tpu.memory_space<hbm>> -> memref<128xf32, #tpu.memory_space<hbm>>
        %dma_start3A_314 = tpu.memref_slice %arg5[%multiple_of3A_311] : memref<524288xf32, #tpu.memory_space<hbm>> -> memref<128xf32, #tpu.memory_space<hbm>>
        %dma_start3A_315 = tpu.memref_slice %arg12[%multiple_of3A_308] : memref<2048xf32, #tpu.memory_space<vmem>> -> memref<128xf32, #tpu.memory_space<vmem>>
        tpu.enqueue_dma source(%dma_start3A_315 : memref<128xf32, #tpu.memory_space<vmem>>) target(%dma_start3A_314 : memref<128xf32, #tpu.memory_space<hbm>>) target_semaphore(%arg15 : memref<!tpu.dma_semaphore, #tpu.memory_space<semaphore_mem>>)
        %add3A_316 = arith.constant 1 : i32
        %add3A_317 = arith.addi %while3A_254, %add3A_316 : i32
        %not3A = arith.constant dense<true> : vector<16xi1>
        %not3A_318 = arith.xori %eq3A_255, %not3A : vector<16xi1>
        %and3A_319 = arith.andi %while3A_253, %not3A_318 : vector<16xi1>
        scf.yield %and3A_319, %add3A_317 : vector<16xi1>, i32
      }
      scf.yield %while3A_252#1 : i32
    }
    %min3A_226 = arith.constant 16 : i32
    %min3A_227 = arith.minsi %while3A_225, %min3A_226 : i32
    %while3A_228 = arith.constant 0 : i32
    %while3A_229 = arith.constant 0 : i32
    %while3A_230 = arith.subi %min3A_227, %while3A_229 : i32
    %while3A_231 = arith.addi %while3A_229, %while3A_230 : i32
    %while3A_232 = arith.constant 1 : i32
    %while3A_233 = arith.divsi %while3A_230, %while3A_232 : i32
    %while3A_234 = arith.muli %while3A_233, %while3A_232 : i32
    %while3A_235 = arith.addi %while3A_229, %while3A_234 : i32
    %while3A_236 = arith.constant 1 : i32
    scf.for %while3A_238 = %while3A_229 to %while3A_235 step %while3A_236  : i32 {
      %dma_wait3A_239 = arith.constant 0 : i32
      %dma_wait3A_240 = tpu.memref_slice %arg12[%dma_wait3A_239] : memref<2048xf32, #tpu.memory_space<vmem>> -> memref<128xf32, #tpu.memory_space<vmem>>
      %dma_wait3A_241 = arith.constant 0 : i32
      %dma_wait3A_242 = tpu.memref_slice %arg5[%dma_wait3A_241] : memref<524288xf32, #tpu.memory_space<hbm>> -> memref<128xf32, #tpu.memory_space<hbm>>
      %dma_wait3A_243 = arith.constant 0 : i32
      %dma_wait3A_244 = tpu.memref_slice %arg12[%dma_wait3A_243] : memref<2048xf32, #tpu.memory_space<vmem>> -> memref<128xf32, #tpu.memory_space<vmem>>
      %dma_wait3A_245 = arith.constant 0 : i32
      %dma_wait3A_246 = tpu.memref_slice %arg5[%dma_wait3A_245] : memref<524288xf32, #tpu.memory_space<hbm>> -> memref<128xf32, #tpu.memory_space<hbm>>
      tpu.wait_dma2 semaphore(%arg15 : memref<!tpu.dma_semaphore, #tpu.memory_space<semaphore_mem>>) src(%dma_wait3A_246 : memref<128xf32, #tpu.memory_space<hbm>>) dst(%dma_wait3A_244 : memref<128xf32, #tpu.memory_space<vmem>>)
    }
    %while3A_237 = arith.constant 1 : i32
    scf.for %while3A_238 = %while3A_235 to %while3A_231 step %while3A_237  : i32 {
      %dma_wait3A_239 = arith.constant 0 : i32
      %dma_wait3A_240 = tpu.memref_slice %arg12[%dma_wait3A_239] : memref<2048xf32, #tpu.memory_space<vmem>> -> memref<128xf32, #tpu.memory_space<vmem>>
      %dma_wait3A_241 = arith.constant 0 : i32
      %dma_wait3A_242 = tpu.memref_slice %arg5[%dma_wait3A_241] : memref<524288xf32, #tpu.memory_space<hbm>> -> memref<128xf32, #tpu.memory_space<hbm>>
      %dma_wait3A_243 = arith.constant 0 : i32
      %dma_wait3A_244 = tpu.memref_slice %arg12[%dma_wait3A_243] : memref<2048xf32, #tpu.memory_space<vmem>> -> memref<128xf32, #tpu.memory_space<vmem>>
      %dma_wait3A_245 = arith.constant 0 : i32
      %dma_wait3A_246 = tpu.memref_slice %arg5[%dma_wait3A_245] : memref<524288xf32, #tpu.memory_space<hbm>> -> memref<128xf32, #tpu.memory_space<hbm>>
      tpu.wait_dma2 semaphore(%arg15 : memref<!tpu.dma_semaphore, #tpu.memory_space<semaphore_mem>>) src(%dma_wait3A_246 : memref<128xf32, #tpu.memory_space<hbm>>) dst(%dma_wait3A_244 : memref<128xf32, #tpu.memory_space<vmem>>)
    }
    return
  }
}

#map = affine_map<(d0, d1) -> (0)>
#map1 = affine_map<(d0, d1) -> (0, 0)>
module attributes {stable_mosaic.version = 14 : i64} {
  func.func @_apply_k2(%arg0: i32, %arg1: i32, %arg2: memref<524288xf32, #tpu.memory_space<hbm>>, %arg3: memref<64x4096xf32, #tpu.memory_space<hbm>>, %arg4: memref<64x4096xf32, #tpu.memory_space<hbm>>, %arg5: memref<16384xf32, #tpu.memory_space<vmem>>, %arg6: memref<64x136xf32, #tpu.memory_space<vmem>>, %arg7: memref<64x136xf32, #tpu.memory_space<vmem>>, %arg8: memref<!tpu.dma_semaphore, #tpu.memory_space<semaphore_mem>>, %arg9: memref<!tpu.dma_semaphore, #tpu.memory_space<semaphore_mem>>) attributes {dimension_semantics = [#tpu.dimension_semantics<core_parallel>, #tpu.dimension_semantics<subcore_parallel>], iteration_bounds = array<i64: 2, 16>, scalar_prefetch = 0 : i64, scratch_operands = 5 : i64, tpu.core_type = #tpu.core_type<sc_vector_subcore>, window_params = [{transform_indices = #map}, {transform_indices = #map1}, {transform_indices = #map1}]} {
    %mul3A = arith.constant 2 : i32
    %mul3A_0 = arith.muli %arg1, %mul3A : i32
    %add3A = arith.addi %mul3A_0, %arg0 : i32
    %mul3A_1 = arith.constant 128 : i32
    %mul3A_2 = arith.muli %add3A, %mul3A_1 : i32
    %mul3A_3 = arith.constant 128 : i32
    %mul3A_4 = arith.muli %mul3A_2, %mul3A_3 : i32
    %multiple_of3A = tpu.assume_multiple %mul3A_4, 128 : i32
    %dma_start3A = tpu.memref_slice %arg2[%multiple_of3A] : memref<524288xf32, #tpu.memory_space<hbm>> -> memref<16384xf32, #tpu.memory_space<hbm>>
    %dma_start3A_5 = tpu.memref_slice %arg2[%multiple_of3A] : memref<524288xf32, #tpu.memory_space<hbm>> -> memref<16384xf32, #tpu.memory_space<hbm>>
    tpu.enqueue_dma source(%dma_start3A_5 : memref<16384xf32, #tpu.memory_space<hbm>>) target(%arg5 : memref<16384xf32, #tpu.memory_space<vmem>>) target_semaphore(%arg8 : memref<!tpu.dma_semaphore, #tpu.memory_space<semaphore_mem>>)
    %dma_start3A_6 = arith.constant 0 : i32
    %dma_start3A_7 = arith.constant 0 : i32
    %dma_start3A_8 = tpu.memref_slice %arg6[%dma_start3A_6, %dma_start3A_7] : memref<64x136xf32, #tpu.memory_space<vmem>> -> memref<64x128xf32, #tpu.memory_space<vmem>>
    %dma_start3A_9 = arith.constant 0 : i32
    %dma_start3A_10 = tpu.memref_slice %arg3[%dma_start3A_9, %mul3A_2] : memref<64x4096xf32, #tpu.memory_space<hbm>> -> memref<64x128xf32, #tpu.memory_space<hbm>>
    %dma_start3A_11 = arith.constant 0 : i32
    %dma_start3A_12 = arith.constant 0 : i32
    %dma_start3A_13 = tpu.memref_slice %arg6[%dma_start3A_11, %dma_start3A_12] : memref<64x136xf32, #tpu.memory_space<vmem>> -> memref<64x128xf32, #tpu.memory_space<vmem>>
    %dma_start3A_14 = arith.constant 0 : i32
    %dma_start3A_15 = tpu.memref_slice %arg3[%dma_start3A_14, %mul3A_2] : memref<64x4096xf32, #tpu.memory_space<hbm>> -> memref<64x128xf32, #tpu.memory_space<hbm>>
    tpu.enqueue_dma source(%dma_start3A_15 : memref<64x128xf32, #tpu.memory_space<hbm>>) target(%dma_start3A_13 : memref<64x128xf32, #tpu.memory_space<vmem>>) target_semaphore(%arg9 : memref<!tpu.dma_semaphore, #tpu.memory_space<semaphore_mem>>)
    %dma_wait3A = tpu.memref_slice %arg2[%multiple_of3A] : memref<524288xf32, #tpu.memory_space<hbm>> -> memref<16384xf32, #tpu.memory_space<hbm>>
    %dma_wait3A_16 = tpu.memref_slice %arg2[%multiple_of3A] : memref<524288xf32, #tpu.memory_space<hbm>> -> memref<16384xf32, #tpu.memory_space<hbm>>
    tpu.wait_dma2 semaphore(%arg8 : memref<!tpu.dma_semaphore, #tpu.memory_space<semaphore_mem>>) src(%dma_wait3A_16 : memref<16384xf32, #tpu.memory_space<hbm>>) dst(%arg5 : memref<16384xf32, #tpu.memory_space<vmem>>)
    %dma_wait3A_17 = arith.constant 0 : i32
    %dma_wait3A_18 = arith.constant 0 : i32
    %dma_wait3A_19 = tpu.memref_slice %arg6[%dma_wait3A_17, %dma_wait3A_18] : memref<64x136xf32, #tpu.memory_space<vmem>> -> memref<64x128xf32, #tpu.memory_space<vmem>>
    %dma_wait3A_20 = arith.constant 0 : i32
    %dma_wait3A_21 = tpu.memref_slice %arg3[%dma_wait3A_20, %mul3A_2] : memref<64x4096xf32, #tpu.memory_space<hbm>> -> memref<64x128xf32, #tpu.memory_space<hbm>>
    %dma_wait3A_22 = arith.constant 0 : i32
    %dma_wait3A_23 = arith.constant 0 : i32
    %dma_wait3A_24 = tpu.memref_slice %arg6[%dma_wait3A_22, %dma_wait3A_23] : memref<64x136xf32, #tpu.memory_space<vmem>> -> memref<64x128xf32, #tpu.memory_space<vmem>>
    %dma_wait3A_25 = arith.constant 0 : i32
    %dma_wait3A_26 = tpu.memref_slice %arg3[%dma_wait3A_25, %mul3A_2] : memref<64x4096xf32, #tpu.memory_space<hbm>> -> memref<64x128xf32, #tpu.memory_space<hbm>>
    tpu.wait_dma2 semaphore(%arg9 : memref<!tpu.dma_semaphore, #tpu.memory_space<semaphore_mem>>) src(%dma_wait3A_26 : memref<64x128xf32, #tpu.memory_space<hbm>>) dst(%dma_wait3A_24 : memref<64x128xf32, #tpu.memory_space<vmem>>)
    %iota3A = tpu.iota {dimensions = array<i32: 0>} : vector<16xi32>
    %add3A_27 = arith.constant 0 : i32
    %add3A_28 = vector.broadcast %add3A_27 : i32 to vector<16xi32>
    %add3A_29 = arith.addi %add3A_28, %iota3A : vector<16xi32>
    %mul3A_30 = arith.constant 128 : i32
    %mul3A_31 = vector.broadcast %mul3A_30 : i32 to vector<16xi32>
    %mul3A_32 = arith.muli %add3A_29, %mul3A_31 : vector<16xi32>
    %add3A_33 = arith.constant 16 : i32
    %add3A_34 = vector.broadcast %add3A_33 : i32 to vector<16xi32>
    %add3A_35 = arith.addi %add3A_34, %iota3A : vector<16xi32>
    %mul3A_36 = arith.constant 128 : i32
    %mul3A_37 = vector.broadcast %mul3A_36 : i32 to vector<16xi32>
    %mul3A_38 = arith.muli %add3A_35, %mul3A_37 : vector<16xi32>
    %add3A_39 = arith.constant 32 : i32
    %add3A_40 = vector.broadcast %add3A_39 : i32 to vector<16xi32>
    %add3A_41 = arith.addi %add3A_40, %iota3A : vector<16xi32>
    %mul3A_42 = arith.constant 128 : i32
    %mul3A_43 = vector.broadcast %mul3A_42 : i32 to vector<16xi32>
    %mul3A_44 = arith.muli %add3A_41, %mul3A_43 : vector<16xi32>
    %add3A_45 = arith.constant 48 : i32
    %add3A_46 = vector.broadcast %add3A_45 : i32 to vector<16xi32>
    %add3A_47 = arith.addi %add3A_46, %iota3A : vector<16xi32>
    %mul3A_48 = arith.constant 128 : i32
    %mul3A_49 = vector.broadcast %mul3A_48 : i32 to vector<16xi32>
    %mul3A_50 = arith.muli %add3A_47, %mul3A_49 : vector<16xi32>
    %add3A_51 = arith.constant 64 : i32
    %add3A_52 = vector.broadcast %add3A_51 : i32 to vector<16xi32>
    %add3A_53 = arith.addi %add3A_52, %iota3A : vector<16xi32>
    %mul3A_54 = arith.constant 128 : i32
    %mul3A_55 = vector.broadcast %mul3A_54 : i32 to vector<16xi32>
    %mul3A_56 = arith.muli %add3A_53, %mul3A_55 : vector<16xi32>
    %add3A_57 = arith.constant 80 : i32
    %add3A_58 = vector.broadcast %add3A_57 : i32 to vector<16xi32>
    %add3A_59 = arith.addi %add3A_58, %iota3A : vector<16xi32>
    %mul3A_60 = arith.constant 128 : i32
    %mul3A_61 = vector.broadcast %mul3A_60 : i32 to vector<16xi32>
    %mul3A_62 = arith.muli %add3A_59, %mul3A_61 : vector<16xi32>
    %add3A_63 = arith.constant 96 : i32
    %add3A_64 = vector.broadcast %add3A_63 : i32 to vector<16xi32>
    %add3A_65 = arith.addi %add3A_64, %iota3A : vector<16xi32>
    %mul3A_66 = arith.constant 128 : i32
    %mul3A_67 = vector.broadcast %mul3A_66 : i32 to vector<16xi32>
    %mul3A_68 = arith.muli %add3A_65, %mul3A_67 : vector<16xi32>
    %add3A_69 = arith.constant 112 : i32
    %add3A_70 = vector.broadcast %add3A_69 : i32 to vector<16xi32>
    %add3A_71 = arith.addi %add3A_70, %iota3A : vector<16xi32>
    %mul3A_72 = arith.constant 128 : i32
    %mul3A_73 = vector.broadcast %mul3A_72 : i32 to vector<16xi32>
    %mul3A_74 = arith.muli %add3A_71, %mul3A_73 : vector<16xi32>
    %scan3A = arith.constant 0 : i32
    %scan3A_75 = arith.constant 0 : i32
    %scan3A_76 = arith.constant 64 : i32
    %scan3A_77 = arith.addi %scan3A_75, %scan3A_76 : i32
    %scan3A_78 = arith.constant 1 : i32
    scf.for %scan3A_80 = %scan3A_75 to %scan3A_77 step %scan3A_78  : i32 {
      %add3A_81 = vector.broadcast %scan3A_80 : i32 to vector<16xi32>
      %add3A_82 = arith.addi %mul3A_32, %add3A_81 : vector<16xi32>
      %gather3A = tpu.vector_load_idx %arg5[%add3A_82] : memref<16384xf32, #tpu.memory_space<vmem>>[vector<16xi32>], vector<16xf32>,
      %get3A = arith.index_cast %scan3A_80 : i32 to index
      %get3A_83 = arith.constant 0 : index
      %get3A_84 = tpu.vector_load %arg6[%get3A, %get3A_83] {strides = array<i32>} : memref<64x136xf32, #tpu.memory_space<vmem>>, vector<16xf32>,
      %add3A_85 = arith.addf %gather3A, %get3A_84 : vector<16xf32>
      %swap3A = arith.index_cast %scan3A_80 : i32 to index
      %swap3A_86 = arith.constant 0 : index
      %swap3A_87 = tpu.vector_load %arg7[%swap3A, %swap3A_86] {strides = array<i32>} : memref<64x136xf32, #tpu.memory_space<vmem>>, vector<16xf32>,
      tpu.vector_store %arg7[%swap3A, %swap3A_86], %add3A_85 {strides = array<i32>} : memref<64x136xf32, #tpu.memory_space<vmem>>, vector<16xf32>,
      %add3A_88 = vector.broadcast %scan3A_80 : i32 to vector<16xi32>
      %add3A_89 = arith.addi %mul3A_38, %add3A_88 : vector<16xi32>
      %gather3A_90 = tpu.vector_load_idx %arg5[%add3A_89] : memref<16384xf32, #tpu.memory_space<vmem>>[vector<16xi32>], vector<16xf32>,
      %get3A_91 = arith.index_cast %scan3A_80 : i32 to index
      %get3A_92 = arith.constant 16 : index
      %get3A_93 = tpu.vector_load %arg6[%get3A_91, %get3A_92] {strides = array<i32>} : memref<64x136xf32, #tpu.memory_space<vmem>>, vector<16xf32>,
      %add3A_94 = arith.addf %gather3A_90, %get3A_93 : vector<16xf32>
      %swap3A_95 = arith.index_cast %scan3A_80 : i32 to index
      %swap3A_96 = arith.constant 16 : index
      %swap3A_97 = tpu.vector_load %arg7[%swap3A_95, %swap3A_96] {strides = array<i32>} : memref<64x136xf32, #tpu.memory_space<vmem>>, vector<16xf32>,
      tpu.vector_store %arg7[%swap3A_95, %swap3A_96], %add3A_94 {strides = array<i32>} : memref<64x136xf32, #tpu.memory_space<vmem>>, vector<16xf32>,
      %add3A_98 = vector.broadcast %scan3A_80 : i32 to vector<16xi32>
      %add3A_99 = arith.addi %mul3A_44, %add3A_98 : vector<16xi32>
      %gather3A_100 = tpu.vector_load_idx %arg5[%add3A_99] : memref<16384xf32, #tpu.memory_space<vmem>>[vector<16xi32>], vector<16xf32>,
      %get3A_101 = arith.index_cast %scan3A_80 : i32 to index
      %get3A_102 = arith.constant 32 : index
      %get3A_103 = tpu.vector_load %arg6[%get3A_101, %get3A_102] {strides = array<i32>} : memref<64x136xf32, #tpu.memory_space<vmem>>, vector<16xf32>,
      %add3A_104 = arith.addf %gather3A_100, %get3A_103 : vector<16xf32>
      %swap3A_105 = arith.index_cast %scan3A_80 : i32 to index
      %swap3A_106 = arith.constant 32 : index
      %swap3A_107 = tpu.vector_load %arg7[%swap3A_105, %swap3A_106] {strides = array<i32>} : memref<64x136xf32, #tpu.memory_space<vmem>>, vector<16xf32>,
      tpu.vector_store %arg7[%swap3A_105, %swap3A_106], %add3A_104 {strides = array<i32>} : memref<64x136xf32, #tpu.memory_space<vmem>>, vector<16xf32>,
      %add3A_108 = vector.broadcast %scan3A_80 : i32 to vector<16xi32>
      %add3A_109 = arith.addi %mul3A_50, %add3A_108 : vector<16xi32>
      %gather3A_110 = tpu.vector_load_idx %arg5[%add3A_109] : memref<16384xf32, #tpu.memory_space<vmem>>[vector<16xi32>], vector<16xf32>,
      %get3A_111 = arith.index_cast %scan3A_80 : i32 to index
      %get3A_112 = arith.constant 48 : index
      %get3A_113 = tpu.vector_load %arg6[%get3A_111, %get3A_112] {strides = array<i32>} : memref<64x136xf32, #tpu.memory_space<vmem>>, vector<16xf32>,
      %add3A_114 = arith.addf %gather3A_110, %get3A_113 : vector<16xf32>
      %swap3A_115 = arith.index_cast %scan3A_80 : i32 to index
      %swap3A_116 = arith.constant 48 : index
      %swap3A_117 = tpu.vector_load %arg7[%swap3A_115, %swap3A_116] {strides = array<i32>} : memref<64x136xf32, #tpu.memory_space<vmem>>, vector<16xf32>,
      tpu.vector_store %arg7[%swap3A_115, %swap3A_116], %add3A_114 {strides = array<i32>} : memref<64x136xf32, #tpu.memory_space<vmem>>, vector<16xf32>,
      %add3A_118 = vector.broadcast %scan3A_80 : i32 to vector<16xi32>
      %add3A_119 = arith.addi %mul3A_56, %add3A_118 : vector<16xi32>
      %gather3A_120 = tpu.vector_load_idx %arg5[%add3A_119] : memref<16384xf32, #tpu.memory_space<vmem>>[vector<16xi32>], vector<16xf32>,
      %get3A_121 = arith.index_cast %scan3A_80 : i32 to index
      %get3A_122 = arith.constant 64 : index
      %get3A_123 = tpu.vector_load %arg6[%get3A_121, %get3A_122] {strides = array<i32>} : memref<64x136xf32, #tpu.memory_space<vmem>>, vector<16xf32>,
      %add3A_124 = arith.addf %gather3A_120, %get3A_123 : vector<16xf32>
      %swap3A_125 = arith.index_cast %scan3A_80 : i32 to index
      %swap3A_126 = arith.constant 64 : index
      %swap3A_127 = tpu.vector_load %arg7[%swap3A_125, %swap3A_126] {strides = array<i32>} : memref<64x136xf32, #tpu.memory_space<vmem>>, vector<16xf32>,
      tpu.vector_store %arg7[%swap3A_125, %swap3A_126], %add3A_124 {strides = array<i32>} : memref<64x136xf32, #tpu.memory_space<vmem>>, vector<16xf32>,
      %add3A_128 = vector.broadcast %scan3A_80 : i32 to vector<16xi32>
      %add3A_129 = arith.addi %mul3A_62, %add3A_128 : vector<16xi32>
      %gather3A_130 = tpu.vector_load_idx %arg5[%add3A_129] : memref<16384xf32, #tpu.memory_space<vmem>>[vector<16xi32>], vector<16xf32>,
      %get3A_131 = arith.index_cast %scan3A_80 : i32 to index
      %get3A_132 = arith.constant 80 : index
      %get3A_133 = tpu.vector_load %arg6[%get3A_131, %get3A_132] {strides = array<i32>} : memref<64x136xf32, #tpu.memory_space<vmem>>, vector<16xf32>,
      %add3A_134 = arith.addf %gather3A_130, %get3A_133 : vector<16xf32>
      %swap3A_135 = arith.index_cast %scan3A_80 : i32 to index
      %swap3A_136 = arith.constant 80 : index
      %swap3A_137 = tpu.vector_load %arg7[%swap3A_135, %swap3A_136] {strides = array<i32>} : memref<64x136xf32, #tpu.memory_space<vmem>>, vector<16xf32>,
      tpu.vector_store %arg7[%swap3A_135, %swap3A_136], %add3A_134 {strides = array<i32>} : memref<64x136xf32, #tpu.memory_space<vmem>>, vector<16xf32>,
      %add3A_138 = vector.broadcast %scan3A_80 : i32 to vector<16xi32>
      %add3A_139 = arith.addi %mul3A_68, %add3A_138 : vector<16xi32>
      %gather3A_140 = tpu.vector_load_idx %arg5[%add3A_139] : memref<16384xf32, #tpu.memory_space<vmem>>[vector<16xi32>], vector<16xf32>,
      %get3A_141 = arith.index_cast %scan3A_80 : i32 to index
      %get3A_142 = arith.constant 96 : index
      %get3A_143 = tpu.vector_load %arg6[%get3A_141, %get3A_142] {strides = array<i32>} : memref<64x136xf32, #tpu.memory_space<vmem>>, vector<16xf32>,
      %add3A_144 = arith.addf %gather3A_140, %get3A_143 : vector<16xf32>
      %swap3A_145 = arith.index_cast %scan3A_80 : i32 to index
      %swap3A_146 = arith.constant 96 : index
      %swap3A_147 = tpu.vector_load %arg7[%swap3A_145, %swap3A_146] {strides = array<i32>} : memref<64x136xf32, #tpu.memory_space<vmem>>, vector<16xf32>,
      tpu.vector_store %arg7[%swap3A_145, %swap3A_146], %add3A_144 {strides = array<i32>} : memref<64x136xf32, #tpu.memory_space<vmem>>, vector<16xf32>,
      %add3A_148 = vector.broadcast %scan3A_80 : i32 to vector<16xi32>
      %add3A_149 = arith.addi %mul3A_74, %add3A_148 : vector<16xi32>
      %gather3A_150 = tpu.vector_load_idx %arg5[%add3A_149] : memref<16384xf32, #tpu.memory_space<vmem>>[vector<16xi32>], vector<16xf32>,
      %get3A_151 = arith.index_cast %scan3A_80 : i32 to index
      %get3A_152 = arith.constant 112 : index
      %get3A_153 = tpu.vector_load %arg6[%get3A_151, %get3A_152] {strides = array<i32>} : memref<64x136xf32, #tpu.memory_space<vmem>>, vector<16xf32>,
      %add3A_154 = arith.addf %gather3A_150, %get3A_153 : vector<16xf32>
      %swap3A_155 = arith.index_cast %scan3A_80 : i32 to index
      %swap3A_156 = arith.constant 112 : index
      %swap3A_157 = tpu.vector_load %arg7[%swap3A_155, %swap3A_156] {strides = array<i32>} : memref<64x136xf32, #tpu.memory_space<vmem>>, vector<16xf32>,
      tpu.vector_store %arg7[%swap3A_155, %swap3A_156], %add3A_154 {strides = array<i32>} : memref<64x136xf32, #tpu.memory_space<vmem>>, vector<16xf32>,
    }
    %scan3A_79 = arith.constant 64 : i32
    "tpu.region"() ({
      %run_scoped3A = tpu.sem_alloc : memref<!tpu.dma_semaphore, #tpu.memory_space<semaphore_mem>>
      %dma_start3A_80 = arith.constant 0 : i32
      %dma_start3A_81 = arith.constant 0 : i32
      %dma_start3A_82 = tpu.memref_slice %arg7[%dma_start3A_80, %dma_start3A_81] : memref<64x136xf32, #tpu.memory_space<vmem>> -> memref<64x128xf32, #tpu.memory_space<vmem>>
      %dma_start3A_83 = arith.constant 0 : i32
      %dma_start3A_84 = tpu.memref_slice %arg4[%dma_start3A_83, %mul3A_2] : memref<64x4096xf32, #tpu.memory_space<hbm>> -> memref<64x128xf32, #tpu.memory_space<hbm>>
      %dma_start3A_85 = arith.constant 0 : i32
      %dma_start3A_86 = tpu.memref_slice %arg4[%dma_start3A_85, %mul3A_2] : memref<64x4096xf32, #tpu.memory_space<hbm>> -> memref<64x128xf32, #tpu.memory_space<hbm>>
      %dma_start3A_87 = arith.constant 0 : i32
      %dma_start3A_88 = arith.constant 0 : i32
      %dma_start3A_89 = tpu.memref_slice %arg7[%dma_start3A_87, %dma_start3A_88] : memref<64x136xf32, #tpu.memory_space<vmem>> -> memref<64x128xf32, #tpu.memory_space<vmem>>
      tpu.enqueue_dma source(%dma_start3A_89 : memref<64x128xf32, #tpu.memory_space<vmem>>) target(%dma_start3A_86 : memref<64x128xf32, #tpu.memory_space<hbm>>) target_semaphore(%run_scoped3A : memref<!tpu.dma_semaphore, #tpu.memory_space<semaphore_mem>>)
      %dma_wait3A_90 = arith.constant 0 : i32
      %dma_wait3A_91 = arith.constant 0 : i32
      %dma_wait3A_92 = tpu.memref_slice %arg7[%dma_wait3A_90, %dma_wait3A_91] : memref<64x136xf32, #tpu.memory_space<vmem>> -> memref<64x128xf32, #tpu.memory_space<vmem>>
      %dma_wait3A_93 = arith.constant 0 : i32
      %dma_wait3A_94 = tpu.memref_slice %arg4[%dma_wait3A_93, %mul3A_2] : memref<64x4096xf32, #tpu.memory_space<hbm>> -> memref<64x128xf32, #tpu.memory_space<hbm>>
      %dma_wait3A_95 = arith.constant 0 : i32
      %dma_wait3A_96 = tpu.memref_slice %arg4[%dma_wait3A_95, %mul3A_2] : memref<64x4096xf32, #tpu.memory_space<hbm>> -> memref<64x128xf32, #tpu.memory_space<hbm>>
      %dma_wait3A_97 = arith.constant 0 : i32
      %dma_wait3A_98 = arith.constant 0 : i32
      %dma_wait3A_99 = tpu.memref_slice %arg7[%dma_wait3A_97, %dma_wait3A_98] : memref<64x136xf32, #tpu.memory_space<vmem>> -> memref<64x128xf32, #tpu.memory_space<vmem>>
      tpu.wait_dma2 semaphore(%run_scoped3A : memref<!tpu.dma_semaphore, #tpu.memory_space<semaphore_mem>>) src(%dma_wait3A_99 : memref<64x128xf32, #tpu.memory_space<vmem>>) dst(%dma_wait3A_96 : memref<64x128xf32, #tpu.memory_space<hbm>>)
      tpu.yield
    }) : () -> ()
    return
  }
}

</mosaic_0001>

<sc_bundles>
// kernel: kernel.4.cloned.1.call-start
scs
__scs_entry_jumppad:
0x0: {  	(pc) =	sbr.rel $0x88, $3  }
0x1: {  	(tag) =	ssettag $0x0;
	lr =	simm.s32 $0x1  }
0x2: {  	[smem:$0x3F9E] =	sst lr;
	_ =	strace $0xD0000000  }
0x3: {  	_ = 	snop  }
0x4: {  	_ = 	snop  }
0x5: {  	_ = 	snop  }
0x6: {  	_ = 	snop  }
0x7: {  	_ = 	snop  }
__scs_overlays_trampoline_lowered:
0x8: {  	[smem:$0x3FAD] =	sst s0  }
0x9: {  	[smem:$0x3FAE] =	sst s1  }
0xa: {  	[smem:$0x3FAF] =	sst s2  }
0xb: {  	[smem:$0x3FB0] =	sst s3  }
0xc: {  	[smem:$0x3FB1] =	sst s4  }
0xd: {  	[smem:$0x3FB2] =	sst s5  }
0xe: {  	[smem:$0x3FB3] =	sst s6  }
0xf: {  	[smem:$0x3FB4] =	sst s7  }
0x10: {  	[smem:$0x3FB5] =	sst s8  }
0x11: {  	[smem:$0x3FB6] =	sst s9;
	s0 =	simm.s32 @!p0 $0x0  }
0x12: {  	s1 =	sld [smem:$0x3F9C];
	s0 =	simm.s32 @p0 $0x1  }
0x13: {  	[smem:$0x3FB7] =	sst s0;
	s0 =	simm.s32 @!p1 $0x0  }
0x14: {  	s2 =	sld [smem:$0x3F9B];
	s0 =	simm.s32 @p1 $0x1  }
0x15: {  	[smem:$0x3FB8] =	sst s0;
	s0 =	simm.s32 @!p2 $0x0  }
0x16: {  	s3 =	sld [smem:$0x3FDB];
	s0 =	simm.s32 @p2 $0x1  }
0x17: {  	s4 =	simm.s32 $0x1BF5;
	[smem:$0x3FBA] =	sst s0  }
0x18: {  	s0 =	sld [smem:$0x3F9D];
	_ =	swait.ge [sflag:s4], $0x0  }
0x19: {  	s7 =	sld [smem:$0x3F9E]  }
0x1a: {  	s8 =	sadd.s32 $0xFFFFE003, lr  }
0x1b: {  	s9 =	sadd.s32 $0xFFFFFEF7, lr;
	s5 =	simm.s32 $0xFFFFFFFF;
	p2 =	slt.u32 s8, $0xFFFFF086  }
0x1c: {  	p1 =	slt.u32 s9, $0xF7A;
	s5 =	simm.s32 @!p2 $0x0  }
0x1d: {  	s5 =	simm.s32 @p1 $0x1;
	p0 =	seq.s32 s7, s2  }
0x1e: {  	s7 =	smul.u32 @!p0 $0xF7A, s2;
	p2 =	seq.s32 @!p0 s5, $0x0  }
0x1f: {  	s9 =	smul.u32 $0xF7A, s1;
	s8 =	simm.s32 @!p0 $0x1BF5;
	p2 =	por !p2, p0  }
0x20: {  	[sflag:s8] =	ssyncset.s32 @!p0 $0xFFFFF086;
	s6 =	sadd.s32 @!p0 s3, s7;
	s7 =	simm.s32 @!p0 $0x108  }
0x21: {  	s3 =	sadd.s32 s3, s9;
	s6 =	sadd.s32 @!p0 $0x88, s6;
	s7 =	simm.s32 @p2 $0x1082  }
0x22: {  	[simem:s7], [sflag:s8] =	dma.local @!p0 [hbm:s6], $0xF7A  }
0x23: {  	s9 =	sor.u32 $0xD0000000, s2;
	s6 =	simm.s32 $0x108;
	_ =	swait.ge @!p0 [sflag:s8], $0x0  }
0x24: {  	s3 =	sadd.s32 $0x88, s3;
	s6 =	simm.s32 @!p1 $0x1082;
	[sflag:s4] =	ssyncset.s32 $0xFFFFF086  }
0x25: {  	[simem:s6], [sflag:s4] =	dma.local [hbm:s3], $0xF7A  }
0x26: {  	[smem:$0x3F9E] =	sst s1;
	(tag) =	ssettag s2;
	_ =	strace s9  }
0x27: {  	s1 =	sld [smem:$0x3FAE]  }
0x28: {  	s2 =	sld [smem:$0x3FAF]  }
0x29: {  	s4 =	sld [smem:$0x3FB1]  }
0x2a: {  	p0 =	seq.s32 s5, $0x0;
	s5 =	sld [smem:$0x3FB2]  }
0x2b: {  	s6 =	sld [smem:$0x3FB3]  }
0x2c: {  	s7 =	sld [smem:$0x3FB4]  }
0x2d: {  	s3 =	simm.s32 $0x108;
	s8 =	sld [smem:$0x3FB5]  }
0x2e: {  	s3 =	simm.s32 @!p0 $0x1082;
	s9 =	sld [smem:$0x3FB6]  }
0x2f: {  	lr =	sadd.s32 s0, s3;
	s0 =	sld [smem:$0x3FAD]  }
0x30: {  	s3 =	sld [smem:$0x3FB0]  }
0x31: {  	[smem:$0x3FB9] =	sst s10  }
0x32: {  	s10 =	sld [smem:$0x3FB7];
	_ =	sdelay $0x3  }
0x33: {  	p0 =	seq.s32 s10, $0x1;
	s10 =	sld [smem:$0x3FB9];
	_ =	sdelay $0x3  }
0x34: {  	[smem:$0x3FB9] =	sst s10  }
0x35: {  	s10 =	sld [smem:$0x3FB8];
	_ =	sdelay $0x3  }
0x36: {  	p1 =	seq.s32 s10, $0x1;
	s10 =	sld [smem:$0x3FB9];
	_ =	sdelay $0x3  }
0x37: {  	[smem:$0x3FB9] =	sst s10  }
0x38: {  	s10 =	sld [smem:$0x3FBA]  }
0x39: {  	_ = 	snop;
	(pc) =	sbr.ind lr, $3  }
0x3a: {  	_ = 	snop  }
0x3b: {  	_ = 	snop  }
0x3c: {  	p2 =	seq.s32 s10, $0x1;
	s10 =	sld [smem:$0x3FB9]  }
0x3d: {  	_ =	shalt  }
0x3e: {  	_ =	shalt  }
0x3f: {  	_ =	shalt  }
0x40: {  	_ =	shalt  }
0x41: {  	_ =	shalt  }
0x42: {  	_ =	shalt  }
0x43: {  	_ =	shalt  }
0x44: {  	_ =	shalt  }
0x45: {  	_ =	shalt  }
0x46: {  	_ =	shalt  }
0x47: {  	_ =	shalt  }
0x48: {  	_ =	shalt  }
0x49: {  	_ =	shalt  }
0x4a: {  	_ =	shalt  }
0x4b: {  	_ =	shalt  }
0x4c: {  	_ =	shalt  }
0x4d: {  	_ =	shalt  }
0x4e: {  	_ =	shalt  }
0x4f: {  	_ =	shalt  }
0x50: {  	_ =	shalt  }
0x51: {  	_ =	shalt  }
0x52: {  	_ =	shalt  }
0x53: {  	_ =	shalt  }
0x54: {  	_ =	shalt  }
0x55: {  	_ =	shalt  }
0x56: {  	_ =	shalt  }
0x57: {  	_ =	shalt  }
0x58: {  	_ =	shalt  }
0x59: {  	_ =	shalt  }
0x5a: {  	_ =	shalt  }
0x5b: {  	_ =	shalt  }
0x5c: {  	_ =	shalt  }
0x5d: {  	_ =	shalt  }
0x5e: {  	_ =	shalt  }
0x5f: {  	_ =	shalt  }
0x60: {  	_ =	shalt  }
0x61: {  	_ =	shalt  }
0x62: {  	_ =	shalt  }
0x63: {  	_ =	shalt  }
0x64: {  	_ =	shalt  }
0x65: {  	_ =	shalt  }
0x66: {  	_ =	shalt  }
0x67: {  	_ =	shalt  }
0x68: {  	_ =	shalt  }
0x69: {  	_ =	shalt  }
0x6a: {  	_ =	shalt  }
0x6b: {  	_ =	shalt  }
0x6c: {  	_ =	shalt  }
0x6d: {  	_ =	shalt  }
0x6e: {  	_ =	shalt  }
0x6f: {  	_ =	shalt  }
0x70: {  	_ =	shalt  }
0x71: {  	_ =	shalt  }
0x72: {  	_ =	shalt  }
0x73: {  	_ =	shalt  }
0x74: {  	_ =	shalt  }
0x75: {  	_ =	shalt  }
0x76: {  	_ =	shalt  }
0x77: {  	_ =	shalt  }
0x78: {  	_ =	shalt  }
0x79: {  	_ =	shalt  }
0x7a: {  	_ =	shalt  }
0x7b: {  	_ =	shalt  }
0x7c: {  	_ =	shalt  }
0x7d: {  	_ =	shalt  }
0x7e: {  	_ =	shalt  }
0x7f: {  	_ =	shalt  }
0x80: {  	_ =	shalt  }
0x81: {  	_ =	shalt  }
0x82: {  	_ =	shalt  }
0x83: {  	_ =	shalt  }
0x84: {  	_ =	shalt  }
0x85: {  	_ =	shalt  }
0x86: {  	_ =	shalt  }
0x87: {  	_ =	shalt  }
.Lfunc_end0:
.L_simem_size_0:
called_computation_lowered:
.L_overlay_start_0:
0x88: {  	s2 =	sld [smem:$0x3FD9]  }
0x89: {  	s3 =	sld [smem:$0x3FFE];
	_ =	sdelay $0x1  }
0x8a: {  	s1 =	srdreg.scid  }
0x8b: {  	s0 =	sand.u32 $0x1, s1  }
0x8c: {  	s17 =	sshll.u32 s0, $0xA;
	s2 =	sadd.s32 s3, s2  }
0x8d: {  	s2 =	sadd.s32 s2, s17  }
0x8e: {  	[smem:$0x3FC5] =	sst s2  }
0x8f: {  	_ = 	snop  }
0x90: {  	s2 =	sld [smem:$0x3FC8]  }
0x91: {  	s18 =	sld [smem:$0x3FC7]  }
0x92: {  	s4 =	sld [smem:$0x3FD0];
	(tm) =	ssettm $0x1  }
0x93: {  	s5 =	sld [smem:$0x3FFB];
	_ =	sdelay $0x3  }
0x94: {  	_ =	strace s5  }
0x95: {  	s5 =	sld [smem:$0x3FFC];
	_ =	sdelay $0x3  }
0x96: {  	_ =	strace s5  }
0x97: {  	s5 =	sld [smem:$0x3FFD];
	_ =	sdelay $0x3  }
0x98: {  	_ =	strace s5  }
0x99: {  	_ =	strace $0x8FFFFFFF  }
0x9a: {  	s19 =	sld [smem:$0x3FDB];
	_ =	sdelay $0x1  }
0x9b: {  	s6 =	simm.s32 $_scs_section_size  }
0x9c: {  	s7 =	simm.s32 $_size__tile_overlayer_lowered;
	s8 =	simm.s32 $_tile_overlayer_lowered  }
0x9d: {  	s22 =	simm.s32 $0x1BFF;
	s21 =	sshll.u32 s8, $0x1;
	s5 =	sadd.s32 s6, s19  }
0x9e: {  	s9 =	simm.s32 $0x0;
	s20 =	sshll.u32 s7, $0x1;
	s7 =	sadd.s32 s21, s5  }
0x9f: {  	[timem:s9], [sflag:s22] =	dma.local [hbm:s7], s20  }
0xa0: {  	_ =	swait.ge [sflag:s22], s20  }
0xa1: {  	s6 =	ssub.s32 $0x0, s20;
	[sflag:s22] =	ssyncset.done $0x0  }
0xa2: {  	[sflag:s22] =	ssyncadd.s32 s6;
	_ =	sdelay $0x1  }
0xa3: {  	s23 =	simm.s32 $0x1B8B  }
0xa4: {  	_ =	swait.ge [sflag:s23], $0x1  }
0xa5: {  	[sflag:s23] =	ssyncset.done $0x0  }
0xa6: {  	s25 =	simm.s32 $0x1B8E;
	s24 =	sld [smem:$0x3FFE];
	[sflag:s23] =	ssyncadd.s32 $0xFFFFFFFF  }
0xa7: {  	s26 =	simm.s32 $execute0_lowered;
	[smem:$0x3FD2] =	sst s25  }
0xa8: {  	s7 =	sshll.u32 s26, $0x1;
	_ =	strace $0x80000046;
	[dreg:$0x1] =	wrdreg $0xFFFFFFFF  }
0xa9: {  	s28 =	simm.s32 $_size_execute0_lowered;
	s5 =	sadd.s32 s5, s7;
	[dreg:$0x0] =	wrdreg $0x0  }
0xaa: {  	s7 =	sshll.u32 s28, $0x1;
	[dreg:$0x2] =	wrdreg s5  }
0xab: {  	[dreg:$0x3] =	wrdreg s7  }
0xac: {  	[dreg:$0x4] =	wrdreg $0xC0  }
0xad: {  	_ =	task [dreg:s9], $0x5FFFF  }
0xae: {  	[dreg:$0x1] =	wrdreg $0xFFFFFFFF  }
0xaf: {  	[dreg:$0x0] =	wrdreg $0x60  }
0xb0: {  	[dreg:$0x2] =	wrdreg s2  }
0xb1: {  	[dreg:$0x3] =	wrdreg s18  }
0xb2: {  	[dreg:$0x4] =	wrdreg s4  }
0xb3: {  	[dreg:$0x5] =	wrdreg s24  }
0xb4: {  	[dreg:$0x6] =	wrdreg $0x9  }
0xb5: {  	_ =	task.clear_ibuf [dreg:s9], $0x7FFFF;
	_ =	strace $0x90000046  }
0xb6: {  	s29 =	simm.s32 $0x9;
	_ =	strace $0x80000048  }
0xb7: {  	_ =	swait.ge [sflag:s29], $0x1  }
0xb8: {  	[sflag:s29] =	ssyncadd.s32 $0xFFFFFFFF  }
0xb9: {  	_ =	strace $0x90000048  }
0xba: {  	_ =	sfence  }
0xbb: {  	s30 =	sld [smem:$0x0];
	_ =	sdelay $0x2  }
0xbc: {  	s31 =	sshll.u32 s1, $0xD;
	s1 =	sshrl.u32 s1, $0x2  }
0xbd: {  	s3 =	sand.u32 $0x4000, s31;
	s1 =	sadd.s32 s1, s30  }
0xbe: {  	s0 =	sor.u32 s3, s0;
	s1 =	sshll.u32 s1, $0x11  }
0xbf: {  	s0 =	sor.u32 s1, s0  }
0xc0: {  	s0 =	sadd.s32 $0x8F2B, s0  }
0xc1: {  	[sflag:s0] =	ssyncadd.remote.s32 $0x1  }
0xc2: {  	_ =	sfence.sel $0xFFFF  }
0xc3: {  	[dreg:$0x0] =	wrdreg $0xFFFFFFFF;
	(pc) =	sbr.abs _section_cstart, $3  }
0xc4: {  	[dreg:$0x1] =	wrdreg $0xFFFFFFFF  }
0xc5: {  	_ =	task.clear_ibuf [dreg:s9], $0x2FFFF;
	_ =	strace $0x9FFFFFFF  }
0xc6: {  	(tm) =	ssettm $0x7FFFFFFF  }
0xc7: {  	_ =	shalt  }
tec
execute0_lowered:
.L_overlay_start_1:
0x0: {  	(tag) =	ssettag $0x1  }
0x1: {  	v0 =	vimm.s32 $0x1B80;
	vm0 =	vcmask $0x300;
	vm1 =	vcmask $0x704  }
0x2: {  	vm2 =	vcmask $0xB08;
	vm3 =	vcmask $0xF0C;
	vm4 =	vcmask $0x1310  }
0x3: {  	vm5 =	vcmask $0x1714;
	vm6 =	vcmask $0x1B18;
	vm7 =	vcmask $0x1F1C  }
0x4: {  	vm8 =	vcmask $0x2320;
	vm9 =	vcmask $0x2724;
	vm10 =	vcmask $0x2B28  }
0x5: {  	vm11 =	vcmask $0x2F2C;
	vm12 =	vcmask $0x3330;
	vm13 =	vcmask $0x3734  }
0x6: {  	vm14 =	vcmask $0x3B38;
	v7 =	vlaneseq.u32;
	v9 =	vimm.s32 $0x4B80  }
0x7: {  	v10 =	vimm.s32 $0x7B80;
	v11 =	vimm.s32 $0xAB80;
	v12 =	vimm.s32 $0xB80  }
0x8: {  	v13 =	vimm.s32 $0x2B80;
	v14 =	vimm.s32 $0x3B80;
	v1 =	vsel vm0, $0x0, v0  }
0x9: {  	v9 =	vsel vm0, $0x3000, v9;
	v10 =	vsel vm0, $0x6000, v10;
	v11 =	vsel vm0, $0x9000, v11  }
0xa: {  	v12 =	vsel vm0, $0x0, v12;
	v13 =	vsel vm0, $0x2000, v13;
	v14 =	vsel vm0, $0x3000, v14  }
0xb: {  	v1 =	vsel vm1, $0x80, v1;
	v9 =	vsel vm1, $0x3080, v9;
	v10 =	vsel vm1, $0x6080, v10  }
0xc: {  	v11 =	vsel vm1, $0x9080, v11;
	v12 =	vsel vm1, $0x80, v12;
	v13 =	vsel vm1, $0x2080, v13  }
0xd: {  	v14 =	vsel vm1, $0x3080, v14;
	vm1 =	vcmask $0x3B38;
	v1 =	vsel vm2, $0x100, v1  }
0xe: {  	v9 =	vsel vm2, $0x3100, v9;
	v10 =	vsel vm2, $0x6100, v10;
	v11 =	vsel vm2, $0x9100, v11  }
0xf: {  	v12 =	vsel vm2, $0x100, v12;
	v13 =	vsel vm2, $0x2100, v13;
	v14 =	vsel vm2, $0x3100, v14  }
0x10: {  	s0 =	srdreg.scid;
	s1 =	stileid.u32;
	v1 =	vsel vm3, $0x180, v1;
	v9 =	vsel vm3, $0x3180, v9;
	v10 =	vsel vm3, $0x6180, v10  }
0x11: {  	s0 =	sand.u32 $0x1, s0;
	s1 =	sshll.u32 s1, $0x1;
	v11 =	vsel vm3, $0x9180, v11;
	v12 =	vsel vm3, $0x180, v12;
	v13 =	vsel vm3, $0x2180, v13  }
0x12: {  	s6 =	rddreg [dreg:$0x0];
	s1 =	sor.u32 s0, s1;
	v14 =	vsel vm3, $0x3180, v14;
	vm3 =	vcmask $0xB08;
	v1 =	vsel vm4, $0x200, v1  }
0x13: {  	s8 =	rddreg [dreg:$0x2];
	s0 =	ssub.s32 $0x2, s0;
	s1 =	smul.u32 $0x19, s1;
	v9 =	vsel vm4, $0x3200, v9;
	v10 =	vsel vm4, $0x6200, v10;
	v11 =	vsel vm4, $0x9200, v11  }
0x14: {  	s7 =	rddreg [dreg:$0x3];
	s20 =	sshrl.u32 s0, $0x1;
	v12 =	vsel vm4, $0x200, v12;
	v13 =	vsel vm4, $0x2200, v13;
	v14 =	vsel vm4, $0x3200, v14  }
0x15: {  	s9 =	simm.s32 $0x0;
	s0 =	ssub.s32 s0, s20;
	s1 =	smin.u32 s1, $0x2F4;
	vm4 =	vcmask $0xF0C;
	v1 =	vsel vm5, $0x280, v1;
	v9 =	vsel vm5, $0x3280, v9  }
0x16: {  	[smem:$0x7FF] =	sst s9;
	s0 =	smax.u32 s0, $0x1;
	s1 =	sshll.u32 s1, $0x7;
	v10 =	vsel vm5, $0x6280, v10;
	v11 =	vsel vm5, $0x9280, v11;
	v12 =	vsel vm5, $0x280, v12  }
0x17: {  	_ =	strace $0x80000047;
	[dreg:$0x7] =	wrdreg s0;
	v13 =	vsel vm5, $0x2280, v13;
	v14 =	vsel vm5, $0x3280, v14;
	vm5 =	vcmask $0x1310;
	s21 =	sadd.s32 s6, s1  }
0x18: {  	v1 =	vsel vm6, $0x300, v1;
	v9 =	vsel vm6, $0x3300, v9;
	v10 =	vsel vm6, $0x6300, v10;
	s22 =	sadd.s32 $0x18700, s21;
	[dreg:$0x5] =	wrdreg s21  }
0x19: {  	v11 =	vsel vm6, $0x9300, v11;
	v12 =	vsel vm6, $0x300, v12;
	v13 =	vsel vm6, $0x2300, v13;
	s23 =	sadd.s32 $0x30E00, s21;
	[dreg:$0x8] =	wrdreg s22  }
0x1a: {  	v14 =	vsel vm6, $0x3300, v14;
	vm6 =	vcmask $0x1714;
	v1 =	vsel vm7, $0x380, v1;
	s24 =	sadd.s32 $0x49500, s21;
	[dreg:$0x9] =	wrdreg s23  }
0x1b: {  	v9 =	vsel vm7, $0x3380, v9;
	v10 =	vsel vm7, $0x6380, v10;
	v11 =	vsel vm7, $0x9380, v11;
	s25 =	sadd.s32 $0x61C00, s21;
	[dreg:$0xa] =	wrdreg s24  }
0x1c: {  	s26 =	sadd.s32 $0x7A300, s21;
	v12 =	vsel vm7, $0x380, v12;
	v13 =	vsel vm7, $0x2380, v13;
	v14 =	vsel vm7, $0x3380, v14;
	[dreg:$0xb] =	wrdreg s25  }
0x1d: {  	s2 =	sadd.s32 $0x280, s1;
	s31 =	sadd.s32 $0x92A00, s21;
	vm7 =	vcmask $0x1B18;
	v2 =	vsel vm8, $0x1800, v1;
	v1 =	vmov s1;
	[dreg:$0xc] =	wrdreg s26  }
0x1e: {  	s10 =	sadd.s32 $0x800, s7;
	s11 =	sadd.s32 s6, s2;
	v9 =	vsel vm8, $0x4800, v9;
	v10 =	vsel vm8, $0x7800, v10;
	v11 =	vsel vm8, $0xA800, v11;
	[dreg:$0xd] =	wrdreg s31  }
0x1f: {  	s3 =	sadd.s32 $0xC80, s1;
	s7 =	sadd.s32 $0x18700, s11;
	[dreg:$0x6] =	wrdreg s11;
	v12 =	vsel vm8, $0x800, v12;
	v13 =	vsel vm8, $0x2800, v13;
	v14 =	vsel vm8, $0x3800, v14  }
0x20: {  	s12 =	sadd.s32 $0x30E00, s11;
	vm8 =	vcmask $0x1F1C;
	v3 =	vsel vm9, $0x1880, v2;
	v2 =	vmov s3;
	[dreg:$0xf] =	wrdreg s7  }
0x21: {  	s16 =	sadd.s32 $0x49500, s11;
	v9 =	vsel vm9, $0x4880, v9;
	v10 =	vsel vm9, $0x7880, v10;
	v11 =	vsel vm9, $0xA880, v11;
	[dreg:$0x10] =	wrdreg s12  }
0x22: {  	s17 =	sadd.s32 $0x61C00, s11;
	[dreg:$0x11] =	wrdreg s16;
	v12 =	vsel vm9, $0x880, v12;
	v13 =	vsel vm9, $0x2880, v13;
	v14 =	vsel vm9, $0x3880, v14  }
0x23: {  	s18 =	sadd.s32 $0x7A300, s11;
	[dreg:$0x12] =	wrdreg s17;
	vm9 =	vcmask $0x2320;
	v4 =	vsel vm10, $0x1900, v3;
	v3 =	vmov s2  }
0x24: {  	s19 =	sadd.s32 $0x92A00, s11;
	[dreg:$0x13] =	wrdreg s18;
	v9 =	vsel vm10, $0x4900, v9;
	v10 =	vsel vm10, $0x7900, v10;
	v11 =	vsel vm10, $0xA900, v11  }
0x25: {  	s20 =	sadd.s32 $0xAB100, s11;
	s3 =	sadd.s32 $0x500, s1;
	[dreg:$0x14] =	wrdreg s19;
	v12 =	vsel vm10, $0x900, v12;
	v13 =	vsel vm10, $0x2900, v13;
	v14 =	vsel vm10, $0x3900, v14  }
0x26: {  	s22 =	sadd.s32 $0x100, s8;
	[dreg:$0x15] =	wrdreg s20;
	vm10 =	vcmask $0x2724;
	v5 =	vsel vm11, $0x1980, v4;
	v4 =	vmov s3  }
0x27: {  	s28 =	simm.s32 $0x4;
	s23 =	sadd.s32 $0x180, s8;
	[dreg:$0x17] =	wrdreg s22;
	v9 =	vsel vm11, $0x4980, v9;
	v10 =	vsel vm11, $0x7980, v10;
	v11 =	vsel vm11, $0xA980, v11  }
0x28: {  	s4 =	sadd.s32 $0x780, s1;
	s24 =	sadd.s32 $0x200, s8;
	[dreg:$0x18] =	wrdreg s23;
	v12 =	vsel vm11, $0x980, v12;
	v13 =	vsel vm11, $0x2980, v13;
	v14 =	vsel vm11, $0x3980, v14  }
0x29: {  	s29 =	simm.s32 $0x3;
	s25 =	sadd.s32 $0x280, s8;
	[dreg:$0x19] =	wrdreg s24;
	vm11 =	vcmask $0x2B28;
	v6 =	vsel vm12, $0x1A00, v5;
	v5 =	vmov s4  }
0x2a: {  	s30 =	simm.s32 $0x0;
	s26 =	sadd.s32 $0x300, s8;
	[dreg:$0x1a] =	wrdreg s25;
	v9 =	vsel vm12, $0x4A00, v9;
	v10 =	vsel vm12, $0x7A00, v10;
	v11 =	vsel vm12, $0xAA00, v11  }
0x2b: {  	s5 =	sadd.s32 $0xA00, s1;
	s31 =	sadd.s32 $0x380, s8;
	[dreg:$0x1b] =	wrdreg s26;
	v12 =	vsel vm12, $0xA00, v12;
	v13 =	vsel vm12, $0x2A00, v13;
	v14 =	vsel vm12, $0x3A00, v14  }
0x2c: {  	s14 =	sadd.s32 s6, s4;
	s15 =	sadd.s32 s6, s5;
	[dreg:$0x1c] =	wrdreg s31;
	vm12 =	vcmask $0x2F2C;
	v8 =	vsel vm13, $0x1A80, v6;
	v6 =	vmov s5  }
.Ltmp0:
0x2d: {  	s22 =	simm.s32 $0x6000;
	s23 =	simm.s32 $0x7800;
	v9 =	vsel vm13, $0x4A80, v9;
	v10 =	vsel vm13, $0x7A80, v10;
	v11 =	vsel vm13, $0xAA80, v11;
	(pc) =	sbr.rel .LBB2_1-.Ltmp0, $4  }
0x2e: {  	s24 =	simm.s32 $0x9000;
	s25 =	simm.s32 $0xA800;
	s26 =	simm.s32 $0xC000;
	v12 =	vsel vm13, $0xA80, v12;
	v13 =	vsel vm13, $0x2A80, v13;
	v14 =	vsel vm13, $0x3A80, v14  }
0x2f: {  	s7 =	simm.s32 $0x5;
	s13 =	sadd.s32 s6, s3;
	s6 =	sadd.s32 $0xAB100, s21;
	vm13 =	vcmask $0x3330;
	v8 =	vsel vm14, $0x1B00, v8;
	v9 =	vsel vm14, $0x4B00, v9  }
0x30: {  	s16 =	simm.s32 $0x18000;
	s21 =	sadd.s32 $0x80, s8;
	[dreg:$0xe] =	wrdreg s6;
	v10 =	vsel vm14, $0x7B00, v10;
	v11 =	vsel vm14, $0xAB00, v11;
	v12 =	vsel vm14, $0xB00, v12  }
0x31: {  	s17 =	simm.s32 $0x1;
	s18 =	simm.s32 $0x2;
	[dreg:$0x16] =	wrdreg s21;
	v13 =	vsel vm14, $0x2B00, v13;
	v14 =	vsel vm14, $0x3B00, v14;
	vm14 =	vcmask $0x3734  }
.LBB2_42:
0x32: {  	[sflag:s29] =	ssyncadd.s32 $0xFFFFFF80  }
.LBB2_43:
0x33: {  	s30 =	sadd.s32 $0x1, s30;
	s0 =	rddreg [dreg:$0x7]  }
0x34: {  	p0 =	sne.s32 s30, s0  }
.Ltmp1:
0x35: {  	_ = 	snop;
	(pc) =	sbr.rel @!p0 .LBB2_44-.Ltmp1, $1  }
0x36: {  	_ =	sdelay $0x3  }
.LBB2_1:
0x37: {  	s0 =	rddreg [dreg:$0x5]  }
0x38: {  	[tilespmem:s9], [sflag:$0x1] =	stream.linear.gather [hbm4b:s0+s9], $0x1400, $0x38;
	[tilespmem:$0x1F900] =	vst v63  }
0x39: {  	s12 =	rddreg [dreg:$0x8];
	s6 =	simm.s32 $0x1800  }
0x3a: {  	[tilespmem:s6], [sflag:$0x1] =	stream.linear.gather [hbm4b:s12+s9], $0x1400, $0x38;
	[tilespmem:$0x1F900] =	vst v63  }
0x3b: {  	s19 =	rddreg [dreg:$0x9];
	s20 =	simm.s32 $0x3000  }
0x3c: {  	[tilespmem:s20], [sflag:$0x1] =	stream.linear.gather [hbm4b:s19+s9], $0x1400, $0x38;
	[tilespmem:$0x1F900] =	vst v63  }
0x3d: {  	s21 =	rddreg [dreg:$0xa];
	s31 =	simm.s32 $0x4800  }
0x3e: {  	[tilespmem:s31], [sflag:$0x1] =	stream.linear.gather [hbm4b:s21+s9], $0x1400, $0x38;
	[tilespmem:$0x1F900] =	vst v63  }
0x3f: {  	s8 =	rddreg [dreg:$0xb]  }
0x40: {  	[tilespmem:s22], [sflag:$0x1] =	stream.linear.gather [hbm4b:s8+s9], $0x1400, $0x38;
	[tilespmem:$0x1F900] =	vst v63  }
0x41: {  	s11 =	rddreg [dreg:$0xc]  }
0x42: {  	[tilespmem:s23], [sflag:$0x1] =	stream.linear.gather [hbm4b:s11+s9], $0x1400, $0x38;
	[tilespmem:$0x1F900] =	vst v63  }
0x43: {  	s12 =	rddreg [dreg:$0xd]  }
0x44: {  	[tilespmem:s24], [sflag:$0x1] =	stream.linear.gather [hbm4b:s12+s9], $0x1400, $0x38;
	[tilespmem:$0x1F900] =	vst v63  }
0x45: {  	s19 =	rddreg [dreg:$0xe]  }
0x46: {  	[tilespmem:s25], [sflag:$0x1] =	stream.linear.gather [hbm4b:s19+s9], $0x1400, $0x38;
	[tilespmem:$0x1F900] =	vst v63  }
0x47: {  	s20 =	rddreg [dreg:$0x6]  }
0x48: {  	[tilespmem:s26], [sflag:$0x2] =	stream.linear.gather [hbm4b:s20+s9], $0x1400, $0x38;
	[tilespmem:$0x1F900] =	vst v63  }
0x49: {  	s21 =	rddreg [dreg:$0xf];
	s31 =	simm.s32 $0xD800  }
0x4a: {  	[tilespmem:s31], [sflag:$0x2] =	stream.linear.gather [hbm4b:s21+s9], $0x1400, $0x38;
	[tilespmem:$0x1F900] =	vst v63  }
0x4b: {  	s6 =	rddreg [dreg:$0x10];
	s8 =	simm.s32 $0xF000  }
0x4c: {  	[tilespmem:s8], [sflag:$0x2] =	stream.linear.gather [hbm4b:s6+s9], $0x1400, $0x38;
	[tilespmem:$0x1F900] =	vst v63  }
0x4d: {  	s11 =	rddreg [dreg:$0x11];
	s12 =	simm.s32 $0x10800  }
0x4e: {  	[tilespmem:s12], [sflag:$0x2] =	stream.linear.gather [hbm4b:s11+s9], $0x1400, $0x38;
	[tilespmem:$0x1F900] =	vst v63  }
0x4f: {  	s19 =	rddreg [dreg:$0x12];
	s20 =	simm.s32 $0x12000  }
0x50: {  	[tilespmem:s20], [sflag:$0x2] =	stream.linear.gather [hbm4b:s19+s9], $0x1400, $0x38;
	[tilespmem:$0x1F900] =	vst v63  }
0x51: {  	s21 =	rddreg [dreg:$0x13];
	s31 =	simm.s32 $0x13800  }
0x52: {  	[tilespmem:s31], [sflag:$0x2] =	stream.linear.gather [hbm4b:s21+s9], $0x1400, $0x38;
	[tilespmem:$0x1F900] =	vst v63  }
0x53: {  	s8 =	rddreg [dreg:$0x14];
	s11 =	simm.s32 $0x15000  }
0x54: {  	[tilespmem:s11], [sflag:$0x2] =	stream.linear.gather [hbm4b:s8+s9], $0x1400, $0x38;
	[tilespmem:$0x1F900] =	vst v63  }
0x55: {  	s12 =	rddreg [dreg:$0x15];
	s19 =	simm.s32 $0x16800  }
0x56: {  	[tilespmem:s19], [sflag:$0x2] =	stream.linear.gather [hbm4b:s12+s9], $0x1400, $0x38;
	[tilespmem:$0x1F900] =	vst v63  }
0x57: {  	s0 =	simm.s32 $0x1C000;
	s20 =	rddreg [dreg:$0x1]  }
0x58: {  	[tilespmem:s0], [sflag:$0x5] =	stream.linear.gather [hbm4b:s20+s9], $0x1000, $0x38;
	[tilespmem:$0x1F900] =	vst v63  }
0x59: {  	_ =	swait.ge [sflag:s7], $0x1000  }
0x5a: {  	[sflag:s7] =	ssyncset.done $0x0  }
0x5b: {  	[sflag:s7] =	ssyncadd.s32 $0xFFFFF000  }
0x5c: {  	s21 =	rddreg [dreg:$0x2]  }
0x5d: {  	[tilespmem:s16], [sflag:$0x4] =	stream.linear.gather [hbm4b:s21+s9], $0x400, $0x38;
	[tilespmem:$0x1F900] =	vst v63  }
0x5e: {  	s8 =	simm.s32 $0x18800;
	s31 =	rddreg [dreg:$0x16]  }
0x5f: {  	[tilespmem:s8], [sflag:$0x4] =	stream.linear.gather [hbm4b:s31+s9], $0x400, $0x38;
	[tilespmem:$0x1F900] =	vst v63  }
0x60: {  	s12 =	simm.s32 $0x19000;
	s11 =	rddreg [dreg:$0x17]  }
0x61: {  	[tilespmem:s12], [sflag:$0x4] =	stream.linear.gather [hbm4b:s11+s9], $0x400, $0x38;
	[tilespmem:$0x1F900] =	vst v63  }
0x62: {  	s20 =	simm.s32 $0x19800;
	s19 =	rddreg [dreg:$0x18]  }
0x63: {  	[tilespmem:s20], [sflag:$0x4] =	stream.linear.gather [hbm4b:s19+s9], $0x400, $0x38;
	[tilespmem:$0x1F900] =	vst v63  }
0x64: {  	s21 =	rddreg [dreg:$0x19];
	s31 =	simm.s32 $0x1A000  }
0x65: {  	[tilespmem:s31], [sflag:$0x4] =	stream.linear.gather [hbm4b:s21+s9], $0x400, $0x38;
	[tilespmem:$0x1F900] =	vst v63  }
0x66: {  	s11 =	rddreg [dreg:$0x1a];
	s12 =	simm.s32 $0x1A800  }
0x67: {  	[tilespmem:s12], [sflag:$0x4] =	stream.linear.gather [hbm4b:s11+s9], $0x400, $0x38;
	[tilespmem:$0x1F900] =	vst v63  }
0x68: {  	s19 =	rddreg [dreg:$0x1b];
	s20 =	simm.s32 $0x1B000  }
0x69: {  	[tilespmem:s20], [sflag:$0x4] =	stream.linear.gather [hbm4b:s19+s9], $0x400, $0x38;
	[tilespmem:$0x1F900] =	vst v63  }
0x6a: {  	s21 =	rddreg [dreg:$0x1c];
	s31 =	simm.s32 $0x1B800  }
0x6b: {  	[tilespmem:s31], [sflag:$0x4] =	stream.linear.gather [hbm4b:s21+s9], $0x400, $0x38;
	[tilespmem:$0x1F900] =	vst v63  }
0x6c: {  	v15 =	vld [tilespmem:s0+$0x0];
	_ =	sdelay $0x4  }
0x6d: {  	vm0 =	vge.s32 v15, v1;
	vm15 =	vlt.s32 v15, v2  }
0x6e: {  	v16 =	vor.u32 s9, v7;
	vm0 =	vmand vm0, vm15  }
0x6f: {  	v17 =	vshll.u32 v15, $0xC;
	vm15 =	vgt.s32 v15, $0x1867F;
	v18 =	vmpcnt.ones.xlane vm0  }
0x70: {  	v15 =	vadd.s32 v16, v17;
	v16 =	vor.u32 v16, v17;
	v17 =	vmpcnt.ones.xlane vm15  }
0x71: {  	(v2sf) =	vpush v18, $0x0  }
0x72: {  	(v2sf) =	vpush v17, $0x0;
	_ =	sdelay $0x3  }
0x73: {  	[tilespmem:s9+$0x1D000] =	vst.msk vm0, v16;
	v15 =	vadd.s32 $0xE7980000, v15  }
0x74: {  	s6 =	simm.s32 $0x10;
	s11 =	simm.s32 $0x1C010;
	[tilespmem:s9+$0x1E080] =	vst.msk vm15, v15  }
0x75: {  	s8 =	simm.s32 $0x0;
	s12 =	simm.s32 $0x20;
	s0 =	simm.s32 $0x0;
	v15 =	vld [tilespmem:s11+$0x0]  }
.LBB2_2:
0x76: {  	p0 =	sne.s32 s12, $0xFF0;
	_ =	sdelay $0x2  }
0x77: {  	v16 =	vor.u32 s6, v7;
	s6 =	smov.u32 s12  }
0x78: {  	vm0 =	vge.s32 v15, v1;
	vm15 =	vlt.s32 v15, v2;
	v17 =	vshll.u32 v15, $0xC  }
0x79: {  	vm0 =	vmand vm0, vm15;
	vm15 =	vgt.s32 v15, $0x1867F;
	v15 =	vadd.s32 v16, v17  }
0x7a: {  	v18 =	vmpcnt.ones.xlane vm0;
	v19 =	vmpcnt.ones.xlane vm15  }
0x7b: {  	s31 =	spop (v2sf)  }
0x7c: {  	v16 =	vor.u32 v16, v17;
	(v2sf) =	vpush v18, $0x0;
	s8 =	sadd.s32 s8, s31;
	s31 =	spop (v2sf)  }
0x7d: {  	v15 =	vadd.s32 $0xE7980000, v15;
	[tilespmem:s8+$0x1D000] =	vst.msk vm0, v16;
	(v2sf) =	vpush v19, $0x0;
	s0 =	sadd.s32 s0, s31  }
0x7e: {  	[tilespmem:s0+$0x1E080] =	vst.msk vm15, v15  }
.Ltmp2:
0x7f: {  	(pc) =	sbr.rel @p0 .LBB2_2-.Ltmp2, $3  }
0x80: {  	_ =	sdelay $0x1  }
0x81: {  	s11 =	sadd.s32 $0x10, s11  }
0x82: {  	s12 =	sadd.s32 $0x10, s12;
	v15 =	vld [tilespmem:s11+$0x0]  }
0x83: {  	_ =	sdelay $0x3  }
0x84: {  	vm0 =	vge.s32 v15, v1;
	vm15 =	vlt.s32 v15, v2  }
0x85: {  	vm0 =	vmand vm0, vm15  }
0x86: {  	v16 =	vmpcnt.ones.xlane vm0;
	_ =	sdelay $0x1  }
0x87: {  	(v2sf) =	vpush v16, $0x0;
	_ =	sdelay $0x1  }
0x88: {  	vm15 =	vgt.s32 v15, $0x1867F  }
0x89: {  	v16 =	vmpcnt.ones.xlane vm15;
	_ =	sdelay $0x1  }
0x8a: {  	(v2sf) =	vpush v16, $0x0;
	_ =	sdelay $0x7  }
0x8b: {  	s11 =	spop (v2sf)  }
0x8c: {  	s12 =	spop (v2sf)  }
0x8d: {  	s21 =	sadd.s32 s8, s11;
	s11 =	spop (v2sf)  }
0x8e: {  	s11 =	sadd.s32 s21, s11  }
0x8f: {  	v15 =	vshll.u32 v15, $0xC;
	v16 =	vor.u32 s6, v7;
	s6 =	sadd.s32 $0xF, s11  }
0x90: {  	v17 =	vadd.s32 v16, v15;
	v15 =	vor.u32 v16, v15;
	p0 =	slt.s32 s6, $0x10  }
.Ltmp3:
0x91: {  	s0 =	sadd.s32 s0, s12;
	[tilespmem:s21+$0x1D000] =	vst.msk vm0, v15;
	v15 =	vadd.s32 $0xE7980000, v17;
	(pc) =	sbr.rel @p0 .LBB2_9-.Ltmp3, $4  }
0x92: {  	[tilespmem:s0+$0x1E080] =	vst.msk vm15, v15;
	s19 =	spop (v2sf);
	s20 =	sshra.s32 s6, $0x1F  }
0x93: {  	_ =	swait.ge [sflag:s17], $0xA000;
	s21 =	sshrl.u32 s20, $0x1C  }
0x94: {  	s8 =	sadd.s32 s0, s19;
	[sflag:s17] =	ssyncset.done $0x0;
	s0 =	sadd.s32 s21, s6  }
0x95: {  	s31 =	simm.s32 $0x0;
	v15 =	vmov s11;
	[sflag:s17] =	ssyncadd.s32 $0xFFFF6000;
	s0 =	sshra.s32 s0, $0x4  }
.Ltmp4:
0x96: {  	(pc) =	sbr.rel .LBB2_5-.Ltmp4, $2  }
0x97: {  	_ =	sdelay $0x2  }
0x98: {  	s31 =	simm.s32 $0x0;
	s11 =	simm.s32 $0x0  }
.LBB2_8:
0x99: {  	s11 =	sadd.s32 $0x1, s11  }
0x9a: {  	p1 =	sne.s32 s11, s0  }
.Ltmp5:
0x9b: {  	_ = 	snop;
	(pc) =	sbr.rel @!p1 .LBB2_9-.Ltmp5, $1  }
0x9c: {  	_ =	sdelay $0x3  }
.LBB2_5:
0x9d: {  	s12 =	sshll.u32 s11, $0x4  }
0x9e: {  	v17 =	vld [tilespmem:s12+$0x1D000];
	_ =	sdelay $0x4  }
0x9f: {  	v18 =	vor.u32 s12, v7;
	v16 =	vshrl.u32 v17, $0xC  }
0xa0: {  	vm0 =	vlt.s32 v18, v15;
	vm15 =	vge.u32 v16, v1  }
0xa1: {  	vm0 =	vmand vm0, vm15;
	vm15 =	vlt.u32 v16, v3  }
0xa2: {  	vm15 =	vmand vm15, vm0  }
0xa3: {  	v18 =	vmpcnt.ones.xlane vm15;
	_ =	sdelay $0x1  }
0xa4: {  	(v2sf) =	vpush v18, $0x0;
	_ =	sdelay $0xe  }
0xa5: {  	s21 =	spop (v2sf)  }
0xa6: {  	p1 =	slt.s32 s21, $0x1  }
.Ltmp6:
0xa7: {  	_ = 	snop;
	(pc) =	sbr.rel @p1 .LBB2_8-.Ltmp6, $1  }
0xa8: {  	_ =	sdelay $0x3  }
0xa9: {  	v17 =	vand.u32 $0xFFF, v17;
	s12 =	sshll.u32 s31, $0x7  }
.LBB2_7:
0xaa: {  	v18 =	vmctz.xlane vm15;
	_ =	sdelay $0x1  }
0xab: {  	v18 =	vbroadcast v18, $0x0;
	_ =	sdelay $0x1  }
0xac: {  	vm0 =	vne.s32 v18, v7  }
0xad: {  	v18 =	vsel vm0, $0x0, v16  }
0xae: {  	(xrf0) =	vadd.scan.msk.s32 $0xffff, v18;
	_ =	sdelay $0x5  }
0xaf: {  	v19 =	vsel vm0, $0x0, v17;
	v18, _, _ =	vpop (xrf0)  }
0xb0: {  	(xrf0) =	vadd.scan.msk.s32 $0xffff, v19;
	(v2sf) =	vpush v18, $0xF;
	_ =	sdelay $0x5  }
0xb1: {  	v18, _, _ =	vpop (xrf0)  }
0xb2: {  	(v2sf) =	vpush v18, $0xF;
	_ =	sdelay $0x7  }
0xb3: {  	s19 =	spop (v2sf)  }
0xb4: {  	s19 =	ssub.s32 s19, s1  }
0xb5: {  	v18 =	vmov s19  }
0xb6: {  	v19 =	vshll.u32 v18, $0x3  }
0xb7: {  	v18 =	vand.u32 $0x7F, v18;
	v19 =	vand.u32 $0xFFFFFC00, v19  }
0xb8: {  	v18 =	vor.u32 v18, v19  }
0xb9: {  	p1 =	slt.s32 s31, $0x10;
	v19 =	vadd.s32 v8, v18  }
0xba: {  	s20 =	simm.s32 @!p1 $0x3;
	s21 =	spop (v2sf)  }
0xbb: {  	_ =	swait.ge @!p1 [sflag:s20], $0x80  }
0xbc: {  	[sflag:s20] =	ssyncset.done @!p1 $0x0  }
0xbd: {  	[sflag:s20] =	ssyncadd.s32 @!p1 $0xFFFFFF80  }
0xbe: {  	v19 =	vld.idx.msk [tilespmem:v19+s9+$0x0], $0xffff  }
0xbf: {  	v20 =	vadd.s32 v9, v18;
	_ =	sdelay $0x2  }
0xc0: {  	s20 =	sand.u32 $0x780, s12  }
0xc1: {  	[tilespmem:s20+$0x1F100] =	vst v19  }
0xc2: {  	v19 =	vld.idx.msk [tilespmem:v20+s9+$0x0], $0xffff  }
0xc3: {  	vm15 =	vmand vm15, vm0;
	v63 =	vadd.s32 v10, v18  }
0xc4: {  	v21 =	vmpcnt.ones.xlane vm15;
	_ =	sdelay $0x1  }
0xc5: {  	(v2sf) =	vpush v21, $0x0  }
0xc6: {  	[tilespmem:s20+$0x1F110] =	vst v19  }
0xc7: {  	v19 =	vld.idx.msk [tilespmem:v63+s9+$0x0], $0xffff  }
0xc8: {  	v18 =	vadd.s32 v11, v18;
	_ =	sdelay $0x3  }
0xc9: {  	[tilespmem:s20+$0x1F120] =	vst v19  }
0xca: {  	v18 =	vld.idx.msk [tilespmem:v18+s9+$0x0], $0xffff;
	_ =	sdelay $0x2  }
0xcb: {  	s19 =	sshll.u32 s21, $0x4  }
0xcc: {  	s19 =	sand.u32 $0x1FFFFFF0, s19  }
0xcd: {  	s19 =	sadd.s32 s10, s19;
	s21 =	sadd.s32 $0x1F100, s20;
	[tilespmem:s20+$0x1F130] =	vst v18  }
0xce: {  	[hbm4b:s19+s9] =	stream.linear.scatter [tilespmem:s21], [sflag:$0x3], $0x80, $0x38;
	[tilespmem:$0x1F900] =	vst v63  }
0xcf: {  	s21 =	spop (v2sf)  }
0xd0: {  	p1 =	sgt.s32 s21, $0x0  }
.Ltmp7:
0xd1: {  	_ = 	snop;
	(pc) =	sbr.rel @p1 .LBB2_7-.Ltmp7, $2  }
0xd2: {  	_ =	sdelay $0x2  }
0xd3: {  	s31 =	sadd.s32 $0x1, s31;
	s12 =	sadd.s32 $0x80, s12  }
.Ltmp8:
0xd4: {  	_ = 	snop;
	(pc) =	sbr.rel .LBB2_8-.Ltmp8, $1  }
0xd5: {  	_ =	sdelay $0x3  }
.LBB2_9:
0xd6: {  	[tilespmem:s9], [sflag:$0x1] =	stream.linear.gather [hbm4b:s13+s9], $0x1400, $0x38;
	[tilespmem:$0x1F900] =	vst v63  }
0xd7: {  	s11 =	sadd.s32 $0x18700, s13;
	s12 =	simm.s32 $0x1800  }
0xd8: {  	[tilespmem:s12], [sflag:$0x1] =	stream.linear.gather [hbm4b:s11+s9], $0x1400, $0x38;
	[tilespmem:$0x1F900] =	vst v63  }
0xd9: {  	s19 =	simm.s32 $0x3000;
	s12 =	sadd.s32 $0x30E00, s13  }
0xda: {  	[tilespmem:s19], [sflag:$0x1] =	stream.linear.gather [hbm4b:s12+s9], $0x1400, $0x38;
	[tilespmem:$0x1F900] =	vst v63  }
0xdb: {  	s20 =	sadd.s32 $0x49500, s13;
	s21 =	simm.s32 $0x4800  }
0xdc: {  	[tilespmem:s21], [sflag:$0x1] =	stream.linear.gather [hbm4b:s20+s9], $0x1400, $0x38;
	[tilespmem:$0x1F900] =	vst v63  }
0xdd: {  	s12 =	sadd.s32 $0x61C00, s13  }
0xde: {  	[tilespmem:s22], [sflag:$0x1] =	stream.linear.gather [hbm4b:s12+s9], $0x1400, $0x38;
	[tilespmem:$0x1F900] =	vst v63  }
0xdf: {  	s19 =	sadd.s32 $0x7A300, s13  }
0xe0: {  	[tilespmem:s23], [sflag:$0x1] =	stream.linear.gather [hbm4b:s19+s9], $0x1400, $0x38;
	[tilespmem:$0x1F900] =	vst v63  }
0xe1: {  	s20 =	sadd.s32 $0x92A00, s13  }
0xe2: {  	[tilespmem:s24], [sflag:$0x1] =	stream.linear.gather [hbm4b:s20+s9], $0x1400, $0x38;
	[tilespmem:$0x1F900] =	vst v63  }
.Ltmp9:
0xe3: {  	s21 =	sadd.s32 $0xAB100, s13;
	(pc) =	sbr.rel @p0 .LBB2_15-.Ltmp9, $4  }
0xe4: {  	[tilespmem:s25], [sflag:$0x1] =	stream.linear.gather [hbm4b:s21+s9], $0x1400, $0x38;
	[tilespmem:$0x1F900] =	vst v63  }
0xe5: {  	_ =	swait.ge [sflag:s18], $0xA000  }
0xe6: {  	[sflag:s18] =	ssyncset.done $0x0  }
0xe7: {  	[sflag:s18] =	ssyncadd.s32 $0xFFFF6000  }
.Ltmp10:
0xe8: {  	(pc) =	sbr.rel .LBB2_11-.Ltmp10, $2  }
0xe9: {  	_ =	sdelay $0x2  }
0xea: {  	s11 =	simm.s32 $0x0  }
.LBB2_14:
0xeb: {  	s11 =	sadd.s32 $0x1, s11  }
0xec: {  	p1 =	sne.s32 s11, s0  }
.Ltmp11:
0xed: {  	_ = 	snop;
	(pc) =	sbr.rel @!p1 .LBB2_15-.Ltmp11, $1  }
0xee: {  	_ =	sdelay $0x3  }
.LBB2_11:
0xef: {  	s12 =	sshll.u32 s11, $0x4  }
0xf0: {  	v17 =	vld [tilespmem:s12+$0x1D000];
	_ =	sdelay $0x4  }
0xf1: {  	v18 =	vor.u32 s12, v7;
	v16 =	vshrl.u32 v17, $0xC  }
0xf2: {  	vm0 =	vlt.s32 v18, v15;
	vm15 =	vge.u32 v16, v3  }
0xf3: {  	vm0 =	vmand vm0, vm15;
	vm15 =	vlt.u32 v16, v4  }
0xf4: {  	vm15 =	vmand vm15, vm0  }
0xf5: {  	v18 =	vmpcnt.ones.xlane vm15;
	_ =	sdelay $0x1  }
0xf6: {  	(v2sf) =	vpush v18, $0x0;
	_ =	sdelay $0xe  }
0xf7: {  	s21 =	spop (v2sf)  }
0xf8: {  	p1 =	slt.s32 s21, $0x1  }
.Ltmp12:
0xf9: {  	_ = 	snop;
	(pc) =	sbr.rel @p1 .LBB2_14-.Ltmp12, $1  }
0xfa: {  	_ =	sdelay $0x3  }
0xfb: {  	v17 =	vand.u32 $0xFFF, v17;
	s12 =	sshll.u32 s31, $0x7  }
.LBB2_13:
0xfc: {  	v18 =	vmctz.xlane vm15;
	_ =	sdelay $0x1  }
0xfd: {  	v18 =	vbroadcast v18, $0x0;
	_ =	sdelay $0x1  }
0xfe: {  	vm0 =	vne.s32 v18, v7  }
0xff: {  	v18 =	vsel vm0, $0x0, v16  }
0x100: {  	(xrf0) =	vadd.scan.msk.s32 $0xffff, v18;
	_ =	sdelay $0x5  }
0x101: {  	v19 =	vsel vm0, $0x0, v17;
	v18, _, _ =	vpop (xrf0)  }
0x102: {  	(xrf0) =	vadd.scan.msk.s32 $0xffff, v19;
	(v2sf) =	vpush v18, $0xF;
	_ =	sdelay $0x5  }
0x103: {  	v18, _, _ =	vpop (xrf0)  }
0x104: {  	(v2sf) =	vpush v18, $0xF;
	_ =	sdelay $0x7  }
0x105: {  	s19 =	spop (v2sf)  }
0x106: {  	s19 =	ssub.s32 s19, s2  }
0x107: {  	v18 =	vmov s19  }
0x108: {  	v19 =	vshll.u32 v18, $0x3  }
0x109: {  	v18 =	vand.u32 $0x7F, v18;
	v19 =	vand.u32 $0xFFFFFC00, v19  }
0x10a: {  	v18 =	vor.u32 v18, v19  }
0x10b: {  	p1 =	slt.s32 s31, $0x10;
	v19 =	vadd.s32 v8, v18  }
0x10c: {  	s20 =	simm.s32 @!p1 $0x3;
	s21 =	spop (v2sf)  }
0x10d: {  	_ =	swait.ge @!p1 [sflag:s20], $0x80  }
0x10e: {  	[sflag:s20] =	ssyncset.done @!p1 $0x0  }
0x10f: {  	[sflag:s20] =	ssyncadd.s32 @!p1 $0xFFFFFF80  }
0x110: {  	v19 =	vld.idx.msk [tilespmem:v19+s26+$0x0], $0xffff  }
0x111: {  	v20 =	vadd.s32 v9, v18;
	_ =	sdelay $0x2  }
0x112: {  	s20 =	sand.u32 $0x780, s12  }
0x113: {  	[tilespmem:s20+$0x1F100] =	vst v19  }
0x114: {  	v19 =	vld.idx.msk [tilespmem:v20+s26+$0x0], $0xffff  }
0x115: {  	vm15 =	vmand vm15, vm0;
	v63 =	vadd.s32 v10, v18  }
0x116: {  	v21 =	vmpcnt.ones.xlane vm15;
	_ =	sdelay $0x1  }
0x117: {  	(v2sf) =	vpush v21, $0x0  }
0x118: {  	[tilespmem:s20+$0x1F110] =	vst v19  }
0x119: {  	v19 =	vld.idx.msk [tilespmem:v63+s26+$0x0], $0xffff  }
0x11a: {  	v18 =	vadd.s32 v11, v18;
	_ =	sdelay $0x3  }
0x11b: {  	[tilespmem:s20+$0x1F120] =	vst v19  }
0x11c: {  	v18 =	vld.idx.msk [tilespmem:v18+s26+$0x0], $0xffff;
	_ =	sdelay $0x2  }
0x11d: {  	s19 =	sshll.u32 s21, $0x4  }
0x11e: {  	s19 =	sand.u32 $0x1FFFFFF0, s19  }
0x11f: {  	s19 =	sadd.s32 s10, s19;
	s21 =	sadd.s32 $0x1F100, s20;
	[tilespmem:s20+$0x1F130] =	vst v18  }
0x120: {  	[hbm4b:s19+s9] =	stream.linear.scatter [tilespmem:s21], [sflag:$0x3], $0x80, $0x38;
	[tilespmem:$0x1F900] =	vst v63  }
0x121: {  	s21 =	spop (v2sf)  }
0x122: {  	p1 =	sgt.s32 s21, $0x0  }
.Ltmp13:
0x123: {  	_ = 	snop;
	(pc) =	sbr.rel @p1 .LBB2_13-.Ltmp13, $2  }
0x124: {  	_ =	sdelay $0x2  }
0x125: {  	s31 =	sadd.s32 $0x1, s31;
	s12 =	sadd.s32 $0x80, s12  }
.Ltmp14:
0x126: {  	_ = 	snop;
	(pc) =	sbr.rel .LBB2_14-.Ltmp14, $1  }
0x127: {  	_ =	sdelay $0x3  }
.LBB2_15:
0x128: {  	[tilespmem:s26], [sflag:$0x2] =	stream.linear.gather [hbm4b:s14+s9], $0x1400, $0x38;
	[tilespmem:$0x1F900] =	vst v63  }
0x129: {  	s11 =	sadd.s32 $0x18700, s14;
	s12 =	simm.s32 $0xD800  }
0x12a: {  	[tilespmem:s12], [sflag:$0x2] =	stream.linear.gather [hbm4b:s11+s9], $0x1400, $0x38;
	[tilespmem:$0x1F900] =	vst v63  }
0x12b: {  	s19 =	simm.s32 $0xF000;
	s12 =	sadd.s32 $0x30E00, s14  }
0x12c: {  	[tilespmem:s19], [sflag:$0x2] =	stream.linear.gather [hbm4b:s12+s9], $0x1400, $0x38;
	[tilespmem:$0x1F900] =	vst v63  }
0x12d: {  	s20 =	sadd.s32 $0x49500, s14;
	s21 =	simm.s32 $0x10800  }
0x12e: {  	[tilespmem:s21], [sflag:$0x2] =	stream.linear.gather [hbm4b:s20+s9], $0x1400, $0x38;
	[tilespmem:$0x1F900] =	vst v63  }
0x12f: {  	s12 =	sadd.s32 $0x61C00, s14;
	s19 =	simm.s32 $0x12000  }
0x130: {  	[tilespmem:s19], [sflag:$0x2] =	stream.linear.gather [hbm4b:s12+s9], $0x1400, $0x38;
	[tilespmem:$0x1F900] =	vst v63  }
0x131: {  	s20 =	sadd.s32 $0x7A300, s14;
	s21 =	simm.s32 $0x13800  }
0x132: {  	[tilespmem:s21], [sflag:$0x2] =	stream.linear.gather [hbm4b:s20+s9], $0x1400, $0x38;
	[tilespmem:$0x1F900] =	vst v63  }
0x133: {  	s12 =	sadd.s32 $0x92A00, s14;
	s19 =	simm.s32 $0x15000  }
0x134: {  	[tilespmem:s19], [sflag:$0x2] =	stream.linear.gather [hbm4b:s12+s9], $0x1400, $0x38;
	[tilespmem:$0x1F900] =	vst v63  }
.Ltmp15:
0x135: {  	s20 =	sadd.s32 $0xAB100, s14;
	s21 =	simm.s32 $0x16800;
	(pc) =	sbr.rel @p0 .LBB2_21-.Ltmp15, $4  }
0x136: {  	[tilespmem:s21], [sflag:$0x2] =	stream.linear.gather [hbm4b:s20+s9], $0x1400, $0x38;
	[tilespmem:$0x1F900] =	vst v63  }
0x137: {  	_ =	swait.ge [sflag:s17], $0xA000  }
0x138: {  	[sflag:s17] =	ssyncset.done $0x0  }
0x139: {  	[sflag:s17] =	ssyncadd.s32 $0xFFFF6000  }
.Ltmp16:
0x13a: {  	(pc) =	sbr.rel .LBB2_17-.Ltmp16, $2  }
0x13b: {  	_ =	sdelay $0x2  }
0x13c: {  	s11 =	simm.s32 $0x0  }
.LBB2_20:
0x13d: {  	s11 =	sadd.s32 $0x1, s11  }
0x13e: {  	p0 =	sne.s32 s11, s0  }
.Ltmp17:
0x13f: {  	_ = 	snop;
	(pc) =	sbr.rel @!p0 .LBB2_21-.Ltmp17, $1  }
0x140: {  	_ =	sdelay $0x3  }
.LBB2_17:
0x141: {  	s12 =	sshll.u32 s11, $0x4  }
0x142: {  	v17 =	vld [tilespmem:s12+$0x1D000];
	_ =	sdelay $0x4  }
0x143: {  	v18 =	vor.u32 s12, v7;
	v16 =	vshrl.u32 v17, $0xC  }
0x144: {  	vm0 =	vlt.s32 v18, v15;
	vm15 =	vge.u32 v16, v4  }
0x145: {  	vm0 =	vmand vm0, vm15;
	vm15 =	vlt.u32 v16, v5  }
0x146: {  	vm15 =	vmand vm15, vm0  }
0x147: {  	v18 =	vmpcnt.ones.xlane vm15;
	_ =	sdelay $0x1  }
0x148: {  	(v2sf) =	vpush v18, $0x0;
	_ =	sdelay $0xe  }
0x149: {  	s21 =	spop (v2sf)  }
0x14a: {  	p0 =	slt.s32 s21, $0x1  }
.Ltmp18:
0x14b: {  	_ = 	snop;
	(pc) =	sbr.rel @p0 .LBB2_20-.Ltmp18, $1  }
0x14c: {  	_ =	sdelay $0x3  }
0x14d: {  	v17 =	vand.u32 $0xFFF, v17;
	s12 =	sshll.u32 s31, $0x7  }
.LBB2_19:
0x14e: {  	v18 =	vmctz.xlane vm15;
	_ =	sdelay $0x1  }
0x14f: {  	v18 =	vbroadcast v18, $0x0;
	_ =	sdelay $0x1  }
0x150: {  	vm0 =	vne.s32 v18, v7  }
0x151: {  	v18 =	vsel vm0, $0x0, v16  }
0x152: {  	(xrf0) =	vadd.scan.msk.s32 $0xffff, v18;
	_ =	sdelay $0x5  }
0x153: {  	v19 =	vsel vm0, $0x0, v17;
	v18, _, _ =	vpop (xrf0)  }
0x154: {  	(xrf0) =	vadd.scan.msk.s32 $0xffff, v19;
	(v2sf) =	vpush v18, $0xF;
	_ =	sdelay $0x5  }
0x155: {  	v18, _, _ =	vpop (xrf0)  }
0x156: {  	(v2sf) =	vpush v18, $0xF;
	_ =	sdelay $0x7  }
0x157: {  	s19 =	spop (v2sf)  }
0x158: {  	s19 =	ssub.s32 s19, s3  }
0x159: {  	v18 =	vmov s19  }
0x15a: {  	v19 =	vshll.u32 v18, $0x3  }
0x15b: {  	v18 =	vand.u32 $0x7F, v18;
	v19 =	vand.u32 $0xFFFFFC00, v19  }
0x15c: {  	v18 =	vor.u32 v18, v19  }
0x15d: {  	p0 =	slt.s32 s31, $0x10;
	v19 =	vadd.s32 v8, v18  }
0x15e: {  	s20 =	simm.s32 @!p0 $0x3;
	s21 =	spop (v2sf)  }
0x15f: {  	_ =	swait.ge @!p0 [sflag:s20], $0x80  }
0x160: {  	[sflag:s20] =	ssyncset.done @!p0 $0x0  }
0x161: {  	[sflag:s20] =	ssyncadd.s32 @!p0 $0xFFFFFF80  }
0x162: {  	v19 =	vld.idx.msk [tilespmem:v19+s9+$0x0], $0xffff  }
0x163: {  	v20 =	vadd.s32 v9, v18;
	_ =	sdelay $0x2  }
0x164: {  	s20 =	sand.u32 $0x780, s12  }
0x165: {  	[tilespmem:s20+$0x1F100] =	vst v19  }
0x166: {  	v19 =	vld.idx.msk [tilespmem:v20+s9+$0x0], $0xffff  }
0x167: {  	vm15 =	vmand vm15, vm0;
	v63 =	vadd.s32 v10, v18  }
0x168: {  	v21 =	vmpcnt.ones.xlane vm15;
	_ =	sdelay $0x1  }
0x169: {  	(v2sf) =	vpush v21, $0x0  }
0x16a: {  	[tilespmem:s20+$0x1F110] =	vst v19  }
0x16b: {  	v19 =	vld.idx.msk [tilespmem:v63+s9+$0x0], $0xffff  }
0x16c: {  	v18 =	vadd.s32 v11, v18;
	_ =	sdelay $0x3  }
0x16d: {  	[tilespmem:s20+$0x1F120] =	vst v19  }
0x16e: {  	v18 =	vld.idx.msk [tilespmem:v18+s9+$0x0], $0xffff;
	_ =	sdelay $0x2  }
0x16f: {  	s19 =	sshll.u32 s21, $0x4  }
0x170: {  	s19 =	sand.u32 $0x1FFFFFF0, s19  }
0x171: {  	s19 =	sadd.s32 s10, s19;
	s21 =	sadd.s32 $0x1F100, s20;
	[tilespmem:s20+$0x1F130] =	vst v18  }
0x172: {  	[hbm4b:s19+s9] =	stream.linear.scatter [tilespmem:s21], [sflag:$0x3], $0x80, $0x38;
	[tilespmem:$0x1F900] =	vst v63  }
0x173: {  	s21 =	spop (v2sf)  }
0x174: {  	p0 =	sgt.s32 s21, $0x0  }
.Ltmp19:
0x175: {  	_ = 	snop;
	(pc) =	sbr.rel @p0 .LBB2_19-.Ltmp19, $2  }
0x176: {  	_ =	sdelay $0x2  }
0x177: {  	s31 =	sadd.s32 $0x1, s31;
	s12 =	sadd.s32 $0x80, s12  }
.Ltmp20:
0x178: {  	_ = 	snop;
	(pc) =	sbr.rel .LBB2_20-.Ltmp20, $1  }
0x179: {  	_ =	sdelay $0x3  }
.LBB2_21:
0x17a: {  	[tilespmem:s9], [sflag:$0x1] =	stream.linear.gather [hbm4b:s15+s9], $0x1400, $0x38;
	[tilespmem:$0x1F900] =	vst v63  }
0x17b: {  	s11 =	sadd.s32 $0x18700, s15;
	s12 =	simm.s32 $0x1800  }
0x17c: {  	[tilespmem:s12], [sflag:$0x1] =	stream.linear.gather [hbm4b:s11+s9], $0x1400, $0x38;
	[tilespmem:$0x1F900] =	vst v63  }
0x17d: {  	s19 =	simm.s32 $0x3000;
	s12 =	sadd.s32 $0x30E00, s15  }
0x17e: {  	[tilespmem:s19], [sflag:$0x1] =	stream.linear.gather [hbm4b:s12+s9], $0x1400, $0x38;
	[tilespmem:$0x1F900] =	vst v63  }
0x17f: {  	s20 =	sadd.s32 $0x49500, s15;
	s21 =	simm.s32 $0x4800  }
0x180: {  	[tilespmem:s21], [sflag:$0x1] =	stream.linear.gather [hbm4b:s20+s9], $0x1400, $0x38;
	[tilespmem:$0x1F900] =	vst v63  }
0x181: {  	s12 =	sadd.s32 $0x61C00, s15  }
0x182: {  	[tilespmem:s22], [sflag:$0x1] =	stream.linear.gather [hbm4b:s12+s9], $0x1400, $0x38;
	[tilespmem:$0x1F900] =	vst v63  }
0x183: {  	s19 =	sadd.s32 $0x7A300, s15  }
0x184: {  	[tilespmem:s23], [sflag:$0x1] =	stream.linear.gather [hbm4b:s19+s9], $0x1400, $0x38;
	[tilespmem:$0x1F900] =	vst v63  }
0x185: {  	p0 =	sgt.s32 s6, $0xF;
	s20 =	sadd.s32 $0x92A00, s15  }
0x186: {  	[tilespmem:s24], [sflag:$0x1] =	stream.linear.gather [hbm4b:s20+s9], $0x1400, $0x38;
	[tilespmem:$0x1F900] =	vst v63  }
.Ltmp21:
0x187: {  	s21 =	sadd.s32 $0xAB100, s15;
	(pc) =	sbr.rel @!p0 .LBB2_22-.Ltmp21, $4  }
0x188: {  	[tilespmem:s25], [sflag:$0x1] =	stream.linear.gather [hbm4b:s21+s9], $0x1400, $0x38;
	[tilespmem:$0x1F900] =	vst v63  }
0x189: {  	_ =	swait.ge [sflag:s18], $0xA000  }
0x18a: {  	[sflag:s18] =	ssyncset.done $0x0  }
0x18b: {  	[sflag:s18] =	ssyncadd.s32 $0xFFFF6000  }
.Ltmp22:
0x18c: {  	(pc) =	sbr.rel .LBB2_24-.Ltmp22, $2  }
0x18d: {  	_ =	sdelay $0x2  }
0x18e: {  	s6 =	simm.s32 $0x0  }
.LBB2_27:
0x18f: {  	s6 =	sadd.s32 $0x1, s6  }
0x190: {  	p0 =	sne.s32 s6, s0  }
.Ltmp23:
0x191: {  	_ = 	snop;
	(pc) =	sbr.rel @!p0 .LBB2_28-.Ltmp23, $1  }
0x192: {  	_ =	sdelay $0x3  }
.LBB2_24:
0x193: {  	s11 =	sshll.u32 s6, $0x4  }
0x194: {  	v17 =	vld [tilespmem:s11+$0x1D000];
	_ =	sdelay $0x4  }
0x195: {  	v18 =	vor.u32 s11, v7;
	v16 =	vshrl.u32 v17, $0xC  }
0x196: {  	vm0 =	vlt.s32 v18, v15;
	vm15 =	vge.u32 v16, v5  }
0x197: {  	vm0 =	vmand vm0, vm15;
	vm15 =	vlt.u32 v16, v6  }
0x198: {  	vm15 =	vmand vm15, vm0  }
0x199: {  	v18 =	vmpcnt.ones.xlane vm15;
	_ =	sdelay $0x1  }
0x19a: {  	(v2sf) =	vpush v18, $0x0;
	_ =	sdelay $0xe  }
0x19b: {  	s21 =	spop (v2sf)  }
0x19c: {  	p0 =	slt.s32 s21, $0x1  }
.Ltmp24:
0x19d: {  	_ = 	snop;
	(pc) =	sbr.rel @p0 .LBB2_27-.Ltmp24, $1  }
0x19e: {  	_ =	sdelay $0x3  }
0x19f: {  	v17 =	vand.u32 $0xFFF, v17;
	s11 =	sshll.u32 s31, $0x7  }
.LBB2_26:
0x1a0: {  	v18 =	vmctz.xlane vm15;
	_ =	sdelay $0x1  }
0x1a1: {  	v18 =	vbroadcast v18, $0x0;
	_ =	sdelay $0x1  }
0x1a2: {  	vm0 =	vne.s32 v18, v7  }
0x1a3: {  	v18 =	vsel vm0, $0x0, v16  }
0x1a4: {  	(xrf0) =	vadd.scan.msk.s32 $0xffff, v18;
	_ =	sdelay $0x5  }
0x1a5: {  	v19 =	vsel vm0, $0x0, v17;
	v18, _, _ =	vpop (xrf0)  }
0x1a6: {  	(xrf0) =	vadd.scan.msk.s32 $0xffff, v19;
	(v2sf) =	vpush v18, $0xF;
	_ =	sdelay $0x5  }
0x1a7: {  	v18, _, _ =	vpop (xrf0)  }
0x1a8: {  	(v2sf) =	vpush v18, $0xF;
	_ =	sdelay $0x7  }
0x1a9: {  	s12 =	spop (v2sf)  }
0x1aa: {  	s12 =	ssub.s32 s12, s4  }
0x1ab: {  	v18 =	vmov s12  }
0x1ac: {  	v19 =	vshll.u32 v18, $0x3  }
0x1ad: {  	v18 =	vand.u32 $0x7F, v18;
	v19 =	vand.u32 $0xFFFFFC00, v19  }
0x1ae: {  	v18 =	vor.u32 v18, v19  }
0x1af: {  	p0 =	slt.s32 s31, $0x10;
	v19 =	vadd.s32 v8, v18  }
0x1b0: {  	s19 =	simm.s32 @!p0 $0x3;
	s20 =	spop (v2sf)  }
0x1b1: {  	_ =	swait.ge @!p0 [sflag:s19], $0x80  }
0x1b2: {  	[sflag:s19] =	ssyncset.done @!p0 $0x0  }
0x1b3: {  	[sflag:s19] =	ssyncadd.s32 @!p0 $0xFFFFFF80  }
0x1b4: {  	v19 =	vld.idx.msk [tilespmem:v19+s26+$0x0], $0xffff  }
0x1b5: {  	v20 =	vadd.s32 v9, v18;
	_ =	sdelay $0x2  }
0x1b6: {  	s21 =	sand.u32 $0x780, s11  }
0x1b7: {  	vm15 =	vmand vm15, vm0;
	[tilespmem:s21+$0x1F100] =	vst v19  }
0x1b8: {  	v21 =	vmpcnt.ones.xlane vm15;
	v19 =	vld.idx.msk [tilespmem:v20+s26+$0x0], $0xffff  }
0x1b9: {  	v63 =	vadd.s32 v10, v18  }
0x1ba: {  	(v2sf) =	vpush v21, $0x0;
	_ =	sdelay $0x2  }
0x1bb: {  	[tilespmem:s21+$0x1F110] =	vst v19  }
0x1bc: {  	v19 =	vld.idx.msk [tilespmem:v63+s26+$0x0], $0xffff  }
0x1bd: {  	v18 =	vadd.s32 v11, v18;
	_ =	sdelay $0x3  }
0x1be: {  	[tilespmem:s21+$0x1F120] =	vst v19  }
0x1bf: {  	v18 =	vld.idx.msk [tilespmem:v18+s26+$0x0], $0xffff;
	_ =	sdelay $0x4  }
0x1c0: {  	s12 =	sshll.u32 s20, $0x4;
	s20 =	sadd.s32 $0x1F100, s21;
	[tilespmem:s21+$0x1F130] =	vst v18;
	s21 =	spop (v2sf)  }
0x1c1: {  	p0 =	sgt.s32 s21, $0x0  }
.Ltmp25:
0x1c2: {  	_ = 	snop;
	(pc) =	sbr.rel @p0 .LBB2_26-.Ltmp25, $4  }
0x1c3: {  	_ = 	snop  }
0x1c4: {  	s12 =	sand.u32 $0x1FFFFFF0, s12  }
0x1c5: {  	s31 =	sadd.s32 $0x1, s31;
	s11 =	sadd.s32 $0x80, s11;
	s12 =	sadd.s32 s10, s12  }
0x1c6: {  	[hbm4b:s12+s9] =	stream.linear.scatter [tilespmem:s20], [sflag:$0x3], $0x80, $0x38;
	[tilespmem:$0x1F900] =	vst v63  }
.Ltmp26:
0x1c7: {  	_ = 	snop;
	(pc) =	sbr.rel .LBB2_27-.Ltmp26, $1  }
0x1c8: {  	_ =	sdelay $0x3  }
.LBB2_22:
0x1c9: {  	_ =	swait.ge [sflag:s17], $0xA000  }
0x1ca: {  	[sflag:s17] =	ssyncset.done $0x0  }
0x1cb: {  	[sflag:s17] =	ssyncadd.s32 $0xFFFF6000  }
.LBB2_33:
0x1cc: {  	s0 =	sadd.s32 $0xF, s8  }
0x1cd: {  	p0 =	slt.s32 s0, $0x10  }
.Ltmp27:
0x1ce: {  	_ = 	snop;
	(pc) =	sbr.rel @p0 .LBB2_39-.Ltmp27, $4  }
0x1cf: {  	_ = 	snop  }
0x1d0: {  	_ =	swait.ge [sflag:s28], $0x2000  }
0x1d1: {  	[sflag:s28] =	ssyncset.done $0x0  }
0x1d2: {  	[sflag:s28] =	ssyncadd.s32 $0xFFFFE000  }
.Ltmp28:
0x1d3: {  	(pc) =	sbr.rel .LBB2_35-.Ltmp28, $4  }
0x1d4: {  	s6 =	sshra.s32 s0, $0x1F  }
0x1d5: {  	s6 =	sshrl.u32 s6, $0x1C  }
0x1d6: {  	s21 =	sadd.s32 s6, s0  }
0x1d7: {  	v15 =	vmov s8;
	s6 =	simm.s32 $0x0;
	s0 =	sshra.s32 s21, $0x4  }
.LBB2_38:
0x1d8: {  	s6 =	sadd.s32 $0x1, s6  }
0x1d9: {  	p0 =	sne.s32 s6, s0  }
.Ltmp29:
0x1da: {  	_ = 	snop;
	(pc) =	sbr.rel @!p0 .LBB2_39-.Ltmp29, $1  }
0x1db: {  	_ =	sdelay $0x3  }
.LBB2_35:
0x1dc: {  	s8 =	sshll.u32 s6, $0x4  }
0x1dd: {  	v16 =	vor.u32 s8, v7  }
0x1de: {  	vm15 =	vlt.s32 v16, v15  }
0x1df: {  	v16 =	vmpcnt.ones.xlane vm15;
	_ =	sdelay $0x1  }
0x1e0: {  	(v2sf) =	vpush v16, $0x0;
	_ =	sdelay $0xe  }
0x1e1: {  	s11 =	spop (v2sf)  }
0x1e2: {  	p0 =	slt.s32 s11, $0x1  }
.Ltmp30:
0x1e3: {  	_ = 	snop;
	(pc) =	sbr.rel @p0 .LBB2_38-.Ltmp30, $2  }
0x1e4: {  	_ =	sdelay $0x2  }
0x1e5: {  	v17 =	vld [tilespmem:s8+$0x1E080]  }
0x1e6: {  	_ =	sdelay $0x3  }
0x1e7: {  	s8 =	sshll.u32 s31, $0x7;
	v16 =	vshrl.u32 v17, $0xC;
	v17 =	vand.u32 $0xFFF, v17  }
.LBB2_37:
0x1e8: {  	v18 =	vmctz.xlane vm15;
	_ =	sdelay $0x1  }
0x1e9: {  	v18 =	vbroadcast v18, $0x0;
	_ =	sdelay $0x1  }
0x1ea: {  	vm0 =	vne.s32 v18, v7  }
0x1eb: {  	v18 =	vsel vm0, $0x0, v16  }
0x1ec: {  	(xrf0) =	vadd.scan.msk.s32 $0xffff, v18;
	v18 =	vsel vm0, $0x0, v17  }
0x1ed: {  	(xrf0) =	vadd.scan.msk.s32 $0xffff, v18;
	_ =	sdelay $0x4  }
0x1ee: {  	v18, _, _ =	vpop (xrf0)  }
0x1ef: {  	v19, _, _ =	vpop (xrf0)  }
0x1f0: {  	(v2sf) =	vpush v19, $0xF;
	_ =	sdelay $0x3  }
0x1f1: {  	vm2 =	vcmask $0x300  }
0x1f2: {  	v19 =	vsel vm2, $0x1000, v0;
	vm2 =	vcmask $0x704  }
0x1f3: {  	v19 =	vsel vm2, $0x1080, v19  }
0x1f4: {  	v19 =	vsel vm3, $0x1100, v19  }
0x1f5: {  	v19 =	vsel vm4, $0x1180, v19  }
0x1f6: {  	v18 =	vbroadcast v18, $0xF;
	v19 =	vsel vm5, $0x1200, v19  }
0x1f7: {  	v19 =	vsel vm6, $0x1280, v19  }
0x1f8: {  	v20 =	vshll.u32 v18, $0x3;
	v19 =	vsel vm7, $0x1300, v19  }
0x1f9: {  	v18 =	vand.u32 $0x7F, v18;
	v20 =	vand.u32 $0xFFFFFC00, v20;
	v19 =	vsel vm8, $0x1380, v19  }
0x1fa: {  	v18 =	vor.u32 v18, v20;
	v19 =	vsel vm9, $0x1800, v19  }
0x1fb: {  	p0 =	slt.s32 s31, $0x10;
	v20 =	vadd.s32 v12, v18;
	v19 =	vsel vm10, $0x1880, v19  }
0x1fc: {  	s12 =	simm.s32 @!p0 $0x3;
	v19 =	vsel vm11, $0x1900, v19;
	s11 =	spop (v2sf)  }
0x1fd: {  	v19 =	vsel vm12, $0x1980, v19;
	_ =	swait.ge @!p0 [sflag:s12], $0x80  }
0x1fe: {  	v19 =	vsel vm13, $0x1A00, v19;
	[sflag:s12] =	ssyncset.done @!p0 $0x0  }
0x1ff: {  	v19 =	vsel vm14, $0x1A80, v19;
	[sflag:s12] =	ssyncadd.s32 @!p0 $0xFFFFFF80  }
0x200: {  	vm15 =	vmand vm15, vm0;
	v19 =	vsel vm1, $0x1B00, v19;
	v20 =	vld.idx.msk [tilespmem:v20+s16+$0x0], $0xffff  }
0x201: {  	v21 =	vmpcnt.ones.xlane vm15;
	v19 =	vadd.s32 v19, v18;
	_ =	sdelay $0x1  }
0x202: {  	(v2sf) =	vpush v21, $0x0  }
0x203: {  	s20 =	sand.u32 $0x780, s8  }
0x204: {  	[tilespmem:s20+$0x1F100] =	vst v20  }
0x205: {  	v19 =	vld.idx.msk [tilespmem:v19+s16+$0x0], $0xffff  }
0x206: {  	v63 =	vadd.s32 v13, v18;
	_ =	sdelay $0x3  }
0x207: {  	[tilespmem:s20+$0x1F110] =	vst v19  }
0x208: {  	v19 =	vld.idx.msk [tilespmem:v63+s16+$0x0], $0xffff  }
0x209: {  	v18 =	vadd.s32 v14, v18;
	_ =	sdelay $0x3  }
0x20a: {  	[tilespmem:s20+$0x1F120] =	vst v19  }
0x20b: {  	s21 =	spop (v2sf);
	v18 =	vld.idx.msk [tilespmem:v18+s16+$0x0], $0xffff  }
0x20c: {  	p0 =	sgt.s32 s21, $0x0  }
.Ltmp31:
0x20d: {  	_ = 	snop;
	(pc) =	sbr.rel @p0 .LBB2_37-.Ltmp31, $4  }
0x20e: {  	s11 =	sshll.u32 s11, $0x4  }
0x20f: {  	s31 =	sadd.s32 $0x1, s31;
	s11 =	sand.u32 $0x1FFFFFF0, s11  }
0x210: {  	s8 =	sadd.s32 $0x80, s8;
	s19 =	sadd.s32 $0x1F100, s20;
	s11 =	sadd.s32 s10, s11;
	[tilespmem:s20+$0x1F130] =	vst v18  }
0x211: {  	[hbm4b:s11+s9] =	stream.linear.scatter [tilespmem:s19], [sflag:$0x3], $0x80, $0x38;
	[tilespmem:$0x1F900] =	vst v63  }
.Ltmp32:
0x212: {  	_ = 	snop;
	(pc) =	sbr.rel .LBB2_38-.Ltmp32, $1  }
0x213: {  	_ =	sdelay $0x3  }
.LBB2_39:
0x214: {  	p0 =	slt.s32 s31, $0x1  }
.Ltmp33:
0x215: {  	_ = 	snop;
	(pc) =	sbr.rel @p0 .LBB2_43-.Ltmp33, $1  }
0x216: {  	_ =	sdelay $0x3  }
0x217: {  	p0 =	slt.s32 s31, $0x10  }
0x218: {  	s31 =	simm.s32 @!p0 $0x10  }
0x219: {  	p0 =	sne.s32 s31, $0x1  }
.Ltmp34:
0x21a: {  	_ = 	snop;
	(pc) =	sbr.rel @!p0 .LBB2_42-.Ltmp34, $3  }
0x21b: {  	_ =	sdelay $0x1  }
0x21c: {  	_ =	swait.ge [sflag:s29], $0x80  }
0x21d: {  	[sflag:s29] =	ssyncset.done $0x0;
	s0 =	sadd.s32 $0xFFFFFFFF, s31  }
.LBB2_41:
0x21e: {  	p0 =	sne.s32 s0, $0x1;
	s0 =	sadd.s32 $0xFFFFFFFF, s0;
	[sflag:s29] =	ssyncadd.s32 $0xFFFFFF80  }
.Ltmp35:
0x21f: {  	(pc) =	sbr.rel @p0 .LBB2_41-.Ltmp35, $3  }
0x220: {  	_ =	sdelay $0x1  }
0x221: {  	_ =	swait.ge [sflag:s29], $0x80  }
0x222: {  	[sflag:s29] =	ssyncset.done $0x0  }
.Ltmp36:
0x223: {  	_ = 	snop;
	(pc) =	sbr.rel .LBB2_42-.Ltmp36, $1  }
0x224: {  	_ =	sdelay $0x3  }
.LBB2_28:
.Ltmp37:
0x225: {  	(pc) =	sbr.rel .LBB2_29-.Ltmp37, $4  }
0x226: {  	_ = 	snop  }
0x227: {  	_ =	swait.ge [sflag:s17], $0xA000  }
0x228: {  	[sflag:s17] =	ssyncset.done $0x0  }
0x229: {  	s6 =	simm.s32 $0x0;
	[sflag:s17] =	ssyncadd.s32 $0xFFFF6000  }
.LBB2_32:
0x22a: {  	s6 =	sadd.s32 $0x1, s6  }
0x22b: {  	p0 =	sne.s32 s6, s0  }
.Ltmp38:
0x22c: {  	_ = 	snop;
	(pc) =	sbr.rel @!p0 .LBB2_33-.Ltmp38, $1  }
0x22d: {  	_ =	sdelay $0x3  }
.LBB2_29:
0x22e: {  	s11 =	sshll.u32 s6, $0x4  }
0x22f: {  	v17 =	vld [tilespmem:s11+$0x1D000];
	_ =	sdelay $0x4  }
0x230: {  	v18 =	vor.u32 s11, v7;
	v16 =	vshrl.u32 v17, $0xC  }
0x231: {  	vm0 =	vlt.s32 v18, v15;
	vm15 =	vge.u32 v16, v6  }
0x232: {  	vm0 =	vmand vm0, vm15;
	vm15 =	vlt.u32 v16, v2  }
0x233: {  	vm15 =	vmand vm15, vm0  }
0x234: {  	v18 =	vmpcnt.ones.xlane vm15;
	_ =	sdelay $0x1  }
0x235: {  	(v2sf) =	vpush v18, $0x0;
	_ =	sdelay $0xe  }
0x236: {  	s21 =	spop (v2sf)  }
0x237: {  	p0 =	slt.s32 s21, $0x1  }
.Ltmp39:
0x238: {  	_ = 	snop;
	(pc) =	sbr.rel @p0 .LBB2_32-.Ltmp39, $1  }
0x239: {  	_ =	sdelay $0x3  }
0x23a: {  	v17 =	vand.u32 $0xFFF, v17;
	s11 =	sshll.u32 s31, $0x7  }
.LBB2_31:
0x23b: {  	v18 =	vmctz.xlane vm15;
	_ =	sdelay $0x1  }
0x23c: {  	v18 =	vbroadcast v18, $0x0;
	_ =	sdelay $0x1  }
0x23d: {  	vm0 =	vne.s32 v18, v7  }
0x23e: {  	v18 =	vsel vm0, $0x0, v16  }
0x23f: {  	(xrf0) =	vadd.scan.msk.s32 $0xffff, v18;
	_ =	sdelay $0x5  }
0x240: {  	v19 =	vsel vm0, $0x0, v17;
	v18, _, _ =	vpop (xrf0)  }
0x241: {  	(xrf0) =	vadd.scan.msk.s32 $0xffff, v19;
	(v2sf) =	vpush v18, $0xF;
	_ =	sdelay $0x5  }
0x242: {  	v18, _, _ =	vpop (xrf0)  }
0x243: {  	(v2sf) =	vpush v18, $0xF;
	_ =	sdelay $0x7  }
0x244: {  	s12 =	spop (v2sf)  }
0x245: {  	s12 =	ssub.s32 s12, s5  }
0x246: {  	v18 =	vmov s12  }
0x247: {  	v19 =	vshll.u32 v18, $0x3  }
0x248: {  	v18 =	vand.u32 $0x7F, v18;
	v19 =	vand.u32 $0xFFFFFC00, v19  }
0x249: {  	v18 =	vor.u32 v18, v19  }
0x24a: {  	p0 =	slt.s32 s31, $0x10;
	v19 =	vadd.s32 v8, v18  }
0x24b: {  	s19 =	simm.s32 @!p0 $0x3;
	s20 =	spop (v2sf)  }
0x24c: {  	_ =	swait.ge @!p0 [sflag:s19], $0x80  }
0x24d: {  	[sflag:s19] =	ssyncset.done @!p0 $0x0  }
0x24e: {  	[sflag:s19] =	ssyncadd.s32 @!p0 $0xFFFFFF80  }
0x24f: {  	v19 =	vld.idx.msk [tilespmem:v19+s9+$0x0], $0xffff  }
0x250: {  	v20 =	vadd.s32 v9, v18;
	_ =	sdelay $0x2  }
0x251: {  	s21 =	sand.u32 $0x780, s11  }
0x252: {  	vm15 =	vmand vm15, vm0;
	[tilespmem:s21+$0x1F100] =	vst v19  }
0x253: {  	v21 =	vmpcnt.ones.xlane vm15;
	v19 =	vld.idx.msk [tilespmem:v20+s9+$0x0], $0xffff  }
0x254: {  	v63 =	vadd.s32 v10, v18  }
0x255: {  	(v2sf) =	vpush v21, $0x0;
	_ =	sdelay $0x2  }
0x256: {  	[tilespmem:s21+$0x1F110] =	vst v19  }
0x257: {  	v19 =	vld.idx.msk [tilespmem:v63+s9+$0x0], $0xffff  }
0x258: {  	v18 =	vadd.s32 v11, v18;
	_ =	sdelay $0x3  }
0x259: {  	[tilespmem:s21+$0x1F120] =	vst v19  }
0x25a: {  	v18 =	vld.idx.msk [tilespmem:v18+s9+$0x0], $0xffff;
	_ =	sdelay $0x4  }
0x25b: {  	s12 =	sshll.u32 s20, $0x4;
	s20 =	sadd.s32 $0x1F100, s21;
	[tilespmem:s21+$0x1F130] =	vst v18;
	s21 =	spop (v2sf)  }
0x25c: {  	p0 =	sgt.s32 s21, $0x0  }
.Ltmp40:
0x25d: {  	_ = 	snop;
	(pc) =	sbr.rel @p0 .LBB2_31-.Ltmp40, $4  }
0x25e: {  	_ = 	snop  }
0x25f: {  	s12 =	sand.u32 $0x1FFFFFF0, s12  }
0x260: {  	s31 =	sadd.s32 $0x1, s31;
	s11 =	sadd.s32 $0x80, s11;
	s12 =	sadd.s32 s10, s12  }
0x261: {  	[hbm4b:s12+s9] =	stream.linear.scatter [tilespmem:s20], [sflag:$0x3], $0x80, $0x38;
	[tilespmem:$0x1F900] =	vst v63  }
.Ltmp41:
0x262: {  	_ = 	snop;
	(pc) =	sbr.rel .LBB2_32-.Ltmp41, $1  }
0x263: {  	_ =	sdelay $0x3  }
.LBB2_44:
0x264: {  	_ =	sfence.sel $0x180000  }
0x265: {  	[bflag:$0x0] =	sbarrier.arrive $0xFFFF  }
0x266: {  	_ =	strace $0x90000047  }
0x267: {  	s0 =	stileid.u32;
	[bflag:$0x2] =	sbarrier.arrive $0xFFFF  }
0x268: {  	p0 =	sne.s32 s0, $0x0;
	s0 =	rddreg [dreg:$0x4]  }
0x269: {  	s0 =	sadd.s32 @!p0 $0x100000, s0  }
0x26a: {  	[sflag:s0] =	ssyncadd.tile.s32 @!p0 $0x1;
	_ =	shalt  }
.Lfunc_end2:
_tile_overlayer_lowered:
.L_overlay_start_2:
0x26b: {  	(tag) =	ssettag $0x2  }
0x26c: {  	s0 =	rddreg [dreg:$0x0];
	s2 =	stileid.u32  }
0x26d: {  	s1 =	rddreg [dreg:$0x1];
	p0 =	sne.s32 s2, $0x0  }
0x26e: {  	s3 =	rddreg [dreg:$0x2];
	[bflag:$0x3] =	sbarrier.arrive $0xFFFF;
	s2 =	simm.s32 @!p0 $0x1C05  }
0x26f: {  	[timem:s3], [sflag:s2] =	dma.local @!p0 [hbm:s0], s1  }
0x270: {  	s0 =	simm.s32 @!p0 $0x5  }
0x271: {  	_ =	swait.ge @!p0 [sflag:s0], s1  }
0x272: {  	s1 =	ssub.s32 @!p0 $0x0, s1;
	[sflag:s0] =	ssyncset.done @!p0 $0x0  }
0x273: {  	[sflag:s0] =	ssyncadd.s32 @!p0 s1  }
0x274: {  	[bflag:$0x3] =	sbarrier.arrive $0xFFFF  }
0x275: {  	_ =	shalt  }

// kernel: kernel.7.cloned.1.call-start
scs
__scs_entry_jumppad:
0x0: {  	(pc) =	sbr.rel $0x88, $3  }
0x1: {  	(tag) =	ssettag $0x0;
	lr =	simm.s32 $0x1  }
0x2: {  	[smem:$0x3F9E] =	sst lr;
	_ =	strace $0xD0000000  }
0x3: {  	_ = 	snop  }
0x4: {  	_ = 	snop  }
0x5: {  	_ = 	snop  }
0x6: {  	_ = 	snop  }
0x7: {  	_ = 	snop  }
__scs_overlays_trampoline_lowered:
0x8: {  	[smem:$0x3FAD] =	sst s0  }
0x9: {  	[smem:$0x3FAE] =	sst s1  }
0xa: {  	[smem:$0x3FAF] =	sst s2  }
0xb: {  	[smem:$0x3FB0] =	sst s3  }
0xc: {  	[smem:$0x3FB1] =	sst s4  }
0xd: {  	[smem:$0x3FB2] =	sst s5  }
0xe: {  	[smem:$0x3FB3] =	sst s6  }
0xf: {  	[smem:$0x3FB4] =	sst s7  }
0x10: {  	[smem:$0x3FB5] =	sst s8  }
0x11: {  	[smem:$0x3FB6] =	sst s9;
	s0 =	simm.s32 @!p0 $0x0  }
0x12: {  	s1 =	sld [smem:$0x3F9C];
	s0 =	simm.s32 @p0 $0x1  }
0x13: {  	[smem:$0x3FB7] =	sst s0;
	s0 =	simm.s32 @!p1 $0x0  }
0x14: {  	s2 =	sld [smem:$0x3F9B];
	s0 =	simm.s32 @p1 $0x1  }
0x15: {  	[smem:$0x3FB8] =	sst s0;
	s0 =	simm.s32 @!p2 $0x0  }
0x16: {  	s3 =	sld [smem:$0x3FDB];
	s0 =	simm.s32 @p2 $0x1  }
0x17: {  	s4 =	simm.s32 $0x1BF5;
	[smem:$0x3FBA] =	sst s0  }
0x18: {  	s0 =	sld [smem:$0x3F9D];
	_ =	swait.ge [sflag:s4], $0x0  }
0x19: {  	s7 =	sld [smem:$0x3F9E]  }
0x1a: {  	s8 =	sadd.s32 $0xFFFFE003, lr  }
0x1b: {  	s9 =	sadd.s32 $0xFFFFFEF7, lr;
	s5 =	simm.s32 $0xFFFFFFFF;
	p2 =	slt.u32 s8, $0xFFFFF086  }
0x1c: {  	p1 =	slt.u32 s9, $0xF7A;
	s5 =	simm.s32 @!p2 $0x0  }
0x1d: {  	s5 =	simm.s32 @p1 $0x1;
	p0 =	seq.s32 s7, s2  }
0x1e: {  	s7 =	smul.u32 @!p0 $0xF7A, s2;
	p2 =	seq.s32 @!p0 s5, $0x0  }
0x1f: {  	s9 =	smul.u32 $0xF7A, s1;
	s8 =	simm.s32 @!p0 $0x1BF5;
	p2 =	por !p2, p0  }
0x20: {  	[sflag:s8] =	ssyncset.s32 @!p0 $0xFFFFF086;
	s6 =	sadd.s32 @!p0 s3, s7;
	s7 =	simm.s32 @!p0 $0x108  }
0x21: {  	s3 =	sadd.s32 s3, s9;
	s6 =	sadd.s32 @!p0 $0x88, s6;
	s7 =	simm.s32 @p2 $0x1082  }
0x22: {  	[simem:s7], [sflag:s8] =	dma.local @!p0 [hbm:s6], $0xF7A  }
0x23: {  	s9 =	sor.u32 $0xD0000000, s2;
	s6 =	simm.s32 $0x108;
	_ =	swait.ge @!p0 [sflag:s8], $0x0  }
0x24: {  	s3 =	sadd.s32 $0x88, s3;
	s6 =	simm.s32 @!p1 $0x1082;
	[sflag:s4] =	ssyncset.s32 $0xFFFFF086  }
0x25: {  	[simem:s6], [sflag:s4] =	dma.local [hbm:s3], $0xF7A  }
0x26: {  	[smem:$0x3F9E] =	sst s1;
	(tag) =	ssettag s2;
	_ =	strace s9  }
0x27: {  	s1 =	sld [smem:$0x3FAE]  }
0x28: {  	s2 =	sld [smem:$0x3FAF]  }
0x29: {  	s4 =	sld [smem:$0x3FB1]  }
0x2a: {  	p0 =	seq.s32 s5, $0x0;
	s5 =	sld [smem:$0x3FB2]  }
0x2b: {  	s6 =	sld [smem:$0x3FB3]  }
0x2c: {  	s7 =	sld [smem:$0x3FB4]  }
0x2d: {  	s3 =	simm.s32 $0x108;
	s8 =	sld [smem:$0x3FB5]  }
0x2e: {  	s3 =	simm.s32 @!p0 $0x1082;
	s9 =	sld [smem:$0x3FB6]  }
0x2f: {  	lr =	sadd.s32 s0, s3;
	s0 =	sld [smem:$0x3FAD]  }
0x30: {  	s3 =	sld [smem:$0x3FB0]  }
0x31: {  	[smem:$0x3FB9] =	sst s10  }
0x32: {  	s10 =	sld [smem:$0x3FB7];
	_ =	sdelay $0x3  }
0x33: {  	p0 =	seq.s32 s10, $0x1;
	s10 =	sld [smem:$0x3FB9];
	_ =	sdelay $0x3  }
0x34: {  	[smem:$0x3FB9] =	sst s10  }
0x35: {  	s10 =	sld [smem:$0x3FB8];
	_ =	sdelay $0x3  }
0x36: {  	p1 =	seq.s32 s10, $0x1;
	s10 =	sld [smem:$0x3FB9];
	_ =	sdelay $0x3  }
0x37: {  	[smem:$0x3FB9] =	sst s10  }
0x38: {  	s10 =	sld [smem:$0x3FBA]  }
0x39: {  	_ = 	snop;
	(pc) =	sbr.ind lr, $3  }
0x3a: {  	_ = 	snop  }
0x3b: {  	_ = 	snop  }
0x3c: {  	p2 =	seq.s32 s10, $0x1;
	s10 =	sld [smem:$0x3FB9]  }
0x3d: {  	_ =	shalt  }
0x3e: {  	_ =	shalt  }
0x3f: {  	_ =	shalt  }
0x40: {  	_ =	shalt  }
0x41: {  	_ =	shalt  }
0x42: {  	_ =	shalt  }
0x43: {  	_ =	shalt  }
0x44: {  	_ =	shalt  }
0x45: {  	_ =	shalt  }
0x46: {  	_ =	shalt  }
0x47: {  	_ =	shalt  }
0x48: {  	_ =	shalt  }
0x49: {  	_ =	shalt  }
0x4a: {  	_ =	shalt  }
0x4b: {  	_ =	shalt  }
0x4c: {  	_ =	shalt  }
0x4d: {  	_ =	shalt  }
0x4e: {  	_ =	shalt  }
0x4f: {  	_ =	shalt  }
0x50: {  	_ =	shalt  }
0x51: {  	_ =	shalt  }
0x52: {  	_ =	shalt  }
0x53: {  	_ =	shalt  }
0x54: {  	_ =	shalt  }
0x55: {  	_ =	shalt  }
0x56: {  	_ =	shalt  }
0x57: {  	_ =	shalt  }
0x58: {  	_ =	shalt  }
0x59: {  	_ =	shalt  }
0x5a: {  	_ =	shalt  }
0x5b: {  	_ =	shalt  }
0x5c: {  	_ =	shalt  }
0x5d: {  	_ =	shalt  }
0x5e: {  	_ =	shalt  }
0x5f: {  	_ =	shalt  }
0x60: {  	_ =	shalt  }
0x61: {  	_ =	shalt  }
0x62: {  	_ =	shalt  }
0x63: {  	_ =	shalt  }
0x64: {  	_ =	shalt  }
0x65: {  	_ =	shalt  }
0x66: {  	_ =	shalt  }
0x67: {  	_ =	shalt  }
0x68: {  	_ =	shalt  }
0x69: {  	_ =	shalt  }
0x6a: {  	_ =	shalt  }
0x6b: {  	_ =	shalt  }
0x6c: {  	_ =	shalt  }
0x6d: {  	_ =	shalt  }
0x6e: {  	_ =	shalt  }
0x6f: {  	_ =	shalt  }
0x70: {  	_ =	shalt  }
0x71: {  	_ =	shalt  }
0x72: {  	_ =	shalt  }
0x73: {  	_ =	shalt  }
0x74: {  	_ =	shalt  }
0x75: {  	_ =	shalt  }
0x76: {  	_ =	shalt  }
0x77: {  	_ =	shalt  }
0x78: {  	_ =	shalt  }
0x79: {  	_ =	shalt  }
0x7a: {  	_ =	shalt  }
0x7b: {  	_ =	shalt  }
0x7c: {  	_ =	shalt  }
0x7d: {  	_ =	shalt  }
0x7e: {  	_ =	shalt  }
0x7f: {  	_ =	shalt  }
0x80: {  	_ =	shalt  }
0x81: {  	_ =	shalt  }
0x82: {  	_ =	shalt  }
0x83: {  	_ =	shalt  }
0x84: {  	_ =	shalt  }
0x85: {  	_ =	shalt  }
0x86: {  	_ =	shalt  }
0x87: {  	_ =	shalt  }
.Lfunc_end0:
.L_simem_size_0:
called_computation.1_lowered:
.L_overlay_start_0:
0x88: {  	s2 =	sld [smem:$0x3FD9]  }
0x89: {  	s3 =	sld [smem:$0x3FFE];
	_ =	sdelay $0x1  }
0x8a: {  	s1 =	srdreg.scid  }
0x8b: {  	s0 =	sand.u32 $0x1, s1  }
0x8c: {  	s17 =	sshll.u32 s0, $0xA;
	s2 =	sadd.s32 s3, s2  }
0x8d: {  	s2 =	sadd.s32 s2, s17  }
0x8e: {  	[smem:$0x3FC5] =	sst s2  }
0x8f: {  	_ = 	snop  }
0x90: {  	s2 =	sld [smem:$0x3FC9]  }
0x91: {  	s18 =	sld [smem:$0x3FD0];
	(tm) =	ssettm $0x1  }
0x92: {  	s4 =	sld [smem:$0x3FFB];
	_ =	sdelay $0x3  }
0x93: {  	_ =	strace s4  }
0x94: {  	s4 =	sld [smem:$0x3FFC];
	_ =	sdelay $0x3  }
0x95: {  	_ =	strace s4  }
0x96: {  	s4 =	sld [smem:$0x3FFD];
	_ =	sdelay $0x3  }
0x97: {  	_ =	strace s4  }
0x98: {  	_ =	strace $0x8FFFFFFF  }
0x99: {  	s19 =	sld [smem:$0x3FDB];
	_ =	sdelay $0x1  }
0x9a: {  	s5 =	simm.s32 $_scs_section_size  }
0x9b: {  	s6 =	simm.s32 $_size__tile_overlayer_lowered;
	s7 =	simm.s32 $_tile_overlayer_lowered  }
0x9c: {  	s22 =	simm.s32 $0x1BFF;
	s21 =	sshll.u32 s7, $0x1;
	s4 =	sadd.s32 s5, s19  }
0x9d: {  	s8 =	simm.s32 $0x0;
	s20 =	sshll.u32 s6, $0x1;
	s6 =	sadd.s32 s21, s4  }
0x9e: {  	[timem:s8], [sflag:s22] =	dma.local [hbm:s6], s20  }
0x9f: {  	_ =	swait.ge [sflag:s22], s20  }
0xa0: {  	s5 =	ssub.s32 $0x0, s20;
	[sflag:s22] =	ssyncset.done $0x0  }
0xa1: {  	[sflag:s22] =	ssyncadd.s32 s5;
	_ =	sdelay $0x1  }
0xa2: {  	s23 =	simm.s32 $0x1B8B  }
0xa3: {  	_ =	swait.ge [sflag:s23], $0x1  }
0xa4: {  	[sflag:s23] =	ssyncset.done $0x0  }
0xa5: {  	s25 =	simm.s32 $0x1B8E;
	s24 =	sld [smem:$0x3FFE];
	[sflag:s23] =	ssyncadd.s32 $0xFFFFFFFF  }
0xa6: {  	s26 =	simm.s32 $execute0_lowered;
	[smem:$0x3FD2] =	sst s25  }
0xa7: {  	s6 =	sshll.u32 s26, $0x1;
	_ =	strace $0x80000049;
	[dreg:$0x1] =	wrdreg $0xFFFFFFFF  }
0xa8: {  	s28 =	simm.s32 $_size_execute0_lowered;
	s4 =	sadd.s32 s4, s6;
	[dreg:$0x0] =	wrdreg $0x0  }
0xa9: {  	s6 =	sshll.u32 s28, $0x1;
	[dreg:$0x2] =	wrdreg s4  }
0xaa: {  	[dreg:$0x3] =	wrdreg s6  }
0xab: {  	[dreg:$0x4] =	wrdreg $0xC0  }
0xac: {  	_ =	task [dreg:s8], $0x5FFFF  }
0xad: {  	[dreg:$0x1] =	wrdreg $0xFFFFFFFF  }
0xae: {  	[dreg:$0x0] =	wrdreg $0x60  }
0xaf: {  	[dreg:$0x2] =	wrdreg s24  }
0xb0: {  	[dreg:$0x3] =	wrdreg s2  }
0xb1: {  	[dreg:$0x4] =	wrdreg s18  }
0xb2: {  	[dreg:$0x5] =	wrdreg $0x9  }
0xb3: {  	_ =	task.clear_ibuf [dreg:s8], $0x6FFFF;
	_ =	strace $0x90000049  }
0xb4: {  	s29 =	simm.s32 $0x9;
	_ =	strace $0x8000004B  }
0xb5: {  	_ =	swait.ge [sflag:s29], $0x1  }
0xb6: {  	[sflag:s29] =	ssyncadd.s32 $0xFFFFFFFF  }
0xb7: {  	_ =	strace $0x9000004B  }
0xb8: {  	_ =	sfence  }
0xb9: {  	s30 =	sld [smem:$0x0];
	_ =	sdelay $0x2  }
0xba: {  	s31 =	sshll.u32 s1, $0xD;
	s1 =	sshrl.u32 s1, $0x2  }
0xbb: {  	s3 =	sand.u32 $0x4000, s31;
	s1 =	sadd.s32 s1, s30  }
0xbc: {  	s0 =	sor.u32 s3, s0;
	s1 =	sshll.u32 s1, $0x11  }
0xbd: {  	s0 =	sor.u32 s1, s0  }
0xbe: {  	s0 =	sadd.s32 $0x8F2B, s0  }
0xbf: {  	[sflag:s0] =	ssyncadd.remote.s32 $0x1  }
0xc0: {  	_ =	sfence.sel $0xFFFF  }
0xc1: {  	[dreg:$0x0] =	wrdreg $0xFFFFFFFF;
	(pc) =	sbr.abs _section_cstart, $3  }
0xc2: {  	[dreg:$0x1] =	wrdreg $0xFFFFFFFF  }
0xc3: {  	_ =	task.clear_ibuf [dreg:s8], $0x2FFFF;
	_ =	strace $0x9FFFFFFF  }
0xc4: {  	(tm) =	ssettm $0x7FFFFFFF  }
0xc5: {  	_ =	shalt  }
tec
execute0_lowered:
.L_overlay_start_1:
0x0: {  	(tag) =	ssettag $0x1  }
0x1: {  	s0 =	rddreg [dreg:$0x0]  }
0x2: {  	s1 =	rddreg [dreg:$0x1]  }
0x3: {  	s5 =	rddreg [dreg:$0x2];
	s3 =	srdreg.scid  }
0x4: {  	s4 =	stileid.u32;
	s2 =	simm.s32 $0x0;
	s22 =	simm.s32 $0x1  }
0x5: {  	s23 =	simm.s32 $0x2;
	s28 =	simm.s32 $0x9000;
	s29 =	simm.s32 $0x9800  }
0x6: {  	s30 =	simm.s32 $0xA000;
	s31 =	simm.s32 $0xA800;
	s14 =	simm.s32 $0x3  }
0x7: {  	s15 =	simm.s32 $0x0;
	s3 =	sand.u32 $0x1, s3;
	s4 =	sshll.u32 s4, $0x1  }
0x8: {  	[smem:$0x7FF] =	sst s2;
	s4 =	sor.u32 s3, s4;
	s3 =	ssub.s32 $0x2, s3  }
0x9: {  	_ =	strace $0x8000004A;
	s6 =	sshll.u32 s4, $0xB;
	s26 =	sshrl.u32 s3, $0x1  }
0xa: {  	v0 =	vlaneseq.u32;
	s7 =	sshll.u32 s4, $0x7;
	s0 =	sadd.s32 s6, s0;
	s6 =	ssub.s32 s3, s26  }
0xb: {  	v0 =	vmul.u32 $0x80, v0;
	s4 =	sadd.s32 s1, s7;
	s5 =	sadd.s32 s5, s7;
	s26 =	simm.s32 $0x8800  }
0xc: {  	s1 =	simm.s32 $0xB800;
	s3 =	sadd.s32 $0x800, s0;
	s6 =	smax.u32 s6, $0x1  }
0xd: {  	v1 =	vor.u32 $0x800, v0;
	s7 =	sadd.s32 $0x1000, s4;
	s8 =	sadd.s32 $0x2000, s4;
	s9 =	sadd.s32 $0x3000, s4  }
0xe: {  	v2 =	vor.u32 $0x1000, v0;
	v3 =	vor.u32 $0x1800, v0;
	v4 =	vor.u32 $0x2000, v0;
	s10 =	sadd.s32 $0x4000, s4;
	s11 =	sadd.s32 $0x5000, s4;
	s12 =	sadd.s32 $0x6000, s4  }
0xf: {  	v5 =	vor.u32 $0x2800, v0;
	v6 =	vor.u32 $0x3000, v0;
	v7 =	vor.u32 $0x3800, v0;
	s13 =	sadd.s32 $0x7000, s4;
	s25 =	sadd.s32 $0x1000, s5;
	s0 =	simm.s32 $0xB000  }
.LBB2_1:
0x10: {  	[tilespmem:s2], [sflag:$0x1] =	stream.linear.gather [hbm4b:s3+s2], $0x4000, $0x38;
	[tilespmem:$0xC000] =	vst v63  }
0x11: {  	s16 =	simm.s32 $0x4000  }
0x12: {  	[tilespmem:s16], [sflag:$0x2] =	stream.linear.gather [hbm4b:s4+s2], $0x400, $0x38;
	[tilespmem:$0xC000] =	vst v63  }
0x13: {  	s21 =	simm.s32 $0x4800  }
0x14: {  	[tilespmem:s21], [sflag:$0x2] =	stream.linear.gather [hbm4b:s7+s2], $0x400, $0x38;
	[tilespmem:$0xC000] =	vst v63  }
0x15: {  	s24 =	simm.s32 $0x5000  }
0x16: {  	[tilespmem:s24], [sflag:$0x2] =	stream.linear.gather [hbm4b:s8+s2], $0x400, $0x38;
	[tilespmem:$0xC000] =	vst v63  }
0x17: {  	s17 =	simm.s32 $0x5800  }
0x18: {  	[tilespmem:s17], [sflag:$0x2] =	stream.linear.gather [hbm4b:s9+s2], $0x400, $0x38;
	[tilespmem:$0xC000] =	vst v63  }
0x19: {  	s18 =	simm.s32 $0x6000  }
0x1a: {  	[tilespmem:s18], [sflag:$0x2] =	stream.linear.gather [hbm4b:s10+s2], $0x400, $0x38;
	[tilespmem:$0xC000] =	vst v63  }
0x1b: {  	s19 =	simm.s32 $0x6800  }
0x1c: {  	[tilespmem:s19], [sflag:$0x2] =	stream.linear.gather [hbm4b:s11+s2], $0x400, $0x38;
	[tilespmem:$0xC000] =	vst v63  }
0x1d: {  	s20 =	simm.s32 $0x7000  }
0x1e: {  	[tilespmem:s20], [sflag:$0x2] =	stream.linear.gather [hbm4b:s12+s2], $0x400, $0x38;
	[tilespmem:$0xC000] =	vst v63  }
0x1f: {  	s21 =	simm.s32 $0x7800  }
0x20: {  	[tilespmem:s21], [sflag:$0x2] =	stream.linear.gather [hbm4b:s13+s2], $0x400, $0x38;
	[tilespmem:$0xC000] =	vst v63  }
0x21: {  	_ =	swait.ge [sflag:s22], $0x4000  }
0x22: {  	v8 =	vor.u32 s2, v0;
	[sflag:s22] =	ssyncset.done $0x0  }
0x23: {  	[sflag:s22] =	ssyncadd.s32 $0xFFFFC000  }
0x24: {  	_ =	swait.ge [sflag:s23], $0x2000  }
0x25: {  	[sflag:s23] =	ssyncset.done $0x0  }
0x26: {  	s24 =	sand.u32 $0x3800, s2;
	s17 =	sand.u32 $0x380, s2;
	[sflag:s23] =	ssyncadd.s32 $0xFFFFE000  }
0x27: {  	s17 =	sor.u32 s17, s24;
	v8 =	vld.idx.msk [tilespmem:v8+s2+$0x0], $0xffff  }
0x28: {  	v9 =	vld [tilespmem:s17+$0x4000];
	_ =	sdelay $0x2  }
0x29: {  	v10 =	vor.u32 s2, v1;
	_ =	sdelay $0x1  }
0x2a: {  	v8 =	vadd.f32 v9, v8;
	_ =	sdelay $0x1  }
0x2b: {  	v9 =	vld [tilespmem:s17+$0x4010];
	[tilespmem:s17+$0x8000] =	vst v8  }
0x2c: {  	v8 =	vld.idx.msk [tilespmem:v10+s2+$0x0], $0xffff;
	_ =	sdelay $0x2  }
0x2d: {  	v10 =	vor.u32 s2, v2;
	_ =	sdelay $0x1  }
0x2e: {  	v8 =	vadd.f32 v9, v8;
	_ =	sdelay $0x1  }
0x2f: {  	v9 =	vld [tilespmem:s17+$0x4020];
	[tilespmem:s17+$0x8010] =	vst v8  }
0x30: {  	v8 =	vld.idx.msk [tilespmem:v10+s2+$0x0], $0xffff;
	_ =	sdelay $0x2  }
0x31: {  	v10 =	vor.u32 s2, v3;
	_ =	sdelay $0x1  }
0x32: {  	v8 =	vadd.f32 v9, v8;
	_ =	sdelay $0x1  }
0x33: {  	v9 =	vld [tilespmem:s17+$0x4030];
	[tilespmem:s17+$0x8020] =	vst v8  }
0x34: {  	v8 =	vld.idx.msk [tilespmem:v10+s2+$0x0], $0xffff;
	_ =	sdelay $0x2  }
0x35: {  	v10 =	vor.u32 s2, v4;
	_ =	sdelay $0x1  }
0x36: {  	v8 =	vadd.f32 v9, v8;
	_ =	sdelay $0x1  }
0x37: {  	v9 =	vld [tilespmem:s17+$0x4040];
	[tilespmem:s17+$0x8030] =	vst v8  }
0x38: {  	v8 =	vld.idx.msk [tilespmem:v10+s2+$0x0], $0xffff;
	_ =	sdelay $0x2  }
0x39: {  	v10 =	vor.u32 s2, v5;
	_ =	sdelay $0x1  }
0x3a: {  	v8 =	vadd.f32 v9, v8;
	_ =	sdelay $0x1  }
0x3b: {  	v9 =	vld [tilespmem:s17+$0x4050];
	[tilespmem:s17+$0x8040] =	vst v8  }
0x3c: {  	v8 =	vld.idx.msk [tilespmem:v10+s2+$0x0], $0xffff;
	_ =	sdelay $0x2  }
0x3d: {  	v10 =	vor.u32 s2, v6;
	_ =	sdelay $0x1  }
0x3e: {  	v8 =	vadd.f32 v9, v8;
	_ =	sdelay $0x1  }
0x3f: {  	v9 =	vld [tilespmem:s17+$0x4060];
	[tilespmem:s17+$0x8050] =	vst v8  }
0x40: {  	v8 =	vld.idx.msk [tilespmem:v10+s2+$0x0], $0xffff;
	_ =	sdelay $0x2  }
0x41: {  	v10 =	vor.u32 s2, v7;
	_ =	sdelay $0x1  }
0x42: {  	v8 =	vadd.f32 v9, v8;
	_ =	sdelay $0x1  }
0x43: {  	[tilespmem:s17+$0x8060] =	vst v8  }
0x44: {  	v9 =	vld.idx.msk [tilespmem:v10+s2+$0x0], $0xffff  }
0x45: {  	v10 =	vld [tilespmem:s17+$0x4070];
	_ =	sdelay $0x1  }
0x46: {  	s16 =	simm.s32 $0x1  }
0x47: {  	s18 =	simm.s32 $0x0;
	s19 =	simm.s32 $0x0;
	s20 =	simm.s32 $0x2;
	v8 =	vor.u32 s16, v0  }
.LBB2_2:
0x48: {  	p0 =	sne.s32 s20, $0x3F  }
0x49: {  	v9 =	vadd.f32 v10, v9  }
0x4a: {  	s18 =	sadd.s32 $0x80, s18;
	s19 =	sadd.s32 $0x100, s19  }
0x4b: {  	s21 =	sand.u32 $0x3800, s19;
	s24 =	sand.u32 $0x380, s18;
	[tilespmem:s17+$0x8070] =	vst v9  }
0x4c: {  	s17 =	sor.u32 s24, s21;
	v8 =	vld.idx.msk [tilespmem:v8+s2+$0x0], $0xffff  }
0x4d: {  	v9 =	vld [tilespmem:s17+$0x4000];
	_ =	sdelay $0x2  }
0x4e: {  	v10 =	vor.u32 s16, v1;
	_ =	sdelay $0x1  }
0x4f: {  	v8 =	vadd.f32 v9, v8;
	_ =	sdelay $0x1  }
0x50: {  	[tilespmem:s17+$0x8000] =	vst v8  }
0x51: {  	v8 =	vld.idx.msk [tilespmem:v10+s2+$0x0], $0xffff  }
0x52: {  	v9 =	vld [tilespmem:s17+$0x4010];
	_ =	sdelay $0x2  }
0x53: {  	v10 =	vor.u32 s16, v2;
	_ =	sdelay $0x1  }
0x54: {  	v8 =	vadd.f32 v9, v8;
	_ =	sdelay $0x1  }
0x55: {  	[tilespmem:s17+$0x8010] =	vst v8  }
0x56: {  	v8 =	vld.idx.msk [tilespmem:v10+s2+$0x0], $0xffff  }
0x57: {  	v9 =	vld [tilespmem:s17+$0x4020];
	_ =	sdelay $0x2  }
0x58: {  	v10 =	vor.u32 s16, v3;
	_ =	sdelay $0x1  }
0x59: {  	v8 =	vadd.f32 v9, v8;
	_ =	sdelay $0x1  }
0x5a: {  	[tilespmem:s17+$0x8020] =	vst v8  }
0x5b: {  	v8 =	vld.idx.msk [tilespmem:v10+s2+$0x0], $0xffff  }
0x5c: {  	v9 =	vld [tilespmem:s17+$0x4030];
	_ =	sdelay $0x2  }
0x5d: {  	v10 =	vor.u32 s16, v4;
	_ =	sdelay $0x1  }
0x5e: {  	v8 =	vadd.f32 v9, v8;
	_ =	sdelay $0x1  }
0x5f: {  	[tilespmem:s17+$0x8030] =	vst v8  }
0x60: {  	v8 =	vld.idx.msk [tilespmem:v10+s2+$0x0], $0xffff  }
0x61: {  	v9 =	vld [tilespmem:s17+$0x4040];
	_ =	sdelay $0x2  }
0x62: {  	v10 =	vor.u32 s16, v5;
	_ =	sdelay $0x1  }
0x63: {  	v8 =	vadd.f32 v9, v8;
	_ =	sdelay $0x1  }
0x64: {  	[tilespmem:s17+$0x8040] =	vst v8  }
0x65: {  	v8 =	vld.idx.msk [tilespmem:v10+s2+$0x0], $0xffff  }
0x66: {  	v9 =	vld [tilespmem:s17+$0x4050];
	_ =	sdelay $0x2  }
0x67: {  	v10 =	vor.u32 s16, v6;
	_ =	sdelay $0x1  }
0x68: {  	v8 =	vadd.f32 v9, v8;
	_ =	sdelay $0x1  }
0x69: {  	[tilespmem:s17+$0x8050] =	vst v8  }
0x6a: {  	v8 =	vld.idx.msk [tilespmem:v10+s2+$0x0], $0xffff  }
0x6b: {  	v9 =	vld [tilespmem:s17+$0x4060];
	_ =	sdelay $0x2  }
0x6c: {  	v10 =	vor.u32 s16, v7;
	s16 =	smov.u32 s20;
	_ =	sdelay $0x1  }
0x6d: {  	v8 =	vadd.f32 v9, v8;
	_ =	sdelay $0x1  }
0x6e: {  	[tilespmem:s17+$0x8060] =	vst v8  }
.Ltmp0:
0x6f: {  	v9 =	vld.idx.msk [tilespmem:v10+s2+$0x0], $0xffff;
	(pc) =	sbr.rel @p0 .LBB2_2-.Ltmp0, $2  }
0x70: {  	v10 =	vld [tilespmem:s17+$0x4070];
	_ =	sdelay $0x2  }
0x71: {  	s20 =	sadd.s32 $0x1, s20;
	v8 =	vor.u32 s16, v0  }
0x72: {  	_ = 	snop  }
0x73: {  	v9 =	vadd.f32 v10, v9  }
0x74: {  	s18 =	sadd.s32 $0x80, s18;
	s19 =	sadd.s32 $0x100, s19  }
0x75: {  	s19 =	sand.u32 $0x3800, s19;
	s18 =	sand.u32 $0x380, s18;
	[tilespmem:s17+$0x8070] =	vst v9  }
0x76: {  	s21 =	sor.u32 s18, s19;
	v8 =	vld.idx.msk [tilespmem:v8+s2+$0x0], $0xffff  }
0x77: {  	v9 =	vld [tilespmem:s21+$0x4000];
	_ =	sdelay $0x2  }
0x78: {  	v50 =	vor.u32 s16, v1;
	_ =	sdelay $0x1  }
0x79: {  	v8 =	vadd.f32 v9, v8;
	_ =	sdelay $0x1  }
0x7a: {  	v51 =	vld [tilespmem:s21+$0x4010];
	[tilespmem:s21+$0x8000] =	vst v8  }
0x7b: {  	v8 =	vld.idx.msk [tilespmem:v50+s2+$0x0], $0xffff;
	_ =	sdelay $0x2  }
0x7c: {  	v52 =	vor.u32 s16, v2;
	_ =	sdelay $0x1  }
0x7d: {  	v8 =	vadd.f32 v51, v8;
	_ =	sdelay $0x1  }
0x7e: {  	v53 =	vld [tilespmem:s21+$0x4020];
	[tilespmem:s21+$0x8010] =	vst v8  }
0x7f: {  	v8 =	vld.idx.msk [tilespmem:v52+s2+$0x0], $0xffff;
	_ =	sdelay $0x2  }
0x80: {  	v54 =	vor.u32 s16, v3;
	_ =	sdelay $0x1  }
0x81: {  	v8 =	vadd.f32 v53, v8;
	_ =	sdelay $0x1  }
0x82: {  	v55 =	vld [tilespmem:s21+$0x4030];
	[tilespmem:s21+$0x8020] =	vst v8  }
0x83: {  	v8 =	vld.idx.msk [tilespmem:v54+s2+$0x0], $0xffff;
	_ =	sdelay $0x2  }
0x84: {  	v56 =	vor.u32 s16, v4;
	_ =	sdelay $0x1  }
0x85: {  	v8 =	vadd.f32 v55, v8;
	_ =	sdelay $0x1  }
0x86: {  	v57 =	vld [tilespmem:s21+$0x4040];
	[tilespmem:s21+$0x8030] =	vst v8  }
0x87: {  	v8 =	vld.idx.msk [tilespmem:v56+s2+$0x0], $0xffff;
	_ =	sdelay $0x2  }
0x88: {  	v58 =	vor.u32 s16, v5;
	_ =	sdelay $0x1  }
0x89: {  	v8 =	vadd.f32 v57, v8;
	_ =	sdelay $0x1  }
0x8a: {  	v59 =	vld [tilespmem:s21+$0x4050];
	[tilespmem:s21+$0x8040] =	vst v8  }
0x8b: {  	v8 =	vld.idx.msk [tilespmem:v58+s2+$0x0], $0xffff;
	_ =	sdelay $0x2  }
0x8c: {  	v60 =	vor.u32 s16, v6;
	_ =	sdelay $0x1  }
0x8d: {  	v8 =	vadd.f32 v59, v8;
	_ =	sdelay $0x1  }
0x8e: {  	v61 =	vld [tilespmem:s21+$0x4060];
	[tilespmem:s21+$0x8050] =	vst v8  }
0x8f: {  	v8 =	vld.idx.msk [tilespmem:v60+s2+$0x0], $0xffff;
	_ =	sdelay $0x2  }
0x90: {  	v62 =	vor.u32 s16, v7;
	_ =	sdelay $0x1  }
0x91: {  	v8 =	vadd.f32 v61, v8;
	_ =	sdelay $0x1  }
0x92: {  	v63 =	vld [tilespmem:s21+$0x4070];
	[tilespmem:s21+$0x8060] =	vst v8  }
0x93: {  	v8 =	vld.idx.msk [tilespmem:v62+s2+$0x0], $0xffff;
	_ =	sdelay $0x4  }
0x94: {  	v8 =	vadd.f32 v63, v8;
	_ =	sdelay $0x1  }
0x95: {  	s24 =	simm.s32 $0x8000;
	[tilespmem:s21+$0x8070] =	vst v8  }
0x96: {  	[hbm4b:s5+s2] =	stream.linear.scatter [tilespmem:s24], [sflag:$0x3], $0x400, $0x38;
	[tilespmem:$0xC000] =	vst v63  }
0x97: {  	_ = 	snop  }
0x98: {  	[hbm4b:s25+s2] =	stream.linear.scatter [tilespmem:s26], [sflag:$0x3], $0x400, $0x38;
	[tilespmem:$0xC000] =	vst v63  }
0x99: {  	s17 =	sadd.s32 $0x2000, s5  }
0x9a: {  	[hbm4b:s17+s2] =	stream.linear.scatter [tilespmem:s28], [sflag:$0x3], $0x400, $0x38;
	[tilespmem:$0xC000] =	vst v63  }
0x9b: {  	s18 =	sadd.s32 $0x3000, s5  }
0x9c: {  	[hbm4b:s18+s2] =	stream.linear.scatter [tilespmem:s29], [sflag:$0x3], $0x400, $0x38;
	[tilespmem:$0xC000] =	vst v63  }
0x9d: {  	s19 =	sadd.s32 $0x4000, s5  }
0x9e: {  	[hbm4b:s19+s2] =	stream.linear.scatter [tilespmem:s30], [sflag:$0x3], $0x400, $0x38;
	[tilespmem:$0xC000] =	vst v63  }
0x9f: {  	s20 =	sadd.s32 $0x5000, s5;
	s15 =	sadd.s32 $0x1, s15  }
0xa0: {  	[hbm4b:s20+s2] =	stream.linear.scatter [tilespmem:s31], [sflag:$0x3], $0x400, $0x38;
	[tilespmem:$0xC000] =	vst v63  }
0xa1: {  	p0 =	sne.s32 s15, s6;
	s21 =	sadd.s32 $0x6000, s5  }
0xa2: {  	[hbm4b:s21+s2] =	stream.linear.scatter [tilespmem:s0], [sflag:$0x3], $0x400, $0x38;
	[tilespmem:$0xC000] =	vst v63  }
.Ltmp1:
0xa3: {  	s24 =	sadd.s32 $0x7000, s5;
	(pc) =	sbr.rel @p0 .LBB2_1-.Ltmp1, $4  }
0xa4: {  	[hbm4b:s24+s2] =	stream.linear.scatter [tilespmem:s1], [sflag:$0x3], $0x400, $0x38;
	[tilespmem:$0xC000] =	vst v63  }
0xa5: {  	_ =	swait.ge [sflag:s14], $0x2000  }
0xa6: {  	[sflag:s14] =	ssyncset.done $0x0  }
0xa7: {  	[sflag:s14] =	ssyncadd.s32 $0xFFFFE000  }
0xa8: {  	_ =	sfence.sel $0x180000  }
0xa9: {  	[bflag:$0x0] =	sbarrier.arrive $0xFFFF  }
0xaa: {  	_ =	strace $0x9000004A  }
0xab: {  	s0 =	stileid.u32;
	[bflag:$0x2] =	sbarrier.arrive $0xFFFF  }
0xac: {  	p0 =	sne.s32 s0, $0x0;
	s0 =	rddreg [dreg:$0x3]  }
0xad: {  	s0 =	sadd.s32 @!p0 $0x100000, s0  }
0xae: {  	[sflag:s0] =	ssyncadd.tile.s32 @!p0 $0x1;
	_ =	shalt  }
.Lfunc_end2:
_tile_overlayer_lowered:
.L_overlay_start_2:
0xaf: {  	(tag) =	ssettag $0x2  }
0xb0: {  	s0 =	rddreg [dreg:$0x0];
	s2 =	stileid.u32  }
0xb1: {  	s1 =	rddreg [dreg:$0x1];
	p0 =	sne.s32 s2, $0x0  }
0xb2: {  	s3 =	rddreg [dreg:$0x2];
	[bflag:$0x3] =	sbarrier.arrive $0xFFFF;
	s2 =	simm.s32 @!p0 $0x1C03  }
0xb3: {  	[timem:s3], [sflag:s2] =	dma.local @!p0 [hbm:s0], s1  }
0xb4: {  	s0 =	simm.s32 @!p0 $0x3  }
0xb5: {  	_ =	swait.ge @!p0 [sflag:s0], s1  }
0xb6: {  	s1 =	ssub.s32 @!p0 $0x0, s1;
	[sflag:s0] =	ssyncset.done @!p0 $0x0  }
0xb7: {  	[sflag:s0] =	ssyncadd.s32 @!p0 s1  }
0xb8: {  	[bflag:$0x3] =	sbarrier.arrive $0xFFFF  }
0xb9: {  	_ =	shalt  }

</sc_bundles>
